<compile_context>
chip_gen: v7x
topology: tpu7x:2x2x1
jax: 0.10.2.dev20260603
libtpu: 0.0.44.dev20260713+nightly
codegen_flags: <defaults>
</compile_context>

<pallas_src>
import functools

import jax

jax.config.update("jax_default_matmul_precision", "highest")

import jax.numpy as jnp
from jax import lax
from jax.experimental import pallas as pl
from jax.experimental.pallas import tpu as pltpu
from jax.experimental.pallas import tpu_sc as plsc

B, T, D, O, C = 4, 2048, 1024, 2048, 20
K_EASY = T // 5
K_HARD = T // 20
CPAD = 128
TILE = 256
SEG = (0, 512, 1024, 1152)
NIDX = 1280
NW = 32
ROWS_W = B * NIDX // NW
CH = 16


def _conv_body(xp_ref, xc_ref, xn_ref, a0_ref, a1_ref, a2_ref, b1_ref,
               w2_ref, emb_ref, cas_ref):
    i = pl.program_id(0)
    xc = xc_ref[...]
    row = lax.broadcasted_iota(jnp.int32, (TILE, 1), 0)
    xm = jnp.concatenate(
        [lax.slice(xp_ref[...], (TILE - 1, 0), (TILE, D)),
         lax.slice(xc, (0, 0), (TILE - 1, D))], axis=0)
    first = jnp.logical_and(lax.rem(i, T // TILE) == 0, row == 0)
    xm = jnp.where(first, 0.0, xm)
    xp1 = jnp.concatenate(
        [lax.slice(xc, (1, 0), (TILE, D)),
         lax.slice(xn_ref[...], (0, 0), (1, D))], axis=0)
    last = jnp.logical_and(lax.rem(i, T // TILE) == T // TILE - 1,
                           row == TILE - 1)
    xp1 = jnp.where(last, 0.0, xp1)
    hp = jax.lax.Precision.HIGHEST
    acc = jnp.dot(xm, a0_ref[...], precision=hp,
                  preferred_element_type=jnp.float32)
    acc += jnp.dot(xc, a1_ref[...], precision=hp,
                   preferred_element_type=jnp.float32)
    acc += jnp.dot(xp1, a2_ref[...], precision=hp,
                   preferred_element_type=jnp.float32)
    emb = jnp.maximum(acc + b1_ref[...], 0.0)
    emb_ref[...] = emb
    cas_ref[...] = jnp.maximum(
        jnp.dot(emb, w2_ref[...], precision=hp,
                preferred_element_type=jnp.float32), 0.0)


def _to_row(col):
    return jnp.transpose(jnp.broadcast_to(col, (T, CPAD)))[0:1, :]


def _shift(col, o):
    rolled = pltpu.roll(col, (-o) % T, axis=0)
    t = lax.broadcasted_iota(jnp.int32, (T, 1), 0)
    ok = jnp.logical_and(t + o >= 0, t + o < T)
    return jnp.where(ok, rolled, 0.0)


def _ranks(s_col, s_row):
    j_row = lax.broadcasted_iota(jnp.int32, (1, T), 1)
    chunks = []
    for c in range(T // 256):
        sc = lax.slice(s_col, (c * 256, 0), (c * 256 + 256, 1))
        ic = lax.broadcasted_iota(jnp.int32, (256, 1), 0) + c * 256
        gt = s_row > sc
        eqb = jnp.logical_and(s_row == sc, j_row < ic)
        hit = jnp.where(jnp.logical_or(gt, eqb), 1, 0)
        chunks.append(jnp.sum(hit, axis=1, keepdims=True))
    return jnp.concatenate(chunks, axis=0)


def _sel_idx(rank_col, kpad):
    r_row = lax.broadcasted_iota(jnp.int32, (1, kpad), 1)
    i_col = lax.broadcasted_iota(jnp.int32, (T, 1), 0)
    oh = rank_col == r_row
    picked = jnp.where(oh, jnp.broadcast_to(i_col, (T, kpad)), 0)
    return jnp.sum(picked, axis=0, keepdims=True)


def _mine_body(cas_ref, idx_ref, vs_ref, an_ref):
    b = pl.program_id(0)
    cas = cas_ref[...].reshape(T, CPAD)
    a_col = jnp.sum(cas, axis=1, keepdims=True)
    a_row = _to_row(a_col)
    an_ref[...] = a_row.reshape(1, 1, T)

    le_chunks = []
    for c in range(T // 256):
        ac = lax.slice(a_col, (c * 256, 0), (c * 256 + 256, 1))
        le = jnp.where(a_row <= ac, 1.0, 0.0)
        le_chunks.append(jnp.sum(le, axis=1, keepdims=True))
    cnt_le = jnp.concatenate(le_chunks, axis=0)
    big = jnp.float32(3.4e38)
    med1 = jnp.min(jnp.where(cnt_le >= T // 2, a_col, big))
    med2 = jnp.min(jnp.where(cnt_le >= T // 2 + 1, a_col, big))
    med = 0.5 * (med1 + med2)

    bin_col = jnp.where(a_col > med, 1.0, 0.0)
    sh = {o: _shift(bin_col, o) for o in range(-3, 4)}
    ero_m = jnp.minimum(jnp.minimum(sh[-1], sh[0]), sh[1])
    ero_M = ero_m
    for o in (-3, -2, 2):
        ero_M = jnp.minimum(ero_M, sh[o])
    dil_m = jnp.maximum(jnp.maximum(sh[-1], sh[0]), sh[1])
    dil_M = dil_m
    for o in (-2, 2, 3):
        dil_M = jnp.maximum(dil_M, sh[o])
    s3_col = a_col * (ero_m - ero_M)
    s4_col = a_col * (dil_M - dil_m)
    s2_col = jnp.max(a_col) - a_col

    base = b * T
    for s_col, kpad, off in ((a_col, 512, SEG[0]), (s2_col, 512, SEG[1]),
                             (s3_col, 128, SEG[2]), (s4_col, 128, SEG[3])):
        rk = _ranks(s_col, _to_row(s_col))
        idx_ref[:, :, off:off + kpad] = (_sel_idx(rk, kpad) + base
                                         ).reshape(1, 1, kpad)

    vi = lax.bitcast_convert_type(cas, jnp.int32)
    p = jnp.zeros((1, CPAD), jnp.int32)
    for bit in range(30, -1, -1):
        t = p | (1 << bit)
        cnt = jnp.sum(jnp.where(vi >= t, 1.0, 0.0), axis=0, keepdims=True)
        p = jnp.where(cnt >= float(K_EASY), t, p)
    kth = lax.bitcast_convert_type(p, jnp.float32)
    gt = vi > p
    s_gt = jnp.sum(jnp.where(gt, cas, 0.0), axis=0, keepdims=True)
    n_gt = jnp.sum(jnp.where(gt, 1.0, 0.0), axis=0, keepdims=True)
    mean = (s_gt + (float(K_EASY) - n_gt) * kth) / float(K_EASY)
    lane = lax.broadcasted_iota(jnp.int32, (1, CPAD), 1)
    valid = lane < C
    m = jnp.max(jnp.where(valid, mean, -big))
    e = jnp.where(valid, jnp.exp(mean - m), 0.0)
    vs_ref[...] = (e / jnp.sum(e)).reshape(1, 1, CPAD)


def _sc_gather(table, idx):
    mesh = plsc.VectorSubcoreMesh(core_axis_name="c", subcore_axis_name="s")

    @functools.partial(
        pl.kernel, mesh=mesh,
        out_type=jax.ShapeDtypeStruct((B * NIDX, O), jnp.float32),
        scratch_types=[
            pltpu.VMEM((ROWS_W,), jnp.int32),
            pltpu.VMEM((CH, O), jnp.float32),
            pltpu.SemaphoreType.DMA,
        ],
    )
    def gk(table_hbm, idx_hbm, out_hbm, idx_v, rows_v, sem):
        wid = lax.axis_index("s") * 2 + lax.axis_index("c")
        bs = wid * ROWS_W
        pltpu.sync_copy(idx_hbm.at[pl.ds(bs, ROWS_W)], idx_v)
        for c in range(ROWS_W // CH):
            pltpu.async_copy(
                table_hbm.at[idx_v.at[pl.ds(c * CH, CH)]], rows_v, sem
            ).wait()
            pltpu.sync_copy(rows_v, out_hbm.at[pl.ds(bs + c * CH, CH)])

    return gk(table, idx)


def kernel(x, W1, b1, W2):
    f32 = jnp.float32
    a0 = jnp.transpose(W1[:, :, 0])
    a1 = jnp.transpose(W1[:, :, 1])
    a2 = jnp.transpose(W1[:, :, 2])
    w2p = jnp.zeros((O, CPAD), f32).at[:, :C].set(jnp.transpose(W2[:, :, 0]))
    b1r = b1.reshape(1, O)
    xc = x.reshape(B * T, D)

    ntile = B * T // TILE
    full = lambda r, c: pl.BlockSpec((r, c), lambda i: (0, 0))
    row = pl.BlockSpec((TILE, D), lambda i: (i, 0))
    row_p = pl.BlockSpec((TILE, D), lambda i: (jnp.maximum(i - 1, 0), 0))
    row_n = pl.BlockSpec((TILE, D),
                         lambda i: (jnp.minimum(i + 1, ntile - 1), 0))
    emb, cas = pl.pallas_call(
        _conv_body,
        grid=(ntile,),
        in_specs=[row_p, row, row_n, full(D, O), full(D, O), full(D, O),
                  full(1, O), full(O, CPAD)],
        out_specs=[pl.BlockSpec((TILE, O), lambda i: (i, 0)),
                   pl.BlockSpec((TILE, CPAD), lambda i: (i, 0))],
        out_shape=[jax.ShapeDtypeStruct((B * T, O), f32),
                   jax.ShapeDtypeStruct((B * T, CPAD), f32)],
    )(xc, xc, xc, a0, a1, a2, b1r, w2p)

    idx, vs, an = pl.pallas_call(
        _mine_body,
        grid=(B,),
        in_specs=[pl.BlockSpec((1, T, CPAD), lambda b: (b, 0, 0))],
        out_specs=[pl.BlockSpec((1, 1, NIDX), lambda b: (b, 0, 0)),
                   pl.BlockSpec((1, 1, CPAD), lambda b: (b, 0, 0)),
                   pl.BlockSpec((1, 1, T), lambda b: (b, 0, 0))],
        out_shape=[jax.ShapeDtypeStruct((B, 1, NIDX), jnp.int32),
                   jax.ShapeDtypeStruct((B, 1, CPAD), f32),
                   jax.ShapeDtypeStruct((B, 1, T), f32)],
    )(cas.reshape(B, T, CPAD))

    g = _sc_gather(emb, idx.reshape(B * NIDX)).reshape(B, NIDX, O)
    easy_act = g[:, SEG[0]:SEG[0] + K_EASY]
    easy_bkg = g[:, SEG[1]:SEG[1] + K_EASY]
    hard_act = g[:, SEG[2]:SEG[2] + K_HARD]
    hard_bkg = g[:, SEG[3]:SEG[3] + K_HARD]
    return (vs.reshape(B, CPAD)[:, :C], easy_act, easy_bkg, hard_act,
            hard_bkg, an.reshape(B, T), cas.reshape(B, T, CPAD)[:, :, :C])

# --- scband reference (transcript-rebuilt; emitter-appended) ---
"""Pipeline reference for scband-crashing-vids-17987323036155 (READ-ONLY COPY).

The authoritative reference and input builder live on the scoring server;
editing this copy changes nothing except your own understanding.
"""

import jax, jax.numpy as jnp
import numpy as np

R_EASY = 5
R_HARD = 20
M_BIG = 6
M_SMALL = 3


def _shift(b, o):
    T = b.shape[1]
    if o == 0:
        return b
    out = jnp.zeros_like(b)
    if o > 0:
        return out.at[:, :T - o].set(b[:, o:])
    return out.at[:, -o:].set(b[:, :T + o])


def _erode(b, size):
    # scipy.ndimage.binary_erosion with structure ones((1,size)), border_value=0
    offs = [j - size // 2 for j in range(size)]
    return jnp.min(jnp.stack([_shift(b, o) for o in offs]), axis=0)


def _dilate(b, size):
    # scipy.ndimage.binary_dilation with structure ones((1,size)) (mirrored offsets)
    offs = [size // 2 - j for j in range(size)]
    return jnp.max(jnp.stack([_shift(b, o) for o in offs]), axis=0)


def _select_topk_embeddings(scores, embeddings, k):
    idx = jnp.argsort(-scores, axis=1)[:, :k]
    idx = jnp.broadcast_to(idx[:, :, None], (idx.shape[0], k, embeddings.shape[2]))
    return jnp.take_along_axis(embeddings, idx, axis=1)


def setup_inputs(seed: int = 0) -> dict:
    key = jax.random.key(seed)
    k1, k2, k3 = jax.random.split(key, 3)
    B, T, D, C = 4, 2048, 1024, 20
    x = jax.random.normal(k1, (B, T, D), dtype=jnp.float32)
    W1 = jax.random.normal(k2, (2048, D, 3), dtype=jnp.float32) * 0.02
    b1 = jnp.zeros((2048,), dtype=jnp.float32)
    W2 = jax.random.normal(k3, (C, 2048, 1), dtype=jnp.float32) * 0.02
    return {"x": x, "W1": W1, "b1": b1, "W2": W2}


def reference(x, W1, b1, W2):
    B, T, D = x.shape
    k_easy = T // R_EASY
    k_hard = T // R_HARD
    # Simple_Actionness_Module (dropout is identity at eval)
    out = jnp.transpose(x, (0, 2, 1))  # [B, D, T]
    out = jax.lax.conv_general_dilated(out, W1, (1,), [(1, 1)],
                                       dimension_numbers=('NCH', 'OIH', 'NCH'))
    out = jax.nn.relu(out + b1[None, :, None])  # [B, 2048, T]
    embeddings = jnp.transpose(out, (0, 2, 1))  # [B, T, 2048]
    out2 = jax.lax.conv_general_dilated(out, W2, (1,), [(0, 0)],
                                        dimension_numbers=('NCH', 'OIH', 'NCH'))
    out2 = jax.nn.relu(out2)
    cas = jnp.transpose(out2, (0, 2, 1))  # [B, T, C]
    actionness = cas.sum(axis=2)  # [B, T]

    # easy_snippets_mining (select_idx = dropout(ones) -> ones at eval)
    actionness_drop = actionness
    actionness_rev = jnp.max(actionness, axis=1, keepdims=True) - actionness
    easy_act = _select_topk_embeddings(actionness_drop, embeddings, k_easy)
    easy_bkg = _select_topk_embeddings(actionness_rev, embeddings, k_easy)

    # hard_snippets_mining
    aness_median = jnp.median(actionness, axis=1, keepdims=True)
    aness_bin = jnp.where(actionness > aness_median, 1.0, 0.0)
    erosion_M = _erode(aness_bin, M_BIG)
    erosion_m = _erode(aness_bin, M_SMALL)
    idx_region_inner = erosion_m - erosion_M
    hard_act = _select_topk_embeddings(actionness * idx_region_inner, embeddings, k_hard)
    dilation_m = _dilate(aness_bin, M_SMALL)
    dilation_M = _dilate(aness_bin, M_BIG)
    idx_region_outer = dilation_M - dilation_m
    hard_bkg = _select_topk_embeddings(actionness * idx_region_outer, embeddings, k_hard)

    # get_video_cls_scores
    sorted_scores = -jnp.sort(-cas, axis=1)
    topk_scores = sorted_scores[:, :k_easy, :]
    video_scores = jax.nn.softmax(topk_scores.mean(axis=1), axis=1)

    return (video_scores, easy_act, easy_bkg, hard_act, hard_bkg, actionness, cas)

if __name__ == "__main__":
    import jax
    _d = setup_inputs()
    print(jax.jit(kernel)(*tuple(_d.values())))

</pallas_src>

<mosaic_0001>
#map = affine_map<(d0, d1) -> (0, 0)>
#map1 = affine_map<(d0, d1) -> (0)>
module attributes {stable_mosaic.version = 14 : i64} {
  func.func @gk(%arg0: i32, %arg1: i32, %arg2: memref<8192x2048xf32, #tpu.memory_space<hbm>>, %arg3: memref<5120xi32, #tpu.memory_space<hbm>>, %arg4: memref<5120x2048xf32, #tpu.memory_space<hbm>>, %arg5: memref<160xi32, #tpu.memory_space<vmem>>, %arg6: memref<16x2048xf32, #tpu.memory_space<vmem>>, %arg7: memref<!tpu.dma_semaphore, #tpu.memory_space<semaphore_mem>>) attributes {dimension_semantics = [#tpu.dimension_semantics<core_parallel>, #tpu.dimension_semantics<subcore_parallel>], iteration_bounds = array<i64: 2, 16>, scalar_prefetch = 0 : i64, scratch_operands = 3 : i64, tpu.core_type = #tpu.core_type<sc_vector_subcore>, window_params = [{transform_indices = #map}, {transform_indices = #map1}, {transform_indices = #map}]} {
    %mul3A = arith.constant 2 : i32
    %mul3A_0 = arith.muli %arg1, %mul3A : i32
    %add3A = arith.addi %mul3A_0, %arg0 : i32
    %mul3A_1 = arith.constant 160 : i32
    %mul3A_2 = arith.muli %add3A, %mul3A_1 : i32
    "tpu.region"() ({
      %run_scoped3A = tpu.sem_alloc : memref<!tpu.dma_semaphore, #tpu.memory_space<semaphore_mem>>
      %dma_start3A_121 = tpu.memref_slice %arg3[%mul3A_2] : memref<5120xi32, #tpu.memory_space<hbm>> -> memref<160xi32, #tpu.memory_space<hbm>>
      %dma_start3A_122 = tpu.memref_slice %arg3[%mul3A_2] : memref<5120xi32, #tpu.memory_space<hbm>> -> memref<160xi32, #tpu.memory_space<hbm>>
      tpu.enqueue_dma source(%dma_start3A_122 : memref<160xi32, #tpu.memory_space<hbm>>) target(%arg5 : memref<160xi32, #tpu.memory_space<vmem>>) target_semaphore(%run_scoped3A : memref<!tpu.dma_semaphore, #tpu.memory_space<semaphore_mem>>)
      %dma_wait3A_123 = tpu.memref_slice %arg3[%mul3A_2] : memref<5120xi32, #tpu.memory_space<hbm>> -> memref<160xi32, #tpu.memory_space<hbm>>
      %dma_wait3A_124 = tpu.memref_slice %arg3[%mul3A_2] : memref<5120xi32, #tpu.memory_space<hbm>> -> memref<160xi32, #tpu.memory_space<hbm>>
      tpu.wait_dma2 semaphore(%run_scoped3A : memref<!tpu.dma_semaphore, #tpu.memory_space<semaphore_mem>>) src(%dma_wait3A_124 : memref<160xi32, #tpu.memory_space<hbm>>) dst(%arg5 : memref<160xi32, #tpu.memory_space<vmem>>)
      tpu.yield
    }) : () -> ()
    %dma_start3A = arith.constant 0 : i32
    %dma_start3A_3 = tpu.memref_slice %arg5[%dma_start3A] : memref<160xi32, #tpu.memory_space<vmem>> -> memref<16xi32, #tpu.memory_space<vmem>>
    %dma_start3A_4 = arith.constant 0 : i32
    %dma_start3A_5 = arith.constant 0 : i32
    %dma_start3A_6 = tpu.memref_slice %arg2[%dma_start3A_4, %dma_start3A_5] : memref<8192x2048xf32, #tpu.memory_space<hbm>> -> memref<8192x2048xf32, #tpu.memory_space<hbm>>
    tpu.enqueue_indirect_dma source(%dma_start3A_6 : memref<8192x2048xf32, #tpu.memory_space<hbm>>) target(%arg6 : memref<16x2048xf32, #tpu.memory_space<vmem>>) offsets(%dma_start3A_3 : memref<16xi32, #tpu.memory_space<vmem>>) semaphore(%arg7 : memref<!tpu.dma_semaphore, #tpu.memory_space<semaphore_mem>>)
    %dma_wait3A = arith.constant 0 : i32
    %dma_wait3A_7 = tpu.memref_slice %arg5[%dma_wait3A] : memref<160xi32, #tpu.memory_space<vmem>> -> memref<16xi32, #tpu.memory_space<vmem>>
    %dma_wait3A_8 = arith.constant 0 : i32
    %dma_wait3A_9 = arith.constant 0 : i32
    %dma_wait3A_10 = tpu.memref_slice %arg2[%dma_wait3A_8, %dma_wait3A_9] : memref<8192x2048xf32, #tpu.memory_space<hbm>> -> memref<8192x2048xf32, #tpu.memory_space<hbm>>
    tpu.wait_indirect_dma semaphore(%arg7 : memref<!tpu.dma_semaphore, #tpu.memory_space<semaphore_mem>>) src(%dma_wait3A_10 : memref<8192x2048xf32, #tpu.memory_space<hbm>>) dst(%arg6 : memref<16x2048xf32, #tpu.memory_space<vmem>>)
    %add3A_11 = arith.constant 0 : i32
    %add3A_12 = arith.addi %mul3A_2, %add3A_11 : i32
    "tpu.region"() ({
      %run_scoped3A = tpu.sem_alloc : memref<!tpu.dma_semaphore, #tpu.memory_space<semaphore_mem>>
      %dma_start3A_121 = arith.constant 0 : i32
      %dma_start3A_122 = tpu.memref_slice %arg4[%add3A_12, %dma_start3A_121] : memref<5120x2048xf32, #tpu.memory_space<hbm>> -> memref<16x2048xf32, #tpu.memory_space<hbm>>
      %dma_start3A_123 = arith.constant 0 : i32
      %dma_start3A_124 = tpu.memref_slice %arg4[%add3A_12, %dma_start3A_123] : memref<5120x2048xf32, #tpu.memory_space<hbm>> -> memref<16x2048xf32, #tpu.memory_space<hbm>>
      tpu.enqueue_dma source(%arg6 : memref<16x2048xf32, #tpu.memory_space<vmem>>) target(%dma_start3A_124 : memref<16x2048xf32, #tpu.memory_space<hbm>>) target_semaphore(%run_scoped3A : memref<!tpu.dma_semaphore, #tpu.memory_space<semaphore_mem>>)
      %dma_wait3A_125 = arith.constant 0 : i32
      %dma_wait3A_126 = tpu.memref_slice %arg4[%add3A_12, %dma_wait3A_125] : memref<5120x2048xf32, #tpu.memory_space<hbm>> -> memref<16x2048xf32, #tpu.memory_space<hbm>>
      %dma_wait3A_127 = arith.constant 0 : i32
      %dma_wait3A_128 = tpu.memref_slice %arg4[%add3A_12, %dma_wait3A_127] : memref<5120x2048xf32, #tpu.memory_space<hbm>> -> memref<16x2048xf32, #tpu.memory_space<hbm>>
      tpu.wait_dma2 semaphore(%run_scoped3A : memref<!tpu.dma_semaphore, #tpu.memory_space<semaphore_mem>>) src(%arg6 : memref<16x2048xf32, #tpu.memory_space<vmem>>) dst(%dma_wait3A_128 : memref<16x2048xf32, #tpu.memory_space<hbm>>)
      tpu.yield
    }) : () -> ()
    %dma_start3A_13 = arith.constant 16 : i32
    %dma_start3A_14 = tpu.memref_slice %arg5[%dma_start3A_13] : memref<160xi32, #tpu.memory_space<vmem>> -> memref<16xi32, #tpu.memory_space<vmem>>
    %dma_start3A_15 = arith.constant 0 : i32
    %dma_start3A_16 = arith.constant 0 : i32
    %dma_start3A_17 = tpu.memref_slice %arg2[%dma_start3A_15, %dma_start3A_16] : memref<8192x2048xf32, #tpu.memory_space<hbm>> -> memref<8192x2048xf32, #tpu.memory_space<hbm>>
    tpu.enqueue_indirect_dma source(%dma_start3A_17 : memref<8192x2048xf32, #tpu.memory_space<hbm>>) target(%arg6 : memref<16x2048xf32, #tpu.memory_space<vmem>>) offsets(%dma_start3A_14 : memref<16xi32, #tpu.memory_space<vmem>>) semaphore(%arg7 : memref<!tpu.dma_semaphore, #tpu.memory_space<semaphore_mem>>)
    %dma_wait3A_18 = arith.constant 16 : i32
    %dma_wait3A_19 = tpu.memref_slice %arg5[%dma_wait3A_18] : memref<160xi32, #tpu.memory_space<vmem>> -> memref<16xi32, #tpu.memory_space<vmem>>
    %dma_wait3A_20 = arith.constant 0 : i32
    %dma_wait3A_21 = arith.constant 0 : i32
    %dma_wait3A_22 = tpu.memref_slice %arg2[%dma_wait3A_20, %dma_wait3A_21] : memref<8192x2048xf32, #tpu.memory_space<hbm>> -> memref<8192x2048xf32, #tpu.memory_space<hbm>>
    tpu.wait_indirect_dma semaphore(%arg7 : memref<!tpu.dma_semaphore, #tpu.memory_space<semaphore_mem>>) src(%dma_wait3A_22 : memref<8192x2048xf32, #tpu.memory_space<hbm>>) dst(%arg6 : memref<16x2048xf32, #tpu.memory_space<vmem>>)
    %add3A_23 = arith.constant 16 : i32
    %add3A_24 = arith.addi %mul3A_2, %add3A_23 : i32
    "tpu.region"() ({
      %run_scoped3A = tpu.sem_alloc : memref<!tpu.dma_semaphore, #tpu.memory_space<semaphore_mem>>
      %dma_start3A_121 = arith.constant 0 : i32
      %dma_start3A_122 = tpu.memref_slice %arg4[%add3A_24, %dma_start3A_121] : memref<5120x2048xf32, #tpu.memory_space<hbm>> -> memref<16x2048xf32, #tpu.memory_space<hbm>>
      %dma_start3A_123 = arith.constant 0 : i32
      %dma_start3A_124 = tpu.memref_slice %arg4[%add3A_24, %dma_start3A_123] : memref<5120x2048xf32, #tpu.memory_space<hbm>> -> memref<16x2048xf32, #tpu.memory_space<hbm>>
      tpu.enqueue_dma source(%arg6 : memref<16x2048xf32, #tpu.memory_space<vmem>>) target(%dma_start3A_124 : memref<16x2048xf32, #tpu.memory_space<hbm>>) target_semaphore(%run_scoped3A : memref<!tpu.dma_semaphore, #tpu.memory_space<semaphore_mem>>)
      %dma_wait3A_125 = arith.constant 0 : i32
      %dma_wait3A_126 = tpu.memref_slice %arg4[%add3A_24, %dma_wait3A_125] : memref<5120x2048xf32, #tpu.memory_space<hbm>> -> memref<16x2048xf32, #tpu.memory_space<hbm>>
      %dma_wait3A_127 = arith.constant 0 : i32
      %dma_wait3A_128 = tpu.memref_slice %arg4[%add3A_24, %dma_wait3A_127] : memref<5120x2048xf32, #tpu.memory_space<hbm>> -> memref<16x2048xf32, #tpu.memory_space<hbm>>
      tpu.wait_dma2 semaphore(%run_scoped3A : memref<!tpu.dma_semaphore, #tpu.memory_space<semaphore_mem>>) src(%arg6 : memref<16x2048xf32, #tpu.memory_space<vmem>>) dst(%dma_wait3A_128 : memref<16x2048xf32, #tpu.memory_space<hbm>>)
      tpu.yield
    }) : () -> ()
    %dma_start3A_25 = arith.constant 32 : i32
    %dma_start3A_26 = tpu.memref_slice %arg5[%dma_start3A_25] : memref<160xi32, #tpu.memory_space<vmem>> -> memref<16xi32, #tpu.memory_space<vmem>>
    %dma_start3A_27 = arith.constant 0 : i32
    %dma_start3A_28 = arith.constant 0 : i32
    %dma_start3A_29 = tpu.memref_slice %arg2[%dma_start3A_27, %dma_start3A_28] : memref<8192x2048xf32, #tpu.memory_space<hbm>> -> memref<8192x2048xf32, #tpu.memory_space<hbm>>
    tpu.enqueue_indirect_dma source(%dma_start3A_29 : memref<8192x2048xf32, #tpu.memory_space<hbm>>) target(%arg6 : memref<16x2048xf32, #tpu.memory_space<vmem>>) offsets(%dma_start3A_26 : memref<16xi32, #tpu.memory_space<vmem>>) semaphore(%arg7 : memref<!tpu.dma_semaphore, #tpu.memory_space<semaphore_mem>>)
    %dma_wait3A_30 = arith.constant 32 : i32
    %dma_wait3A_31 = tpu.memref_slice %arg5[%dma_wait3A_30] : memref<160xi32, #tpu.memory_space<vmem>> -> memref<16xi32, #tpu.memory_space<vmem>>
    %dma_wait3A_32 = arith.constant 0 : i32
    %dma_wait3A_33 = arith.constant 0 : i32
    %dma_wait3A_34 = tpu.memref_slice %arg2[%dma_wait3A_32, %dma_wait3A_33] : memref<8192x2048xf32, #tpu.memory_space<hbm>> -> memref<8192x2048xf32, #tpu.memory_space<hbm>>
    tpu.wait_indirect_dma semaphore(%arg7 : memref<!tpu.dma_semaphore, #tpu.memory_space<semaphore_mem>>) src(%dma_wait3A_34 : memref<8192x2048xf32, #tpu.memory_space<hbm>>) dst(%arg6 : memref<16x2048xf32, #tpu.memory_space<vmem>>)
    %add3A_35 = arith.constant 32 : i32
    %add3A_36 = arith.addi %mul3A_2, %add3A_35 : i32
    "tpu.region"() ({
      %run_scoped3A = tpu.sem_alloc : memref<!tpu.dma_semaphore, #tpu.memory_space<semaphore_mem>>
      %dma_start3A_121 = arith.constant 0 : i32
      %dma_start3A_122 = tpu.memref_slice %arg4[%add3A_36, %dma_start3A_121] : memref<5120x2048xf32, #tpu.memory_space<hbm>> -> memref<16x2048xf32, #tpu.memory_space<hbm>>
      %dma_start3A_123 = arith.constant 0 : i32
      %dma_start3A_124 = tpu.memref_slice %arg4[%add3A_36, %dma_start3A_123] : memref<5120x2048xf32, #tpu.memory_space<hbm>> -> memref<16x2048xf32, #tpu.memory_space<hbm>>
      tpu.enqueue_dma source(%arg6 : memref<16x2048xf32, #tpu.memory_space<vmem>>) target(%dma_start3A_124 : memref<16x2048xf32, #tpu.memory_space<hbm>>) target_semaphore(%run_scoped3A : memref<!tpu.dma_semaphore, #tpu.memory_space<semaphore_mem>>)
      %dma_wait3A_125 = arith.constant 0 : i32
      %dma_wait3A_126 = tpu.memref_slice %arg4[%add3A_36, %dma_wait3A_125] : memref<5120x2048xf32, #tpu.memory_space<hbm>> -> memref<16x2048xf32, #tpu.memory_space<hbm>>
      %dma_wait3A_127 = arith.constant 0 : i32
      %dma_wait3A_128 = tpu.memref_slice %arg4[%add3A_36, %dma_wait3A_127] : memref<5120x2048xf32, #tpu.memory_space<hbm>> -> memref<16x2048xf32, #tpu.memory_space<hbm>>
      tpu.wait_dma2 semaphore(%run_scoped3A : memref<!tpu.dma_semaphore, #tpu.memory_space<semaphore_mem>>) src(%arg6 : memref<16x2048xf32, #tpu.memory_space<vmem>>) dst(%dma_wait3A_128 : memref<16x2048xf32, #tpu.memory_space<hbm>>)
      tpu.yield
    }) : () -> ()
    %dma_start3A_37 = arith.constant 48 : i32
    %dma_start3A_38 = tpu.memref_slice %arg5[%dma_start3A_37] : memref<160xi32, #tpu.memory_space<vmem>> -> memref<16xi32, #tpu.memory_space<vmem>>
    %dma_start3A_39 = arith.constant 0 : i32
    %dma_start3A_40 = arith.constant 0 : i32
    %dma_start3A_41 = tpu.memref_slice %arg2[%dma_start3A_39, %dma_start3A_40] : memref<8192x2048xf32, #tpu.memory_space<hbm>> -> memref<8192x2048xf32, #tpu.memory_space<hbm>>
    tpu.enqueue_indirect_dma source(%dma_start3A_41 : memref<8192x2048xf32, #tpu.memory_space<hbm>>) target(%arg6 : memref<16x2048xf32, #tpu.memory_space<vmem>>) offsets(%dma_start3A_38 : memref<16xi32, #tpu.memory_space<vmem>>) semaphore(%arg7 : memref<!tpu.dma_semaphore, #tpu.memory_space<semaphore_mem>>)
    %dma_wait3A_42 = arith.constant 48 : i32
    %dma_wait3A_43 = tpu.memref_slice %arg5[%dma_wait3A_42] : memref<160xi32, #tpu.memory_space<vmem>> -> memref<16xi32, #tpu.memory_space<vmem>>
    %dma_wait3A_44 = arith.constant 0 : i32
    %dma_wait3A_45 = arith.constant 0 : i32
    %dma_wait3A_46 = tpu.memref_slice %arg2[%dma_wait3A_44, %dma_wait3A_45] : memref<8192x2048xf32, #tpu.memory_space<hbm>> -> memref<8192x2048xf32, #tpu.memory_space<hbm>>
    tpu.wait_indirect_dma semaphore(%arg7 : memref<!tpu.dma_semaphore, #tpu.memory_space<semaphore_mem>>) src(%dma_wait3A_46 : memref<8192x2048xf32, #tpu.memory_space<hbm>>) dst(%arg6 : memref<16x2048xf32, #tpu.memory_space<vmem>>)
    %add3A_47 = arith.constant 48 : i32
    %add3A_48 = arith.addi %mul3A_2, %add3A_47 : i32
    "tpu.region"() ({
      %run_scoped3A = tpu.sem_alloc : memref<!tpu.dma_semaphore, #tpu.memory_space<semaphore_mem>>
      %dma_start3A_121 = arith.constant 0 : i32
      %dma_start3A_122 = tpu.memref_slice %arg4[%add3A_48, %dma_start3A_121] : memref<5120x2048xf32, #tpu.memory_space<hbm>> -> memref<16x2048xf32, #tpu.memory_space<hbm>>
      %dma_start3A_123 = arith.constant 0 : i32
      %dma_start3A_124 = tpu.memref_slice %arg4[%add3A_48, %dma_start3A_123] : memref<5120x2048xf32, #tpu.memory_space<hbm>> -> memref<16x2048xf32, #tpu.memory_space<hbm>>
      tpu.enqueue_dma source(%arg6 : memref<16x2048xf32, #tpu.memory_space<vmem>>) target(%dma_start3A_124 : memref<16x2048xf32, #tpu.memory_space<hbm>>) target_semaphore(%run_scoped3A : memref<!tpu.dma_semaphore, #tpu.memory_space<semaphore_mem>>)
      %dma_wait3A_125 = arith.constant 0 : i32
      %dma_wait3A_126 = tpu.memref_slice %arg4[%add3A_48, %dma_wait3A_125] : memref<5120x2048xf32, #tpu.memory_space<hbm>> -> memref<16x2048xf32, #tpu.memory_space<hbm>>
      %dma_wait3A_127 = arith.constant 0 : i32
      %dma_wait3A_128 = tpu.memref_slice %arg4[%add3A_48, %dma_wait3A_127] : memref<5120x2048xf32, #tpu.memory_space<hbm>> -> memref<16x2048xf32, #tpu.memory_space<hbm>>
      tpu.wait_dma2 semaphore(%run_scoped3A : memref<!tpu.dma_semaphore, #tpu.memory_space<semaphore_mem>>) src(%arg6 : memref<16x2048xf32, #tpu.memory_space<vmem>>) dst(%dma_wait3A_128 : memref<16x2048xf32, #tpu.memory_space<hbm>>)
      tpu.yield
    }) : () -> ()
    %dma_start3A_49 = arith.constant 64 : i32
    %dma_start3A_50 = tpu.memref_slice %arg5[%dma_start3A_49] : memref<160xi32, #tpu.memory_space<vmem>> -> memref<16xi32, #tpu.memory_space<vmem>>
    %dma_start3A_51 = arith.constant 0 : i32
    %dma_start3A_52 = arith.constant 0 : i32
    %dma_start3A_53 = tpu.memref_slice %arg2[%dma_start3A_51, %dma_start3A_52] : memref<8192x2048xf32, #tpu.memory_space<hbm>> -> memref<8192x2048xf32, #tpu.memory_space<hbm>>
    tpu.enqueue_indirect_dma source(%dma_start3A_53 : memref<8192x2048xf32, #tpu.memory_space<hbm>>) target(%arg6 : memref<16x2048xf32, #tpu.memory_space<vmem>>) offsets(%dma_start3A_50 : memref<16xi32, #tpu.memory_space<vmem>>) semaphore(%arg7 : memref<!tpu.dma_semaphore, #tpu.memory_space<semaphore_mem>>)
    %dma_wait3A_54 = arith.constant 64 : i32
    %dma_wait3A_55 = tpu.memref_slice %arg5[%dma_wait3A_54] : memref<160xi32, #tpu.memory_space<vmem>> -> memref<16xi32, #tpu.memory_space<vmem>>
    %dma_wait3A_56 = arith.constant 0 : i32
    %dma_wait3A_57 = arith.constant 0 : i32
    %dma_wait3A_58 = tpu.memref_slice %arg2[%dma_wait3A_56, %dma_wait3A_57] : memref<8192x2048xf32, #tpu.memory_space<hbm>> -> memref<8192x2048xf32, #tpu.memory_space<hbm>>
    tpu.wait_indirect_dma semaphore(%arg7 : memref<!tpu.dma_semaphore, #tpu.memory_space<semaphore_mem>>) src(%dma_wait3A_58 : memref<8192x2048xf32, #tpu.memory_space<hbm>>) dst(%arg6 : memref<16x2048xf32, #tpu.memory_space<vmem>>)
    %add3A_59 = arith.constant 64 : i32
    %add3A_60 = arith.addi %mul3A_2, %add3A_59 : i32
    "tpu.region"() ({
      %run_scoped3A = tpu.sem_alloc : memref<!tpu.dma_semaphore, #tpu.memory_space<semaphore_mem>>
      %dma_start3A_121 = arith.constant 0 : i32
      %dma_start3A_122 = tpu.memref_slice %arg4[%add3A_60, %dma_start3A_121] : memref<5120x2048xf32, #tpu.memory_space<hbm>> -> memref<16x2048xf32, #tpu.memory_space<hbm>>
      %dma_start3A_123 = arith.constant 0 : i32
      %dma_start3A_124 = tpu.memref_slice %arg4[%add3A_60, %dma_start3A_123] : memref<5120x2048xf32, #tpu.memory_space<hbm>> -> memref<16x2048xf32, #tpu.memory_space<hbm>>
      tpu.enqueue_dma source(%arg6 : memref<16x2048xf32, #tpu.memory_space<vmem>>) target(%dma_start3A_124 : memref<16x2048xf32, #tpu.memory_space<hbm>>) target_semaphore(%run_scoped3A : memref<!tpu.dma_semaphore, #tpu.memory_space<semaphore_mem>>)
      %dma_wait3A_125 = arith.constant 0 : i32
      %dma_wait3A_126 = tpu.memref_slice %arg4[%add3A_60, %dma_wait3A_125] : memref<5120x2048xf32, #tpu.memory_space<hbm>> -> memref<16x2048xf32, #tpu.memory_space<hbm>>
      %dma_wait3A_127 = arith.constant 0 : i32
      %dma_wait3A_128 = tpu.memref_slice %arg4[%add3A_60, %dma_wait3A_127] : memref<5120x2048xf32, #tpu.memory_space<hbm>> -> memref<16x2048xf32, #tpu.memory_space<hbm>>
      tpu.wait_dma2 semaphore(%run_scoped3A : memref<!tpu.dma_semaphore, #tpu.memory_space<semaphore_mem>>) src(%arg6 : memref<16x2048xf32, #tpu.memory_space<vmem>>) dst(%dma_wait3A_128 : memref<16x2048xf32, #tpu.memory_space<hbm>>)
      tpu.yield
    }) : () -> ()
    %dma_start3A_61 = arith.constant 80 : i32
    %dma_start3A_62 = tpu.memref_slice %arg5[%dma_start3A_61] : memref<160xi32, #tpu.memory_space<vmem>> -> memref<16xi32, #tpu.memory_space<vmem>>
    %dma_start3A_63 = arith.constant 0 : i32
    %dma_start3A_64 = arith.constant 0 : i32
    %dma_start3A_65 = tpu.memref_slice %arg2[%dma_start3A_63, %dma_start3A_64] : memref<8192x2048xf32, #tpu.memory_space<hbm>> -> memref<8192x2048xf32, #tpu.memory_space<hbm>>
    tpu.enqueue_indirect_dma source(%dma_start3A_65 : memref<8192x2048xf32, #tpu.memory_space<hbm>>) target(%arg6 : memref<16x2048xf32, #tpu.memory_space<vmem>>) offsets(%dma_start3A_62 : memref<16xi32, #tpu.memory_space<vmem>>) semaphore(%arg7 : memref<!tpu.dma_semaphore, #tpu.memory_space<semaphore_mem>>)
    %dma_wait3A_66 = arith.constant 80 : i32
    %dma_wait3A_67 = tpu.memref_slice %arg5[%dma_wait3A_66] : memref<160xi32, #tpu.memory_space<vmem>> -> memref<16xi32, #tpu.memory_space<vmem>>
    %dma_wait3A_68 = arith.constant 0 : i32
    %dma_wait3A_69 = arith.constant 0 : i32
    %dma_wait3A_70 = tpu.memref_slice %arg2[%dma_wait3A_68, %dma_wait3A_69] : memref<8192x2048xf32, #tpu.memory_space<hbm>> -> memref<8192x2048xf32, #tpu.memory_space<hbm>>
    tpu.wait_indirect_dma semaphore(%arg7 : memref<!tpu.dma_semaphore, #tpu.memory_space<semaphore_mem>>) src(%dma_wait3A_70 : memref<8192x2048xf32, #tpu.memory_space<hbm>>) dst(%arg6 : memref<16x2048xf32, #tpu.memory_space<vmem>>)
    %add3A_71 = arith.constant 80 : i32
    %add3A_72 = arith.addi %mul3A_2, %add3A_71 : i32
    "tpu.region"() ({
      %run_scoped3A = tpu.sem_alloc : memref<!tpu.dma_semaphore, #tpu.memory_space<semaphore_mem>>
      %dma_start3A_121 = arith.constant 0 : i32
      %dma_start3A_122 = tpu.memref_slice %arg4[%add3A_72, %dma_start3A_121] : memref<5120x2048xf32, #tpu.memory_space<hbm>> -> memref<16x2048xf32, #tpu.memory_space<hbm>>
      %dma_start3A_123 = arith.constant 0 : i32
      %dma_start3A_124 = tpu.memref_slice %arg4[%add3A_72, %dma_start3A_123] : memref<5120x2048xf32, #tpu.memory_space<hbm>> -> memref<16x2048xf32, #tpu.memory_space<hbm>>
      tpu.enqueue_dma source(%arg6 : memref<16x2048xf32, #tpu.memory_space<vmem>>) target(%dma_start3A_124 : memref<16x2048xf32, #tpu.memory_space<hbm>>) target_semaphore(%run_scoped3A : memref<!tpu.dma_semaphore, #tpu.memory_space<semaphore_mem>>)
      %dma_wait3A_125 = arith.constant 0 : i32
      %dma_wait3A_126 = tpu.memref_slice %arg4[%add3A_72, %dma_wait3A_125] : memref<5120x2048xf32, #tpu.memory_space<hbm>> -> memref<16x2048xf32, #tpu.memory_space<hbm>>
      %dma_wait3A_127 = arith.constant 0 : i32
      %dma_wait3A_128 = tpu.memref_slice %arg4[%add3A_72, %dma_wait3A_127] : memref<5120x2048xf32, #tpu.memory_space<hbm>> -> memref<16x2048xf32, #tpu.memory_space<hbm>>
      tpu.wait_dma2 semaphore(%run_scoped3A : memref<!tpu.dma_semaphore, #tpu.memory_space<semaphore_mem>>) src(%arg6 : memref<16x2048xf32, #tpu.memory_space<vmem>>) dst(%dma_wait3A_128 : memref<16x2048xf32, #tpu.memory_space<hbm>>)
      tpu.yield
    }) : () -> ()
    %dma_start3A_73 = arith.constant 96 : i32
    %dma_start3A_74 = tpu.memref_slice %arg5[%dma_start3A_73] : memref<160xi32, #tpu.memory_space<vmem>> -> memref<16xi32, #tpu.memory_space<vmem>>
    %dma_start3A_75 = arith.constant 0 : i32
    %dma_start3A_76 = arith.constant 0 : i32
    %dma_start3A_77 = tpu.memref_slice %arg2[%dma_start3A_75, %dma_start3A_76] : memref<8192x2048xf32, #tpu.memory_space<hbm>> -> memref<8192x2048xf32, #tpu.memory_space<hbm>>
    tpu.enqueue_indirect_dma source(%dma_start3A_77 : memref<8192x2048xf32, #tpu.memory_space<hbm>>) target(%arg6 : memref<16x2048xf32, #tpu.memory_space<vmem>>) offsets(%dma_start3A_74 : memref<16xi32, #tpu.memory_space<vmem>>) semaphore(%arg7 : memref<!tpu.dma_semaphore, #tpu.memory_space<semaphore_mem>>)
    %dma_wait3A_78 = arith.constant 96 : i32
    %dma_wait3A_79 = tpu.memref_slice %arg5[%dma_wait3A_78] : memref<160xi32, #tpu.memory_space<vmem>> -> memref<16xi32, #tpu.memory_space<vmem>>
    %dma_wait3A_80 = arith.constant 0 : i32
    %dma_wait3A_81 = arith.constant 0 : i32
    %dma_wait3A_82 = tpu.memref_slice %arg2[%dma_wait3A_80, %dma_wait3A_81] : memref<8192x2048xf32, #tpu.memory_space<hbm>> -> memref<8192x2048xf32, #tpu.memory_space<hbm>>
    tpu.wait_indirect_dma semaphore(%arg7 : memref<!tpu.dma_semaphore, #tpu.memory_space<semaphore_mem>>) src(%dma_wait3A_82 : memref<8192x2048xf32, #tpu.memory_space<hbm>>) dst(%arg6 : memref<16x2048xf32, #tpu.memory_space<vmem>>)
    %add3A_83 = arith.constant 96 : i32
    %add3A_84 = arith.addi %mul3A_2, %add3A_83 : i32
    "tpu.region"() ({
      %run_scoped3A = tpu.sem_alloc : memref<!tpu.dma_semaphore, #tpu.memory_space<semaphore_mem>>
      %dma_start3A_121 = arith.constant 0 : i32
      %dma_start3A_122 = tpu.memref_slice %arg4[%add3A_84, %dma_start3A_121] : memref<5120x2048xf32, #tpu.memory_space<hbm>> -> memref<16x2048xf32, #tpu.memory_space<hbm>>
      %dma_start3A_123 = arith.constant 0 : i32
      %dma_start3A_124 = tpu.memref_slice %arg4[%add3A_84, %dma_start3A_123] : memref<5120x2048xf32, #tpu.memory_space<hbm>> -> memref<16x2048xf32, #tpu.memory_space<hbm>>
      tpu.enqueue_dma source(%arg6 : memref<16x2048xf32, #tpu.memory_space<vmem>>) target(%dma_start3A_124 : memref<16x2048xf32, #tpu.memory_space<hbm>>) target_semaphore(%run_scoped3A : memref<!tpu.dma_semaphore, #tpu.memory_space<semaphore_mem>>)
      %dma_wait3A_125 = arith.constant 0 : i32
      %dma_wait3A_126 = tpu.memref_slice %arg4[%add3A_84, %dma_wait3A_125] : memref<5120x2048xf32, #tpu.memory_space<hbm>> -> memref<16x2048xf32, #tpu.memory_space<hbm>>
      %dma_wait3A_127 = arith.constant 0 : i32
      %dma_wait3A_128 = tpu.memref_slice %arg4[%add3A_84, %dma_wait3A_127] : memref<5120x2048xf32, #tpu.memory_space<hbm>> -> memref<16x2048xf32, #tpu.memory_space<hbm>>
      tpu.wait_dma2 semaphore(%run_scoped3A : memref<!tpu.dma_semaphore, #tpu.memory_space<semaphore_mem>>) src(%arg6 : memref<16x2048xf32, #tpu.memory_space<vmem>>) dst(%dma_wait3A_128 : memref<16x2048xf32, #tpu.memory_space<hbm>>)
      tpu.yield
    }) : () -> ()
    %dma_start3A_85 = arith.constant 112 : i32
    %dma_start3A_86 = tpu.memref_slice %arg5[%dma_start3A_85] : memref<160xi32, #tpu.memory_space<vmem>> -> memref<16xi32, #tpu.memory_space<vmem>>
    %dma_start3A_87 = arith.constant 0 : i32
    %dma_start3A_88 = arith.constant 0 : i32
    %dma_start3A_89 = tpu.memref_slice %arg2[%dma_start3A_87, %dma_start3A_88] : memref<8192x2048xf32, #tpu.memory_space<hbm>> -> memref<8192x2048xf32, #tpu.memory_space<hbm>>
    tpu.enqueue_indirect_dma source(%dma_start3A_89 : memref<8192x2048xf32, #tpu.memory_space<hbm>>) target(%arg6 : memref<16x2048xf32, #tpu.memory_space<vmem>>) offsets(%dma_start3A_86 : memref<16xi32, #tpu.memory_space<vmem>>) semaphore(%arg7 : memref<!tpu.dma_semaphore, #tpu.memory_space<semaphore_mem>>)
    %dma_wait3A_90 = arith.constant 112 : i32
    %dma_wait3A_91 = tpu.memref_slice %arg5[%dma_wait3A_90] : memref<160xi32, #tpu.memory_space<vmem>> -> memref<16xi32, #tpu.memory_space<vmem>>
    %dma_wait3A_92 = arith.constant 0 : i32
    %dma_wait3A_93 = arith.constant 0 : i32
    %dma_wait3A_94 = tpu.memref_slice %arg2[%dma_wait3A_92, %dma_wait3A_93] : memref<8192x2048xf32, #tpu.memory_space<hbm>> -> memref<8192x2048xf32, #tpu.memory_space<hbm>>
    tpu.wait_indirect_dma semaphore(%arg7 : memref<!tpu.dma_semaphore, #tpu.memory_space<semaphore_mem>>) src(%dma_wait3A_94 : memref<8192x2048xf32, #tpu.memory_space<hbm>>) dst(%arg6 : memref<16x2048xf32, #tpu.memory_space<vmem>>)
    %add3A_95 = arith.constant 112 : i32
    %add3A_96 = arith.addi %mul3A_2, %add3A_95 : i32
    "tpu.region"() ({
      %run_scoped3A = tpu.sem_alloc : memref<!tpu.dma_semaphore, #tpu.memory_space<semaphore_mem>>
      %dma_start3A_121 = arith.constant 0 : i32
      %dma_start3A_122 = tpu.memref_slice %arg4[%add3A_96, %dma_start3A_121] : memref<5120x2048xf32, #tpu.memory_space<hbm>> -> memref<16x2048xf32, #tpu.memory_space<hbm>>
      %dma_start3A_123 = arith.constant 0 : i32
      %dma_start3A_124 = tpu.memref_slice %arg4[%add3A_96, %dma_start3A_123] : memref<5120x2048xf32, #tpu.memory_space<hbm>> -> memref<16x2048xf32, #tpu.memory_space<hbm>>
      tpu.enqueue_dma source(%arg6 : memref<16x2048xf32, #tpu.memory_space<vmem>>) target(%dma_start3A_124 : memref<16x2048xf32, #tpu.memory_space<hbm>>) target_semaphore(%run_scoped3A : memref<!tpu.dma_semaphore, #tpu.memory_space<semaphore_mem>>)
      %dma_wait3A_125 = arith.constant 0 : i32
      %dma_wait3A_126 = tpu.memref_slice %arg4[%add3A_96, %dma_wait3A_125] : memref<5120x2048xf32, #tpu.memory_space<hbm>> -> memref<16x2048xf32, #tpu.memory_space<hbm>>
      %dma_wait3A_127 = arith.constant 0 : i32
      %dma_wait3A_128 = tpu.memref_slice %arg4[%add3A_96, %dma_wait3A_127] : memref<5120x2048xf32, #tpu.memory_space<hbm>> -> memref<16x2048xf32, #tpu.memory_space<hbm>>
      tpu.wait_dma2 semaphore(%run_scoped3A : memref<!tpu.dma_semaphore, #tpu.memory_space<semaphore_mem>>) src(%arg6 : memref<16x2048xf32, #tpu.memory_space<vmem>>) dst(%dma_wait3A_128 : memref<16x2048xf32, #tpu.memory_space<hbm>>)
      tpu.yield
    }) : () -> ()
    %dma_start3A_97 = arith.constant 128 : i32
    %dma_start3A_98 = tpu.memref_slice %arg5[%dma_start3A_97] : memref<160xi32, #tpu.memory_space<vmem>> -> memref<16xi32, #tpu.memory_space<vmem>>
    %dma_start3A_99 = arith.constant 0 : i32
    %dma_start3A_100 = arith.constant 0 : i32
    %dma_start3A_101 = tpu.memref_slice %arg2[%dma_start3A_99, %dma_start3A_100] : memref<8192x2048xf32, #tpu.memory_space<hbm>> -> memref<8192x2048xf32, #tpu.memory_space<hbm>>
    tpu.enqueue_indirect_dma source(%dma_start3A_101 : memref<8192x2048xf32, #tpu.memory_space<hbm>>) target(%arg6 : memref<16x2048xf32, #tpu.memory_space<vmem>>) offsets(%dma_start3A_98 : memref<16xi32, #tpu.memory_space<vmem>>) semaphore(%arg7 : memref<!tpu.dma_semaphore, #tpu.memory_space<semaphore_mem>>)
    %dma_wait3A_102 = arith.constant 128 : i32
    %dma_wait3A_103 = tpu.memref_slice %arg5[%dma_wait3A_102] : memref<160xi32, #tpu.memory_space<vmem>> -> memref<16xi32, #tpu.memory_space<vmem>>
    %dma_wait3A_104 = arith.constant 0 : i32
    %dma_wait3A_105 = arith.constant 0 : i32
    %dma_wait3A_106 = tpu.memref_slice %arg2[%dma_wait3A_104, %dma_wait3A_105] : memref<8192x2048xf32, #tpu.memory_space<hbm>> -> memref<8192x2048xf32, #tpu.memory_space<hbm>>
    tpu.wait_indirect_dma semaphore(%arg7 : memref<!tpu.dma_semaphore, #tpu.memory_space<semaphore_mem>>) src(%dma_wait3A_106 : memref<8192x2048xf32, #tpu.memory_space<hbm>>) dst(%arg6 : memref<16x2048xf32, #tpu.memory_space<vmem>>)
    %add3A_107 = arith.constant 128 : i32
    %add3A_108 = arith.addi %mul3A_2, %add3A_107 : i32
    "tpu.region"() ({
      %run_scoped3A = tpu.sem_alloc : memref<!tpu.dma_semaphore, #tpu.memory_space<semaphore_mem>>
      %dma_start3A_121 = arith.constant 0 : i32
      %dma_start3A_122 = tpu.memref_slice %arg4[%add3A_108, %dma_start3A_121] : memref<5120x2048xf32, #tpu.memory_space<hbm>> -> memref<16x2048xf32, #tpu.memory_space<hbm>>
      %dma_start3A_123 = arith.constant 0 : i32
      %dma_start3A_124 = tpu.memref_slice %arg4[%add3A_108, %dma_start3A_123] : memref<5120x2048xf32, #tpu.memory_space<hbm>> -> memref<16x2048xf32, #tpu.memory_space<hbm>>
      tpu.enqueue_dma source(%arg6 : memref<16x2048xf32, #tpu.memory_space<vmem>>) target(%dma_start3A_124 : memref<16x2048xf32, #tpu.memory_space<hbm>>) target_semaphore(%run_scoped3A : memref<!tpu.dma_semaphore, #tpu.memory_space<semaphore_mem>>)
      %dma_wait3A_125 = arith.constant 0 : i32
      %dma_wait3A_126 = tpu.memref_slice %arg4[%add3A_108, %dma_wait3A_125] : memref<5120x2048xf32, #tpu.memory_space<hbm>> -> memref<16x2048xf32, #tpu.memory_space<hbm>>
      %dma_wait3A_127 = arith.constant 0 : i32
      %dma_wait3A_128 = tpu.memref_slice %arg4[%add3A_108, %dma_wait3A_127] : memref<5120x2048xf32, #tpu.memory_space<hbm>> -> memref<16x2048xf32, #tpu.memory_space<hbm>>
      tpu.wait_dma2 semaphore(%run_scoped3A : memref<!tpu.dma_semaphore, #tpu.memory_space<semaphore_mem>>) src(%arg6 : memref<16x2048xf32, #tpu.memory_space<vmem>>) dst(%dma_wait3A_128 : memref<16x2048xf32, #tpu.memory_space<hbm>>)
      tpu.yield
    }) : () -> ()
    %dma_start3A_109 = arith.constant 144 : i32
    %dma_start3A_110 = tpu.memref_slice %arg5[%dma_start3A_109] : memref<160xi32, #tpu.memory_space<vmem>> -> memref<16xi32, #tpu.memory_space<vmem>>
    %dma_start3A_111 = arith.constant 0 : i32
    %dma_start3A_112 = arith.constant 0 : i32
    %dma_start3A_113 = tpu.memref_slice %arg2[%dma_start3A_111, %dma_start3A_112] : memref<8192x2048xf32, #tpu.memory_space<hbm>> -> memref<8192x2048xf32, #tpu.memory_space<hbm>>
    tpu.enqueue_indirect_dma source(%dma_start3A_113 : memref<8192x2048xf32, #tpu.memory_space<hbm>>) target(%arg6 : memref<16x2048xf32, #tpu.memory_space<vmem>>) offsets(%dma_start3A_110 : memref<16xi32, #tpu.memory_space<vmem>>) semaphore(%arg7 : memref<!tpu.dma_semaphore, #tpu.memory_space<semaphore_mem>>)
    %dma_wait3A_114 = arith.constant 144 : i32
    %dma_wait3A_115 = tpu.memref_slice %arg5[%dma_wait3A_114] : memref<160xi32, #tpu.memory_space<vmem>> -> memref<16xi32, #tpu.memory_space<vmem>>
    %dma_wait3A_116 = arith.constant 0 : i32
    %dma_wait3A_117 = arith.constant 0 : i32
    %dma_wait3A_118 = tpu.memref_slice %arg2[%dma_wait3A_116, %dma_wait3A_117] : memref<8192x2048xf32, #tpu.memory_space<hbm>> -> memref<8192x2048xf32, #tpu.memory_space<hbm>>
    tpu.wait_indirect_dma semaphore(%arg7 : memref<!tpu.dma_semaphore, #tpu.memory_space<semaphore_mem>>) src(%dma_wait3A_118 : memref<8192x2048xf32, #tpu.memory_space<hbm>>) dst(%arg6 : memref<16x2048xf32, #tpu.memory_space<vmem>>)
    %add3A_119 = arith.constant 144 : i32
    %add3A_120 = arith.addi %mul3A_2, %add3A_119 : i32
    "tpu.region"() ({
      %run_scoped3A = tpu.sem_alloc : memref<!tpu.dma_semaphore, #tpu.memory_space<semaphore_mem>>
      %dma_start3A_121 = arith.constant 0 : i32
      %dma_start3A_122 = tpu.memref_slice %arg4[%add3A_120, %dma_start3A_121] : memref<5120x2048xf32, #tpu.memory_space<hbm>> -> memref<16x2048xf32, #tpu.memory_space<hbm>>
      %dma_start3A_123 = arith.constant 0 : i32
      %dma_start3A_124 = tpu.memref_slice %arg4[%add3A_120, %dma_start3A_123] : memref<5120x2048xf32, #tpu.memory_space<hbm>> -> memref<16x2048xf32, #tpu.memory_space<hbm>>
      tpu.enqueue_dma source(%arg6 : memref<16x2048xf32, #tpu.memory_space<vmem>>) target(%dma_start3A_124 : memref<16x2048xf32, #tpu.memory_space<hbm>>) target_semaphore(%run_scoped3A : memref<!tpu.dma_semaphore, #tpu.memory_space<semaphore_mem>>)
      %dma_wait3A_125 = arith.constant 0 : i32
      %dma_wait3A_126 = tpu.memref_slice %arg4[%add3A_120, %dma_wait3A_125] : memref<5120x2048xf32, #tpu.memory_space<hbm>> -> memref<16x2048xf32, #tpu.memory_space<hbm>>
      %dma_wait3A_127 = arith.constant 0 : i32
      %dma_wait3A_128 = tpu.memref_slice %arg4[%add3A_120, %dma_wait3A_127] : memref<5120x2048xf32, #tpu.memory_space<hbm>> -> memref<16x2048xf32, #tpu.memory_space<hbm>>
      tpu.wait_dma2 semaphore(%run_scoped3A : memref<!tpu.dma_semaphore, #tpu.memory_space<semaphore_mem>>) src(%arg6 : memref<16x2048xf32, #tpu.memory_space<vmem>>) dst(%dma_wait3A_128 : memref<16x2048xf32, #tpu.memory_space<hbm>>)
      tpu.yield
    }) : () -> ()
    return
  }
}

module attributes {stable_mosaic.version = 14 : i64} {
  func.func @_conv_body(%arg0: i32, %arg1: memref<256x1024xf32, #tpu.memory_space<vmem>>, %arg2: memref<256x1024xf32, #tpu.memory_space<vmem>>, %arg3: memref<256x1024xf32, #tpu.memory_space<vmem>>, %arg4: memref<1024x2048xf32, #tpu.memory_space<vmem>>, %arg5: memref<1024x2048xf32, #tpu.memory_space<vmem>>, %arg6: memref<1024x2048xf32, #tpu.memory_space<vmem>>, %arg7: memref<1x2048xf32, #tpu.memory_space<vmem>>, %arg8: memref<2048x128xf32, #tpu.memory_space<vmem>>, %arg9: memref<256x2048xf32, #tpu.memory_space<vmem>>, %arg10: memref<256x128xf32, #tpu.memory_space<vmem>>) attributes {dimension_semantics = [#tpu.dimension_semantics<arbitrary>], iteration_bounds = array<i64: 32>, scalar_prefetch = 0 : i64, scratch_operands = 0 : i64, tpu.core_type = #tpu.core_type<tc>, window_params = [{transform_indices = @transform_0, window_bounds = array<i64: 256, 1024>}, {transform_indices = @transform_1, window_bounds = array<i64: 256, 1024>}, {transform_indices = @transform_2, window_bounds = array<i64: 256, 1024>}, {pipeline_mode = #tpu.pipeline_mode<synchronous>, transform_indices = @transform_3, window_bounds = array<i64: 1024, 2048>}, {pipeline_mode = #tpu.pipeline_mode<synchronous>, transform_indices = @transform_4, window_bounds = array<i64: 1024, 2048>}, {pipeline_mode = #tpu.pipeline_mode<synchronous>, transform_indices = @transform_5, window_bounds = array<i64: 1024, 2048>}, {pipeline_mode = #tpu.pipeline_mode<synchronous>, transform_indices = @transform_6, window_bounds = array<i64: 1, 2048>}, {pipeline_mode = #tpu.pipeline_mode<synchronous>, transform_indices = @transform_7, window_bounds = array<i64: 2048, 128>}, {transform_indices = @transform_8, window_bounds = array<i64: 256, 2048>}, {transform_indices = @transform_9, window_bounds = array<i64: 256, 128>}]} {
    %get3A = arith.constant 0 : index
    %get3A_0 = arith.constant 0 : index
    %get3A_1 = vector.load %arg2[%get3A, %get3A_0] : memref<256x1024xf32, #tpu.memory_space<vmem>>, vector<256x1024xf32>
    %iota3A = tpu.iota {dimensions = array<i32: 0>} : vector<256x1xi32>
    %get3A_2 = arith.constant 0 : index
    %get3A_3 = arith.constant 0 : index
    %get3A_4 = vector.load %arg1[%get3A_2, %get3A_3] : memref<256x1024xf32, #tpu.memory_space<vmem>>, vector<256x1024xf32>
    %slice3A = vector.extract_strided_slice %get3A_4 {offsets = [255, 0], sizes = [1, 1024], strides = [1, 1]} : vector<256x1024xf32> to vector<1x1024xf32>
    %slice3A_5 = vector.extract_strided_slice %get3A_1 {offsets = [0, 0], sizes = [255, 1024], strides = [1, 1]} : vector<256x1024xf32> to vector<255x1024xf32>
    %concatenate3A = tpu.concatenate %slice3A, %slice3A_5 in 0 : vector<1x1024xf32>, vector<255x1024xf32> -> vector<256x1024xf32>
    %rem3A = arith.constant 8 : i32
    %rem3A_6 = arith.remsi %arg0, %rem3A : i32
    %eq3A = arith.constant 0 : i32
    %eq3A_7 = arith.cmpi eq, %rem3A_6, %eq3A : i32
    %eq3A_8 = arith.constant 0 : i32
    %eq3A_9 = vector.broadcast %eq3A_8 : i32 to vector<256x1xi32>
    %eq3A_10 = arith.cmpi eq, %iota3A, %eq3A_9 : vector<256x1xi32>
    %and3A = vector.broadcast %eq3A_7 : i1 to vector<256x1xi1>
    %and3A_11 = arith.andi %and3A, %eq3A_10 : vector<256x1xi1>
    %jit3A = arith.constant 0.000000e+00 : f32
    %broadcast_in_dim3A = vector.shape_cast %and3A_11 : vector<256x1xi1> to vector<256x1xi1>
    %broadcast_in_dim3A_12 = vector.broadcast %broadcast_in_dim3A : vector<256x1xi1> to vector<256x1024xi1>
    %broadcast_in_dim3A_13 = vector.broadcast %jit3A : f32 to vector<256x1024xf32>
    %select_n3A = arith.select %broadcast_in_dim3A_12, %broadcast_in_dim3A_13, %concatenate3A : vector<256x1024xi1>, vector<256x1024xf32>
    %slice3A_14 = vector.extract_strided_slice %get3A_1 {offsets = [1, 0], sizes = [255, 1024], strides = [1, 1]} : vector<256x1024xf32> to vector<255x1024xf32>
    %get3A_15 = arith.constant 0 : index
    %get3A_16 = arith.constant 0 : index
    %get3A_17 = vector.load %arg3[%get3A_15, %get3A_16] : memref<256x1024xf32, #tpu.memory_space<vmem>>, vector<256x1024xf32>
    %slice3A_18 = vector.extract_strided_slice %get3A_17 {offsets = [0, 0], sizes = [1, 1024], strides = [1, 1]} : vector<256x1024xf32> to vector<1x1024xf32>
    %concatenate3A_19 = tpu.concatenate %slice3A_14, %slice3A_18 in 0 : vector<255x1024xf32>, vector<1x1024xf32> -> vector<256x1024xf32>
    %rem3A_20 = arith.constant 8 : i32
    %rem3A_21 = arith.remsi %arg0, %rem3A_20 : i32
    %eq3A_22 = arith.constant 7 : i32
    %eq3A_23 = arith.cmpi eq, %rem3A_21, %eq3A_22 : i32
    %eq3A_24 = arith.constant 255 : i32
    %eq3A_25 = vector.broadcast %eq3A_24 : i32 to vector<256x1xi32>
    %eq3A_26 = arith.cmpi eq, %iota3A, %eq3A_25 : vector<256x1xi32>
    %and3A_27 = vector.broadcast %eq3A_23 : i1 to vector<256x1xi1>
    %and3A_28 = arith.andi %and3A_27, %eq3A_26 : vector<256x1xi1>
    %jit3A_29 = arith.constant 0.000000e+00 : f32
    %broadcast_in_dim3A_30 = vector.shape_cast %and3A_28 : vector<256x1xi1> to vector<256x1xi1>
    %broadcast_in_dim3A_31 = vector.broadcast %broadcast_in_dim3A_30 : vector<256x1xi1> to vector<256x1024xi1>
    %broadcast_in_dim3A_32 = vector.broadcast %jit3A_29 : f32 to vector<256x1024xf32>
    %select_n3A_33 = arith.select %broadcast_in_dim3A_31, %broadcast_in_dim3A_32, %concatenate3A_19 : vector<256x1024xi1>, vector<256x1024xf32>
    %get3A_34 = arith.constant 0 : index
    %get3A_35 = arith.constant 0 : index
    %get3A_36 = vector.load %arg4[%get3A_34, %get3A_35] : memref<1024x2048xf32, #tpu.memory_space<vmem>>, vector<1024x2048xf32>
    %dot_general3A = arith.constant dense<0.000000e+00> : vector<256x2048xf32>
    %dot_general3A_37 = tpu.matmul %select_n3A, %get3A_36, %dot_general3A {dimension_numbers = #tpu.dot_dimension_numbers<[1], [0], [0], [1], [0, 0, 1, 1], [], []>, precision = #tpu.contract_precision<fp32>, transpose_lhs_hint = false} : vector<256x1024xf32>, vector<1024x2048xf32>, vector<256x2048xf32> -> vector<256x2048xf32>
    %get3A_38 = arith.constant 0 : index
    %get3A_39 = arith.constant 0 : index
    %get3A_40 = vector.load %arg5[%get3A_38, %get3A_39] : memref<1024x2048xf32, #tpu.memory_space<vmem>>, vector<1024x2048xf32>
    %dot_general3A_41 = arith.constant dense<0.000000e+00> : vector<256x2048xf32>
    %dot_general3A_42 = tpu.matmul %get3A_1, %get3A_40, %dot_general3A_41 {dimension_numbers = #tpu.dot_dimension_numbers<[1], [0], [0], [1], [0, 0, 1, 1], [], []>, precision = #tpu.contract_precision<fp32>, transpose_lhs_hint = false} : vector<256x1024xf32>, vector<1024x2048xf32>, vector<256x2048xf32> -> vector<256x2048xf32>
    %add3A = arith.addf %dot_general3A_37, %dot_general3A_42 : vector<256x2048xf32>
    %get3A_43 = arith.constant 0 : index
    %get3A_44 = arith.constant 0 : index
    %get3A_45 = vector.load %arg6[%get3A_43, %get3A_44] : memref<1024x2048xf32, #tpu.memory_space<vmem>>, vector<1024x2048xf32>
    %dot_general3A_46 = arith.constant dense<0.000000e+00> : vector<256x2048xf32>
    %dot_general3A_47 = tpu.matmul %select_n3A_33, %get3A_45, %dot_general3A_46 {dimension_numbers = #tpu.dot_dimension_numbers<[1], [0], [0], [1], [0, 0, 1, 1], [], []>, precision = #tpu.contract_precision<fp32>, transpose_lhs_hint = false} : vector<256x1024xf32>, vector<1024x2048xf32>, vector<256x2048xf32> -> vector<256x2048xf32>
    %add3A_48 = arith.addf %add3A, %dot_general3A_47 : vector<256x2048xf32>
    %get3A_49 = arith.constant 0 : index
    %get3A_50 = arith.constant 0 : index
    %get3A_51 = vector.load %arg7[%get3A_49, %get3A_50] : memref<1x2048xf32, #tpu.memory_space<vmem>>, vector<1x2048xf32>
    %add3A_52 = vector.broadcast %get3A_51 : vector<1x2048xf32> to vector<256x2048xf32>
    %add3A_53 = arith.addf %add3A_48, %add3A_52 : vector<256x2048xf32>
    %max3A = arith.constant 0.000000e+00 : f32
    %max3A_54 = vector.broadcast %max3A : f32 to vector<256x2048xf32>
    %max3A_55 = arith.maximumf %add3A_53, %max3A_54 : vector<256x2048xf32>
    %swap3A = arith.constant 0 : index
    %swap3A_56 = arith.constant 0 : index
    %swap3A_57 = vector.load %arg9[%swap3A, %swap3A_56] : memref<256x2048xf32, #tpu.memory_space<vmem>>, vector<256x2048xf32>
    tpu.vector_store %arg9[%swap3A, %swap3A_56], %max3A_55 {strides = array<i32>} : memref<256x2048xf32, #tpu.memory_space<vmem>>, vector<256x2048xf32>,
    %get3A_58 = arith.constant 0 : index
    %get3A_59 = arith.constant 0 : index
    %get3A_60 = vector.load %arg8[%get3A_58, %get3A_59] : memref<2048x128xf32, #tpu.memory_space<vmem>>, vector<2048x128xf32>
    %dot_general3A_61 = arith.constant dense<0.000000e+00> : vector<256x128xf32>
    %dot_general3A_62 = tpu.matmul %max3A_55, %get3A_60, %dot_general3A_61 {dimension_numbers = #tpu.dot_dimension_numbers<[1], [0], [0], [1], [0, 0, 1, 1], [], []>, precision = #tpu.contract_precision<fp32>, transpose_lhs_hint = false} : vector<256x2048xf32>, vector<2048x128xf32>, vector<256x128xf32> -> vector<256x128xf32>
    %max3A_63 = arith.constant 0.000000e+00 : f32
    %max3A_64 = vector.broadcast %max3A_63 : f32 to vector<256x128xf32>
    %max3A_65 = arith.maximumf %dot_general3A_62, %max3A_64 : vector<256x128xf32>
    %swap3A_66 = arith.constant 0 : index
    %swap3A_67 = arith.constant 0 : index
    %swap3A_68 = vector.load %arg10[%swap3A_66, %swap3A_67] : memref<256x128xf32, #tpu.memory_space<vmem>>, vector<256x128xf32>
    tpu.vector_store %arg10[%swap3A_66, %swap3A_67], %max3A_65 {strides = array<i32>} : memref<256x128xf32, #tpu.memory_space<vmem>>, vector<256x128xf32>,
    return
  }
  func.func @transform_0(%arg0: i32) -> (i32, i32) {
    %sub3A = arith.constant 1 : i32
    %sub3A_0 = arith.subi %arg0, %sub3A : i32
    %max3A = arith.constant 0 : i32
    %max3A_1 = arith.maxsi %sub3A_0, %max3A : i32
    %c0_i32 = arith.constant 0 : i32
    %c0_i32_2 = arith.constant 0 : i32
    return %max3A_1, %c0_i32 : i32, i32
  }
  func.func @transform_1(%arg0: i32) -> (i32, i32) {
    %c0_i32 = arith.constant 0 : i32
    %c0_i32_0 = arith.constant 0 : i32
    return %arg0, %c0_i32 : i32, i32
  }
  func.func @transform_2(%arg0: i32) -> (i32, i32) {
    %add3A = arith.constant 1 : i32
    %add3A_0 = arith.addi %arg0, %add3A : i32
    %min3A = arith.constant 31 : i32
    %min3A_1 = arith.minsi %add3A_0, %min3A : i32
    %c0_i32 = arith.constant 0 : i32
    %c0_i32_2 = arith.constant 0 : i32
    return %min3A_1, %c0_i32 : i32, i32
  }
  func.func @transform_3(%arg0: i32) -> (i32, i32) {
    %c0_i32 = arith.constant 0 : i32
    %c0_i32_0 = arith.constant 0 : i32
    %c0_i32_1 = arith.constant 0 : i32
    return %c0_i32, %c0_i32_0 : i32, i32
  }
  func.func @transform_4(%arg0: i32) -> (i32, i32) {
    %c0_i32 = arith.constant 0 : i32
    %c0_i32_0 = arith.constant 0 : i32
    %c0_i32_1 = arith.constant 0 : i32
    return %c0_i32, %c0_i32_0 : i32, i32
  }
  func.func @transform_5(%arg0: i32) -> (i32, i32) {
    %c0_i32 = arith.constant 0 : i32
    %c0_i32_0 = arith.constant 0 : i32
    %c0_i32_1 = arith.constant 0 : i32
    return %c0_i32, %c0_i32_0 : i32, i32
  }
  func.func @transform_6(%arg0: i32) -> (i32, i32) {
    %c0_i32 = arith.constant 0 : i32
    %c0_i32_0 = arith.constant 0 : i32
    %c0_i32_1 = arith.constant 0 : i32
    return %c0_i32, %c0_i32_0 : i32, i32
  }
  func.func @transform_7(%arg0: i32) -> (i32, i32) {
    %c0_i32 = arith.constant 0 : i32
    %c0_i32_0 = arith.constant 0 : i32
    %c0_i32_1 = arith.constant 0 : i32
    return %c0_i32, %c0_i32_0 : i32, i32
  }
  func.func @transform_8(%arg0: i32) -> (i32, i32) {
    %c0_i32 = arith.constant 0 : i32
    %c0_i32_0 = arith.constant 0 : i32
    return %arg0, %c0_i32 : i32, i32
  }
  func.func @transform_9(%arg0: i32) -> (i32, i32) {
    %c0_i32 = arith.constant 0 : i32
    %c0_i32_0 = arith.constant 0 : i32
    return %arg0, %c0_i32 : i32, i32
  }
}

module attributes {stable_mosaic.version = 14 : i64} {
  func.func @_mine_body(%arg0: i32, %arg1: memref<1x2048x128xf32, #tpu.memory_space<vmem>>, %arg2: memref<1x1x1280xi32, #tpu.memory_space<vmem>>, %arg3: memref<1x1x128xf32, #tpu.memory_space<vmem>>, %arg4: memref<1x1x2048xf32, #tpu.memory_space<vmem>>) attributes {dimension_semantics = [#tpu.dimension_semantics<arbitrary>], iteration_bounds = array<i64: 4>, scalar_prefetch = 0 : i64, scratch_operands = 0 : i64, tpu.core_type = #tpu.core_type<tc>, window_params = [{transform_indices = @transform_0, window_bounds = array<i64: 1, 2048, 128>}, {transform_indices = @transform_1, window_bounds = array<i64: 1, 1, 1280>}, {transform_indices = @transform_2, window_bounds = array<i64: 1, 1, 128>}, {transform_indices = @transform_3, window_bounds = array<i64: 1, 1, 2048>}]} {
    %get3A = arith.constant 0 : index
    %get3A_0 = arith.constant 0 : index
    %get3A_1 = arith.constant 0 : index
    %get3A_2 = vector.load %arg1[%get3A, %get3A_0, %get3A_1] : memref<1x2048x128xf32, #tpu.memory_space<vmem>>, vector<1x2048x128xf32>
    %reshape3A = vector.shape_cast %get3A_2 : vector<1x2048x128xf32> to vector<2048x128xf32>
    %reduce_sum3A = arith.constant dense<0.000000e+00> : vector<2048xf32>
    %reduce_sum3A_3 = vector.multi_reduction <add>, %reshape3A, %reduce_sum3A [1] : vector<2048x128xf32> to vector<2048xf32>
    %broadcast_in_dim3A = vector.shape_cast %reduce_sum3A_3 : vector<2048xf32> to vector<2048x1xf32>
    %broadcast_in_dim3A_4 = vector.shape_cast %broadcast_in_dim3A : vector<2048x1xf32> to vector<2048x1xf32>
    %broadcast_in_dim3A_5 = vector.broadcast %broadcast_in_dim3A_4 : vector<2048x1xf32> to vector<2048x128xf32>
    %transpose3A = tpu.transpose %broadcast_in_dim3A_5, [1, 0] : vector<2048x128xf32> -> vector<128x2048xf32>
    %slice3A = vector.extract_strided_slice %transpose3A {offsets = [0, 0], sizes = [1, 2048], strides = [1, 1]} : vector<128x2048xf32> to vector<1x2048xf32>
    %reshape3A_6 = vector.shape_cast %slice3A : vector<1x2048xf32> to vector<1x1x2048xf32>
    %swap3A = arith.constant 0 : index
    %swap3A_7 = arith.constant 0 : index
    %swap3A_8 = arith.constant 0 : index
    %swap3A_9 = vector.load %arg4[%swap3A, %swap3A_7, %swap3A_8] : memref<1x1x2048xf32, #tpu.memory_space<vmem>>, vector<1x1x2048xf32>
    tpu.vector_store %arg4[%swap3A, %swap3A_7, %swap3A_8], %reshape3A_6 {strides = array<i32>} : memref<1x1x2048xf32, #tpu.memory_space<vmem>>, vector<1x1x2048xf32>,
    %slice3A_10 = vector.extract_strided_slice %broadcast_in_dim3A {offsets = [0, 0], sizes = [256, 1], strides = [1, 1]} : vector<2048x1xf32> to vector<256x1xf32>
    %le3A = vector.broadcast %slice3A : vector<1x2048xf32> to vector<256x2048xf32>
    %le3A_11 = vector.broadcast %slice3A_10 : vector<256x1xf32> to vector<256x2048xf32>
    %le3A_12 = arith.cmpf ole, %le3A, %le3A_11 : vector<256x2048xf32>
    %jit3A = arith.constant 1.000000e+00 : f32
    %jit3A_13 = arith.constant 0.000000e+00 : f32
    %broadcast_in_dim3A_14 = vector.broadcast %jit3A : f32 to vector<256x2048xf32>
    %broadcast_in_dim3A_15 = vector.broadcast %jit3A_13 : f32 to vector<256x2048xf32>
    %select_n3A = arith.select %le3A_12, %broadcast_in_dim3A_14, %broadcast_in_dim3A_15 : vector<256x2048xi1>, vector<256x2048xf32>
    %reduce_sum3A_16 = arith.constant dense<0.000000e+00> : vector<256xf32>
    %reduce_sum3A_17 = vector.multi_reduction <add>, %select_n3A, %reduce_sum3A_16 [1] : vector<256x2048xf32> to vector<256xf32>
    %broadcast_in_dim3A_18 = vector.shape_cast %reduce_sum3A_17 : vector<256xf32> to vector<256x1xf32>
    %slice3A_19 = vector.extract_strided_slice %broadcast_in_dim3A {offsets = [256, 0], sizes = [256, 1], strides = [1, 1]} : vector<2048x1xf32> to vector<256x1xf32>
    %le3A_20 = vector.broadcast %slice3A : vector<1x2048xf32> to vector<256x2048xf32>
    %le3A_21 = vector.broadcast %slice3A_19 : vector<256x1xf32> to vector<256x2048xf32>
    %le3A_22 = arith.cmpf ole, %le3A_20, %le3A_21 : vector<256x2048xf32>
    %jit3A_23 = arith.constant 1.000000e+00 : f32
    %jit3A_24 = arith.constant 0.000000e+00 : f32
    %broadcast_in_dim3A_25 = vector.broadcast %jit3A_23 : f32 to vector<256x2048xf32>
    %broadcast_in_dim3A_26 = vector.broadcast %jit3A_24 : f32 to vector<256x2048xf32>
    %select_n3A_27 = arith.select %le3A_22, %broadcast_in_dim3A_25, %broadcast_in_dim3A_26 : vector<256x2048xi1>, vector<256x2048xf32>
    %reduce_sum3A_28 = arith.constant dense<0.000000e+00> : vector<256xf32>
    %reduce_sum3A_29 = vector.multi_reduction <add>, %select_n3A_27, %reduce_sum3A_28 [1] : vector<256x2048xf32> to vector<256xf32>
    %broadcast_in_dim3A_30 = vector.shape_cast %reduce_sum3A_29 : vector<256xf32> to vector<256x1xf32>
    %slice3A_31 = vector.extract_strided_slice %broadcast_in_dim3A {offsets = [512, 0], sizes = [256, 1], strides = [1, 1]} : vector<2048x1xf32> to vector<256x1xf32>
    %le3A_32 = vector.broadcast %slice3A : vector<1x2048xf32> to vector<256x2048xf32>
    %le3A_33 = vector.broadcast %slice3A_31 : vector<256x1xf32> to vector<256x2048xf32>
    %le3A_34 = arith.cmpf ole, %le3A_32, %le3A_33 : vector<256x2048xf32>
    %jit3A_35 = arith.constant 1.000000e+00 : f32
    %jit3A_36 = arith.constant 0.000000e+00 : f32
    %broadcast_in_dim3A_37 = vector.broadcast %jit3A_35 : f32 to vector<256x2048xf32>
    %broadcast_in_dim3A_38 = vector.broadcast %jit3A_36 : f32 to vector<256x2048xf32>
    %select_n3A_39 = arith.select %le3A_34, %broadcast_in_dim3A_37, %broadcast_in_dim3A_38 : vector<256x2048xi1>, vector<256x2048xf32>
    %reduce_sum3A_40 = arith.constant dense<0.000000e+00> : vector<256xf32>
    %reduce_sum3A_41 = vector.multi_reduction <add>, %select_n3A_39, %reduce_sum3A_40 [1] : vector<256x2048xf32> to vector<256xf32>
    %broadcast_in_dim3A_42 = vector.shape_cast %reduce_sum3A_41 : vector<256xf32> to vector<256x1xf32>
    %slice3A_43 = vector.extract_strided_slice %broadcast_in_dim3A {offsets = [768, 0], sizes = [256, 1], strides = [1, 1]} : vector<2048x1xf32> to vector<256x1xf32>
    %le3A_44 = vector.broadcast %slice3A : vector<1x2048xf32> to vector<256x2048xf32>
    %le3A_45 = vector.broadcast %slice3A_43 : vector<256x1xf32> to vector<256x2048xf32>
    %le3A_46 = arith.cmpf ole, %le3A_44, %le3A_45 : vector<256x2048xf32>
    %jit3A_47 = arith.constant 1.000000e+00 : f32
    %jit3A_48 = arith.constant 0.000000e+00 : f32
    %broadcast_in_dim3A_49 = vector.broadcast %jit3A_47 : f32 to vector<256x2048xf32>
    %broadcast_in_dim3A_50 = vector.broadcast %jit3A_48 : f32 to vector<256x2048xf32>
    %select_n3A_51 = arith.select %le3A_46, %broadcast_in_dim3A_49, %broadcast_in_dim3A_50 : vector<256x2048xi1>, vector<256x2048xf32>
    %reduce_sum3A_52 = arith.constant dense<0.000000e+00> : vector<256xf32>
    %reduce_sum3A_53 = vector.multi_reduction <add>, %select_n3A_51, %reduce_sum3A_52 [1] : vector<256x2048xf32> to vector<256xf32>
    %broadcast_in_dim3A_54 = vector.shape_cast %reduce_sum3A_53 : vector<256xf32> to vector<256x1xf32>
    %slice3A_55 = vector.extract_strided_slice %broadcast_in_dim3A {offsets = [1024, 0], sizes = [256, 1], strides = [1, 1]} : vector<2048x1xf32> to vector<256x1xf32>
    %le3A_56 = vector.broadcast %slice3A : vector<1x2048xf32> to vector<256x2048xf32>
    %le3A_57 = vector.broadcast %slice3A_55 : vector<256x1xf32> to vector<256x2048xf32>
    %le3A_58 = arith.cmpf ole, %le3A_56, %le3A_57 : vector<256x2048xf32>
    %jit3A_59 = arith.constant 1.000000e+00 : f32
    %jit3A_60 = arith.constant 0.000000e+00 : f32
    %broadcast_in_dim3A_61 = vector.broadcast %jit3A_59 : f32 to vector<256x2048xf32>
    %broadcast_in_dim3A_62 = vector.broadcast %jit3A_60 : f32 to vector<256x2048xf32>
    %select_n3A_63 = arith.select %le3A_58, %broadcast_in_dim3A_61, %broadcast_in_dim3A_62 : vector<256x2048xi1>, vector<256x2048xf32>
    %reduce_sum3A_64 = arith.constant dense<0.000000e+00> : vector<256xf32>
    %reduce_sum3A_65 = vector.multi_reduction <add>, %select_n3A_63, %reduce_sum3A_64 [1] : vector<256x2048xf32> to vector<256xf32>
    %broadcast_in_dim3A_66 = vector.shape_cast %reduce_sum3A_65 : vector<256xf32> to vector<256x1xf32>
    %slice3A_67 = vector.extract_strided_slice %broadcast_in_dim3A {offsets = [1280, 0], sizes = [256, 1], strides = [1, 1]} : vector<2048x1xf32> to vector<256x1xf32>
    %le3A_68 = vector.broadcast %slice3A : vector<1x2048xf32> to vector<256x2048xf32>
    %le3A_69 = vector.broadcast %slice3A_67 : vector<256x1xf32> to vector<256x2048xf32>
    %le3A_70 = arith.cmpf ole, %le3A_68, %le3A_69 : vector<256x2048xf32>
    %jit3A_71 = arith.constant 1.000000e+00 : f32
    %jit3A_72 = arith.constant 0.000000e+00 : f32
    %broadcast_in_dim3A_73 = vector.broadcast %jit3A_71 : f32 to vector<256x2048xf32>
    %broadcast_in_dim3A_74 = vector.broadcast %jit3A_72 : f32 to vector<256x2048xf32>
    %select_n3A_75 = arith.select %le3A_70, %broadcast_in_dim3A_73, %broadcast_in_dim3A_74 : vector<256x2048xi1>, vector<256x2048xf32>
    %reduce_sum3A_76 = arith.constant dense<0.000000e+00> : vector<256xf32>
    %reduce_sum3A_77 = vector.multi_reduction <add>, %select_n3A_75, %reduce_sum3A_76 [1] : vector<256x2048xf32> to vector<256xf32>
    %broadcast_in_dim3A_78 = vector.shape_cast %reduce_sum3A_77 : vector<256xf32> to vector<256x1xf32>
    %slice3A_79 = vector.extract_strided_slice %broadcast_in_dim3A {offsets = [1536, 0], sizes = [256, 1], strides = [1, 1]} : vector<2048x1xf32> to vector<256x1xf32>
    %le3A_80 = vector.broadcast %slice3A : vector<1x2048xf32> to vector<256x2048xf32>
    %le3A_81 = vector.broadcast %slice3A_79 : vector<256x1xf32> to vector<256x2048xf32>
    %le3A_82 = arith.cmpf ole, %le3A_80, %le3A_81 : vector<256x2048xf32>
    %jit3A_83 = arith.constant 1.000000e+00 : f32
    %jit3A_84 = arith.constant 0.000000e+00 : f32
    %broadcast_in_dim3A_85 = vector.broadcast %jit3A_83 : f32 to vector<256x2048xf32>
    %broadcast_in_dim3A_86 = vector.broadcast %jit3A_84 : f32 to vector<256x2048xf32>
    %select_n3A_87 = arith.select %le3A_82, %broadcast_in_dim3A_85, %broadcast_in_dim3A_86 : vector<256x2048xi1>, vector<256x2048xf32>
    %reduce_sum3A_88 = arith.constant dense<0.000000e+00> : vector<256xf32>
    %reduce_sum3A_89 = vector.multi_reduction <add>, %select_n3A_87, %reduce_sum3A_88 [1] : vector<256x2048xf32> to vector<256xf32>
    %broadcast_in_dim3A_90 = vector.shape_cast %reduce_sum3A_89 : vector<256xf32> to vector<256x1xf32>
    %slice3A_91 = vector.extract_strided_slice %broadcast_in_dim3A {offsets = [1792, 0], sizes = [256, 1], strides = [1, 1]} : vector<2048x1xf32> to vector<256x1xf32>
    %le3A_92 = vector.broadcast %slice3A : vector<1x2048xf32> to vector<256x2048xf32>
    %le3A_93 = vector.broadcast %slice3A_91 : vector<256x1xf32> to vector<256x2048xf32>
    %le3A_94 = arith.cmpf ole, %le3A_92, %le3A_93 : vector<256x2048xf32>
    %jit3A_95 = arith.constant 1.000000e+00 : f32
    %jit3A_96 = arith.constant 0.000000e+00 : f32
    %broadcast_in_dim3A_97 = vector.broadcast %jit3A_95 : f32 to vector<256x2048xf32>
    %broadcast_in_dim3A_98 = vector.broadcast %jit3A_96 : f32 to vector<256x2048xf32>
    %select_n3A_99 = arith.select %le3A_94, %broadcast_in_dim3A_97, %broadcast_in_dim3A_98 : vector<256x2048xi1>, vector<256x2048xf32>
    %reduce_sum3A_100 = arith.constant dense<0.000000e+00> : vector<256xf32>
    %reduce_sum3A_101 = vector.multi_reduction <add>, %select_n3A_99, %reduce_sum3A_100 [1] : vector<256x2048xf32> to vector<256xf32>
    %broadcast_in_dim3A_102 = vector.shape_cast %reduce_sum3A_101 : vector<256xf32> to vector<256x1xf32>
    %concatenate3A = tpu.concatenate %broadcast_in_dim3A_18, %broadcast_in_dim3A_30, %broadcast_in_dim3A_42, %broadcast_in_dim3A_54, %broadcast_in_dim3A_66, %broadcast_in_dim3A_78, %broadcast_in_dim3A_90, %broadcast_in_dim3A_102 in 0 : vector<256x1xf32>, vector<256x1xf32>, vector<256x1xf32>, vector<256x1xf32>, vector<256x1xf32>, vector<256x1xf32>, vector<256x1xf32>, vector<256x1xf32> -> vector<2048x1xf32>
    %ge3A = arith.constant 1.024000e+03 : f32
    %ge3A_103 = vector.broadcast %ge3A : f32 to vector<2048x1xf32>
    %ge3A_104 = arith.cmpf oge, %concatenate3A, %ge3A_103 : vector<2048x1xf32>
    %jit3A_105 = arith.constant 3.400000e+38 : f32
    %broadcast_in_dim3A_106 = vector.broadcast %jit3A_105 : f32 to vector<2048x1xf32>
    %select_n3A_107 = arith.select %ge3A_104, %broadcast_in_dim3A, %broadcast_in_dim3A_106 : vector<2048x1xi1>, vector<2048x1xf32>
    %reduce_min3A = vector.shape_cast %select_n3A_107 : vector<2048x1xf32> to vector<1x2048x1xf32>
    %reduce_min3A_108 = arith.constant dense<0x7F800000> : vector<1xf32>
    %reduce_min3A_109 = vector.multi_reduction <minimumf>, %reduce_min3A, %reduce_min3A_108 [1, 2] : vector<1x2048x1xf32> to vector<1xf32>
    %reduce_min3A_110 = vector.shape_cast %reduce_min3A_109 : vector<1xf32> to vector<1x1x1xf32>
    %reduce_min3A_111 = vector.extract %reduce_min3A_110[0, 0, 0] : f32 from vector<1x1x1xf32>
    %ge3A_112 = arith.constant 1.025000e+03 : f32
    %ge3A_113 = vector.broadcast %ge3A_112 : f32 to vector<2048x1xf32>
    %ge3A_114 = arith.cmpf oge, %concatenate3A, %ge3A_113 : vector<2048x1xf32>
    %jit3A_115 = arith.constant 3.400000e+38 : f32
    %broadcast_in_dim3A_116 = vector.broadcast %jit3A_115 : f32 to vector<2048x1xf32>
    %select_n3A_117 = arith.select %ge3A_114, %broadcast_in_dim3A, %broadcast_in_dim3A_116 : vector<2048x1xi1>, vector<2048x1xf32>
    %reduce_min3A_118 = vector.shape_cast %select_n3A_117 : vector<2048x1xf32> to vector<1x2048x1xf32>
    %reduce_min3A_119 = arith.constant dense<0x7F800000> : vector<1xf32>
    %reduce_min3A_120 = vector.multi_reduction <minimumf>, %reduce_min3A_118, %reduce_min3A_119 [1, 2] : vector<1x2048x1xf32> to vector<1xf32>
    %reduce_min3A_121 = vector.shape_cast %reduce_min3A_120 : vector<1xf32> to vector<1x1x1xf32>
    %reduce_min3A_122 = vector.extract %reduce_min3A_121[0, 0, 0] : f32 from vector<1x1x1xf32>
    %add3A = arith.addf %reduce_min3A_111, %reduce_min3A_122 : f32
    %mul3A = arith.constant 5.000000e-01 : f32
    %mul3A_123 = arith.mulf %mul3A, %add3A : f32
    %gt3A = vector.broadcast %mul3A_123 : f32 to vector<2048x1xf32>
    %gt3A_124 = arith.cmpf ogt, %broadcast_in_dim3A, %gt3A : vector<2048x1xf32>
    %jit3A_125 = arith.constant 1.000000e+00 : f32
    %jit3A_126 = arith.constant 0.000000e+00 : f32
    %broadcast_in_dim3A_127 = vector.broadcast %jit3A_125 : f32 to vector<2048x1xf32>
    %broadcast_in_dim3A_128 = vector.broadcast %jit3A_126 : f32 to vector<2048x1xf32>
    %select_n3A_129 = arith.select %gt3A_124, %broadcast_in_dim3A_127, %broadcast_in_dim3A_128 : vector<2048x1xi1>, vector<2048x1xf32>
    %broadcast_in_dim3A_130 = arith.constant 0.000000e+00 : f32
    %broadcast_in_dim3A_131 = vector.broadcast %broadcast_in_dim3A_130 : f32 to vector<2048x1xf32>
    %broadcast_in_dim3A_132 = arith.constant 0.000000e+00 : f32
    %broadcast_in_dim3A_133 = vector.broadcast %broadcast_in_dim3A_132 : f32 to vector<2048x1xf32>
    %broadcast_in_dim3A_134 = arith.constant 0.000000e+00 : f32
    %broadcast_in_dim3A_135 = vector.broadcast %broadcast_in_dim3A_134 : f32 to vector<2048x1xf32>
    %broadcast_in_dim3A_136 = arith.constant 0.000000e+00 : f32
    %broadcast_in_dim3A_137 = vector.broadcast %broadcast_in_dim3A_136 : f32 to vector<2048x1xf32>
    %broadcast_in_dim3A_138 = arith.constant 0.000000e+00 : f32
    %broadcast_in_dim3A_139 = vector.broadcast %broadcast_in_dim3A_138 : f32 to vector<2048x1xf32>
    %broadcast_in_dim3A_140 = arith.constant 0.000000e+00 : f32
    %broadcast_in_dim3A_141 = vector.broadcast %broadcast_in_dim3A_140 : f32 to vector<2048x1xf32>
    %min3A = arith.minimumf %broadcast_in_dim3A_135, %select_n3A_129 : vector<2048x1xf32>
    %min3A_142 = arith.minimumf %min3A, %broadcast_in_dim3A_137 : vector<2048x1xf32>
    %min3A_143 = arith.minimumf %min3A_142, %broadcast_in_dim3A_131 : vector<2048x1xf32>
    %min3A_144 = arith.minimumf %min3A_143, %broadcast_in_dim3A_133 : vector<2048x1xf32>
    %min3A_145 = arith.minimumf %min3A_144, %broadcast_in_dim3A_139 : vector<2048x1xf32>
    %max3A = arith.maximumf %broadcast_in_dim3A_135, %select_n3A_129 : vector<2048x1xf32>
    %max3A_146 = arith.maximumf %max3A, %broadcast_in_dim3A_137 : vector<2048x1xf32>
    %max3A_147 = arith.maximumf %max3A_146, %broadcast_in_dim3A_133 : vector<2048x1xf32>
    %max3A_148 = arith.maximumf %max3A_147, %broadcast_in_dim3A_139 : vector<2048x1xf32>
    %max3A_149 = arith.maximumf %max3A_148, %broadcast_in_dim3A_141 : vector<2048x1xf32>
    %sub3A = arith.subf %min3A_142, %min3A_145 : vector<2048x1xf32>
    %mul3A_150 = arith.mulf %broadcast_in_dim3A, %sub3A : vector<2048x1xf32>
    %sub3A_151 = arith.subf %max3A_149, %max3A_146 : vector<2048x1xf32>
    %mul3A_152 = arith.mulf %broadcast_in_dim3A, %sub3A_151 : vector<2048x1xf32>
    %reduce_max3A = vector.shape_cast %broadcast_in_dim3A : vector<2048x1xf32> to vector<1x2048x1xf32>
    %reduce_max3A_153 = arith.constant dense<0xFF800000> : vector<1xf32>
    %reduce_max3A_154 = vector.multi_reduction <maximumf>, %reduce_max3A, %reduce_max3A_153 [1, 2] : vector<1x2048x1xf32> to vector<1xf32>
    %reduce_max3A_155 = vector.shape_cast %reduce_max3A_154 : vector<1xf32> to vector<1x1x1xf32>
    %reduce_max3A_156 = vector.extract %reduce_max3A_155[0, 0, 0] : f32 from vector<1x1x1xf32>
    %sub3A_157 = vector.broadcast %reduce_max3A_156 : f32 to vector<2048x1xf32>
    %sub3A_158 = arith.subf %sub3A_157, %broadcast_in_dim3A : vector<2048x1xf32>
    %mul3A_159 = arith.constant 2048 : i32
    %mul3A_160 = arith.muli %arg0, %mul3A_159 : i32
    %broadcast_in_dim3A_161 = vector.shape_cast %broadcast_in_dim3A : vector<2048x1xf32> to vector<2048x1xf32>
    %broadcast_in_dim3A_162 = vector.broadcast %broadcast_in_dim3A_161 : vector<2048x1xf32> to vector<2048x128xf32>
    %transpose3A_163 = tpu.transpose %broadcast_in_dim3A_162, [1, 0] : vector<2048x128xf32> -> vector<128x2048xf32>
    %slice3A_164 = vector.extract_strided_slice %transpose3A_163 {offsets = [0, 0], sizes = [1, 2048], strides = [1, 1]} : vector<128x2048xf32> to vector<1x2048xf32>
    %iota3A = tpu.iota {dimensions = array<i32: 1>} : vector<1x2048xi32>
    %slice3A_165 = vector.extract_strided_slice %broadcast_in_dim3A {offsets = [0, 0], sizes = [256, 1], strides = [1, 1]} : vector<2048x1xf32> to vector<256x1xf32>
    %iota3A_166 = tpu.iota {dimensions = array<i32: 0>} : vector<256x1xi32>
    %add3A_167 = arith.constant 0 : i32
    %add3A_168 = vector.broadcast %add3A_167 : i32 to vector<256x1xi32>
    %add3A_169 = arith.addi %iota3A_166, %add3A_168 : vector<256x1xi32>
    %gt3A_170 = vector.broadcast %slice3A_164 : vector<1x2048xf32> to vector<256x2048xf32>
    %gt3A_171 = vector.broadcast %slice3A_165 : vector<256x1xf32> to vector<256x2048xf32>
    %gt3A_172 = arith.cmpf ogt, %gt3A_170, %gt3A_171 : vector<256x2048xf32>
    %eq3A = vector.broadcast %slice3A_164 : vector<1x2048xf32> to vector<256x2048xf32>
    %eq3A_173 = vector.broadcast %slice3A_165 : vector<256x1xf32> to vector<256x2048xf32>
    %eq3A_174 = arith.cmpf oeq, %eq3A, %eq3A_173 : vector<256x2048xf32>
    %lt3A = vector.broadcast %iota3A : vector<1x2048xi32> to vector<256x2048xi32>
    %lt3A_175 = vector.broadcast %add3A_169 : vector<256x1xi32> to vector<256x2048xi32>
    %lt3A_176 = arith.cmpi slt, %lt3A, %lt3A_175 : vector<256x2048xi32>
    %and3A = arith.andi %eq3A_174, %lt3A_176 : vector<256x2048xi1>
    %or3A = arith.ori %gt3A_172, %and3A : vector<256x2048xi1>
    %jit3A_177 = arith.constant 1 : i32
    %jit3A_178 = arith.constant 0 : i32
    %broadcast_in_dim3A_179 = vector.broadcast %jit3A_177 : i32 to vector<256x2048xi32>
    %broadcast_in_dim3A_180 = vector.broadcast %jit3A_178 : i32 to vector<256x2048xi32>
    %select_n3A_181 = arith.select %or3A, %broadcast_in_dim3A_179, %broadcast_in_dim3A_180 : vector<256x2048xi1>, vector<256x2048xi32>
    %reduce_sum3A_182 = arith.constant dense<0> : vector<256xi32>
    %reduce_sum3A_183 = vector.multi_reduction <add>, %select_n3A_181, %reduce_sum3A_182 [1] : vector<256x2048xi32> to vector<256xi32>
    %broadcast_in_dim3A_184 = vector.shape_cast %reduce_sum3A_183 : vector<256xi32> to vector<256x1xi32>
    %slice3A_185 = vector.extract_strided_slice %broadcast_in_dim3A {offsets = [256, 0], sizes = [256, 1], strides = [1, 1]} : vector<2048x1xf32> to vector<256x1xf32>
    %iota3A_186 = tpu.iota {dimensions = array<i32: 0>} : vector<256x1xi32>
    %add3A_187 = arith.constant 256 : i32
    %add3A_188 = vector.broadcast %add3A_187 : i32 to vector<256x1xi32>
    %add3A_189 = arith.addi %iota3A_186, %add3A_188 : vector<256x1xi32>
    %gt3A_190 = vector.broadcast %slice3A_164 : vector<1x2048xf32> to vector<256x2048xf32>
    %gt3A_191 = vector.broadcast %slice3A_185 : vector<256x1xf32> to vector<256x2048xf32>
    %gt3A_192 = arith.cmpf ogt, %gt3A_190, %gt3A_191 : vector<256x2048xf32>
    %eq3A_193 = vector.broadcast %slice3A_164 : vector<1x2048xf32> to vector<256x2048xf32>
    %eq3A_194 = vector.broadcast %slice3A_185 : vector<256x1xf32> to vector<256x2048xf32>
    %eq3A_195 = arith.cmpf oeq, %eq3A_193, %eq3A_194 : vector<256x2048xf32>
    %lt3A_196 = vector.broadcast %iota3A : vector<1x2048xi32> to vector<256x2048xi32>
    %lt3A_197 = vector.broadcast %add3A_189 : vector<256x1xi32> to vector<256x2048xi32>
    %lt3A_198 = arith.cmpi slt, %lt3A_196, %lt3A_197 : vector<256x2048xi32>
    %and3A_199 = arith.andi %eq3A_195, %lt3A_198 : vector<256x2048xi1>
    %or3A_200 = arith.ori %gt3A_192, %and3A_199 : vector<256x2048xi1>
    %jit3A_201 = arith.constant 1 : i32
    %jit3A_202 = arith.constant 0 : i32
    %broadcast_in_dim3A_203 = vector.broadcast %jit3A_201 : i32 to vector<256x2048xi32>
    %broadcast_in_dim3A_204 = vector.broadcast %jit3A_202 : i32 to vector<256x2048xi32>
    %select_n3A_205 = arith.select %or3A_200, %broadcast_in_dim3A_203, %broadcast_in_dim3A_204 : vector<256x2048xi1>, vector<256x2048xi32>
    %reduce_sum3A_206 = arith.constant dense<0> : vector<256xi32>
    %reduce_sum3A_207 = vector.multi_reduction <add>, %select_n3A_205, %reduce_sum3A_206 [1] : vector<256x2048xi32> to vector<256xi32>
    %broadcast_in_dim3A_208 = vector.shape_cast %reduce_sum3A_207 : vector<256xi32> to vector<256x1xi32>
    %slice3A_209 = vector.extract_strided_slice %broadcast_in_dim3A {offsets = [512, 0], sizes = [256, 1], strides = [1, 1]} : vector<2048x1xf32> to vector<256x1xf32>
    %iota3A_210 = tpu.iota {dimensions = array<i32: 0>} : vector<256x1xi32>
    %add3A_211 = arith.constant 512 : i32
    %add3A_212 = vector.broadcast %add3A_211 : i32 to vector<256x1xi32>
    %add3A_213 = arith.addi %iota3A_210, %add3A_212 : vector<256x1xi32>
    %gt3A_214 = vector.broadcast %slice3A_164 : vector<1x2048xf32> to vector<256x2048xf32>
    %gt3A_215 = vector.broadcast %slice3A_209 : vector<256x1xf32> to vector<256x2048xf32>
    %gt3A_216 = arith.cmpf ogt, %gt3A_214, %gt3A_215 : vector<256x2048xf32>
    %eq3A_217 = vector.broadcast %slice3A_164 : vector<1x2048xf32> to vector<256x2048xf32>
    %eq3A_218 = vector.broadcast %slice3A_209 : vector<256x1xf32> to vector<256x2048xf32>
    %eq3A_219 = arith.cmpf oeq, %eq3A_217, %eq3A_218 : vector<256x2048xf32>
    %lt3A_220 = vector.broadcast %iota3A : vector<1x2048xi32> to vector<256x2048xi32>
    %lt3A_221 = vector.broadcast %add3A_213 : vector<256x1xi32> to vector<256x2048xi32>
    %lt3A_222 = arith.cmpi slt, %lt3A_220, %lt3A_221 : vector<256x2048xi32>
    %and3A_223 = arith.andi %eq3A_219, %lt3A_222 : vector<256x2048xi1>
    %or3A_224 = arith.ori %gt3A_216, %and3A_223 : vector<256x2048xi1>
    %jit3A_225 = arith.constant 1 : i32
    %jit3A_226 = arith.constant 0 : i32
    %broadcast_in_dim3A_227 = vector.broadcast %jit3A_225 : i32 to vector<256x2048xi32>
    %broadcast_in_dim3A_228 = vector.broadcast %jit3A_226 : i32 to vector<256x2048xi32>
    %select_n3A_229 = arith.select %or3A_224, %broadcast_in_dim3A_227, %broadcast_in_dim3A_228 : vector<256x2048xi1>, vector<256x2048xi32>
    %reduce_sum3A_230 = arith.constant dense<0> : vector<256xi32>
    %reduce_sum3A_231 = vector.multi_reduction <add>, %select_n3A_229, %reduce_sum3A_230 [1] : vector<256x2048xi32> to vector<256xi32>
    %broadcast_in_dim3A_232 = vector.shape_cast %reduce_sum3A_231 : vector<256xi32> to vector<256x1xi32>
    %slice3A_233 = vector.extract_strided_slice %broadcast_in_dim3A {offsets = [768, 0], sizes = [256, 1], strides = [1, 1]} : vector<2048x1xf32> to vector<256x1xf32>
    %iota3A_234 = tpu.iota {dimensions = array<i32: 0>} : vector<256x1xi32>
    %add3A_235 = arith.constant 768 : i32
    %add3A_236 = vector.broadcast %add3A_235 : i32 to vector<256x1xi32>
    %add3A_237 = arith.addi %iota3A_234, %add3A_236 : vector<256x1xi32>
    %gt3A_238 = vector.broadcast %slice3A_164 : vector<1x2048xf32> to vector<256x2048xf32>
    %gt3A_239 = vector.broadcast %slice3A_233 : vector<256x1xf32> to vector<256x2048xf32>
    %gt3A_240 = arith.cmpf ogt, %gt3A_238, %gt3A_239 : vector<256x2048xf32>
    %eq3A_241 = vector.broadcast %slice3A_164 : vector<1x2048xf32> to vector<256x2048xf32>
    %eq3A_242 = vector.broadcast %slice3A_233 : vector<256x1xf32> to vector<256x2048xf32>
    %eq3A_243 = arith.cmpf oeq, %eq3A_241, %eq3A_242 : vector<256x2048xf32>
    %lt3A_244 = vector.broadcast %iota3A : vector<1x2048xi32> to vector<256x2048xi32>
    %lt3A_245 = vector.broadcast %add3A_237 : vector<256x1xi32> to vector<256x2048xi32>
    %lt3A_246 = arith.cmpi slt, %lt3A_244, %lt3A_245 : vector<256x2048xi32>
    %and3A_247 = arith.andi %eq3A_243, %lt3A_246 : vector<256x2048xi1>
    %or3A_248 = arith.ori %gt3A_240, %and3A_247 : vector<256x2048xi1>
    %jit3A_249 = arith.constant 1 : i32
    %jit3A_250 = arith.constant 0 : i32
    %broadcast_in_dim3A_251 = vector.broadcast %jit3A_249 : i32 to vector<256x2048xi32>
    %broadcast_in_dim3A_252 = vector.broadcast %jit3A_250 : i32 to vector<256x2048xi32>
    %select_n3A_253 = arith.select %or3A_248, %broadcast_in_dim3A_251, %broadcast_in_dim3A_252 : vector<256x2048xi1>, vector<256x2048xi32>
    %reduce_sum3A_254 = arith.constant dense<0> : vector<256xi32>
    %reduce_sum3A_255 = vector.multi_reduction <add>, %select_n3A_253, %reduce_sum3A_254 [1] : vector<256x2048xi32> to vector<256xi32>
    %broadcast_in_dim3A_256 = vector.shape_cast %reduce_sum3A_255 : vector<256xi32> to vector<256x1xi32>
    %slice3A_257 = vector.extract_strided_slice %broadcast_in_dim3A {offsets = [1024, 0], sizes = [256, 1], strides = [1, 1]} : vector<2048x1xf32> to vector<256x1xf32>
    %iota3A_258 = tpu.iota {dimensions = array<i32: 0>} : vector<256x1xi32>
    %add3A_259 = arith.constant 1024 : i32
    %add3A_260 = vector.broadcast %add3A_259 : i32 to vector<256x1xi32>
    %add3A_261 = arith.addi %iota3A_258, %add3A_260 : vector<256x1xi32>
    %gt3A_262 = vector.broadcast %slice3A_164 : vector<1x2048xf32> to vector<256x2048xf32>
    %gt3A_263 = vector.broadcast %slice3A_257 : vector<256x1xf32> to vector<256x2048xf32>
    %gt3A_264 = arith.cmpf ogt, %gt3A_262, %gt3A_263 : vector<256x2048xf32>
    %eq3A_265 = vector.broadcast %slice3A_164 : vector<1x2048xf32> to vector<256x2048xf32>
    %eq3A_266 = vector.broadcast %slice3A_257 : vector<256x1xf32> to vector<256x2048xf32>
    %eq3A_267 = arith.cmpf oeq, %eq3A_265, %eq3A_266 : vector<256x2048xf32>
    %lt3A_268 = vector.broadcast %iota3A : vector<1x2048xi32> to vector<256x2048xi32>
    %lt3A_269 = vector.broadcast %add3A_261 : vector<256x1xi32> to vector<256x2048xi32>
    %lt3A_270 = arith.cmpi slt, %lt3A_268, %lt3A_269 : vector<256x2048xi32>
    %and3A_271 = arith.andi %eq3A_267, %lt3A_270 : vector<256x2048xi1>
    %or3A_272 = arith.ori %gt3A_264, %and3A_271 : vector<256x2048xi1>
    %jit3A_273 = arith.constant 1 : i32
    %jit3A_274 = arith.constant 0 : i32
    %broadcast_in_dim3A_275 = vector.broadcast %jit3A_273 : i32 to vector<256x2048xi32>
    %broadcast_in_dim3A_276 = vector.broadcast %jit3A_274 : i32 to vector<256x2048xi32>
    %select_n3A_277 = arith.select %or3A_272, %broadcast_in_dim3A_275, %broadcast_in_dim3A_276 : vector<256x2048xi1>, vector<256x2048xi32>
    %reduce_sum3A_278 = arith.constant dense<0> : vector<256xi32>
    %reduce_sum3A_279 = vector.multi_reduction <add>, %select_n3A_277, %reduce_sum3A_278 [1] : vector<256x2048xi32> to vector<256xi32>
    %broadcast_in_dim3A_280 = vector.shape_cast %reduce_sum3A_279 : vector<256xi32> to vector<256x1xi32>
    %slice3A_281 = vector.extract_strided_slice %broadcast_in_dim3A {offsets = [1280, 0], sizes = [256, 1], strides = [1, 1]} : vector<2048x1xf32> to vector<256x1xf32>
    %iota3A_282 = tpu.iota {dimensions = array<i32: 0>} : vector<256x1xi32>
    %add3A_283 = arith.constant 1280 : i32
    %add3A_284 = vector.broadcast %add3A_283 : i32 to vector<256x1xi32>
    %add3A_285 = arith.addi %iota3A_282, %add3A_284 : vector<256x1xi32>
    %gt3A_286 = vector.broadcast %slice3A_164 : vector<1x2048xf32> to vector<256x2048xf32>
    %gt3A_287 = vector.broadcast %slice3A_281 : vector<256x1xf32> to vector<256x2048xf32>
    %gt3A_288 = arith.cmpf ogt, %gt3A_286, %gt3A_287 : vector<256x2048xf32>
    %eq3A_289 = vector.broadcast %slice3A_164 : vector<1x2048xf32> to vector<256x2048xf32>
    %eq3A_290 = vector.broadcast %slice3A_281 : vector<256x1xf32> to vector<256x2048xf32>
    %eq3A_291 = arith.cmpf oeq, %eq3A_289, %eq3A_290 : vector<256x2048xf32>
    %lt3A_292 = vector.broadcast %iota3A : vector<1x2048xi32> to vector<256x2048xi32>
    %lt3A_293 = vector.broadcast %add3A_285 : vector<256x1xi32> to vector<256x2048xi32>
    %lt3A_294 = arith.cmpi slt, %lt3A_292, %lt3A_293 : vector<256x2048xi32>
    %and3A_295 = arith.andi %eq3A_291, %lt3A_294 : vector<256x2048xi1>
    %or3A_296 = arith.ori %gt3A_288, %and3A_295 : vector<256x2048xi1>
    %jit3A_297 = arith.constant 1 : i32
    %jit3A_298 = arith.constant 0 : i32
    %broadcast_in_dim3A_299 = vector.broadcast %jit3A_297 : i32 to vector<256x2048xi32>
    %broadcast_in_dim3A_300 = vector.broadcast %jit3A_298 : i32 to vector<256x2048xi32>
    %select_n3A_301 = arith.select %or3A_296, %broadcast_in_dim3A_299, %broadcast_in_dim3A_300 : vector<256x2048xi1>, vector<256x2048xi32>
    %reduce_sum3A_302 = arith.constant dense<0> : vector<256xi32>
    %reduce_sum3A_303 = vector.multi_reduction <add>, %select_n3A_301, %reduce_sum3A_302 [1] : vector<256x2048xi32> to vector<256xi32>
    %broadcast_in_dim3A_304 = vector.shape_cast %reduce_sum3A_303 : vector<256xi32> to vector<256x1xi32>
    %slice3A_305 = vector.extract_strided_slice %broadcast_in_dim3A {offsets = [1536, 0], sizes = [256, 1], strides = [1, 1]} : vector<2048x1xf32> to vector<256x1xf32>
    %iota3A_306 = tpu.iota {dimensions = array<i32: 0>} : vector<256x1xi32>
    %add3A_307 = arith.constant 1536 : i32
    %add3A_308 = vector.broadcast %add3A_307 : i32 to vector<256x1xi32>
    %add3A_309 = arith.addi %iota3A_306, %add3A_308 : vector<256x1xi32>
    %gt3A_310 = vector.broadcast %slice3A_164 : vector<1x2048xf32> to vector<256x2048xf32>
    %gt3A_311 = vector.broadcast %slice3A_305 : vector<256x1xf32> to vector<256x2048xf32>
    %gt3A_312 = arith.cmpf ogt, %gt3A_310, %gt3A_311 : vector<256x2048xf32>
    %eq3A_313 = vector.broadcast %slice3A_164 : vector<1x2048xf32> to vector<256x2048xf32>
    %eq3A_314 = vector.broadcast %slice3A_305 : vector<256x1xf32> to vector<256x2048xf32>
    %eq3A_315 = arith.cmpf oeq, %eq3A_313, %eq3A_314 : vector<256x2048xf32>
    %lt3A_316 = vector.broadcast %iota3A : vector<1x2048xi32> to vector<256x2048xi32>
    %lt3A_317 = vector.broadcast %add3A_309 : vector<256x1xi32> to vector<256x2048xi32>
    %lt3A_318 = arith.cmpi slt, %lt3A_316, %lt3A_317 : vector<256x2048xi32>
    %and3A_319 = arith.andi %eq3A_315, %lt3A_318 : vector<256x2048xi1>
    %or3A_320 = arith.ori %gt3A_312, %and3A_319 : vector<256x2048xi1>
    %jit3A_321 = arith.constant 1 : i32
    %jit3A_322 = arith.constant 0 : i32
    %broadcast_in_dim3A_323 = vector.broadcast %jit3A_321 : i32 to vector<256x2048xi32>
    %broadcast_in_dim3A_324 = vector.broadcast %jit3A_322 : i32 to vector<256x2048xi32>
    %select_n3A_325 = arith.select %or3A_320, %broadcast_in_dim3A_323, %broadcast_in_dim3A_324 : vector<256x2048xi1>, vector<256x2048xi32>
    %reduce_sum3A_326 = arith.constant dense<0> : vector<256xi32>
    %reduce_sum3A_327 = vector.multi_reduction <add>, %select_n3A_325, %reduce_sum3A_326 [1] : vector<256x2048xi32> to vector<256xi32>
    %broadcast_in_dim3A_328 = vector.shape_cast %reduce_sum3A_327 : vector<256xi32> to vector<256x1xi32>
    %slice3A_329 = vector.extract_strided_slice %broadcast_in_dim3A {offsets = [1792, 0], sizes = [256, 1], strides = [1, 1]} : vector<2048x1xf32> to vector<256x1xf32>
    %iota3A_330 = tpu.iota {dimensions = array<i32: 0>} : vector<256x1xi32>
    %add3A_331 = arith.constant 1792 : i32
    %add3A_332 = vector.broadcast %add3A_331 : i32 to vector<256x1xi32>
    %add3A_333 = arith.addi %iota3A_330, %add3A_332 : vector<256x1xi32>
    %gt3A_334 = vector.broadcast %slice3A_164 : vector<1x2048xf32> to vector<256x2048xf32>
    %gt3A_335 = vector.broadcast %slice3A_329 : vector<256x1xf32> to vector<256x2048xf32>
    %gt3A_336 = arith.cmpf ogt, %gt3A_334, %gt3A_335 : vector<256x2048xf32>
    %eq3A_337 = vector.broadcast %slice3A_164 : vector<1x2048xf32> to vector<256x2048xf32>
    %eq3A_338 = vector.broadcast %slice3A_329 : vector<256x1xf32> to vector<256x2048xf32>
    %eq3A_339 = arith.cmpf oeq, %eq3A_337, %eq3A_338 : vector<256x2048xf32>
    %lt3A_340 = vector.broadcast %iota3A : vector<1x2048xi32> to vector<256x2048xi32>
    %lt3A_341 = vector.broadcast %add3A_333 : vector<256x1xi32> to vector<256x2048xi32>
    %lt3A_342 = arith.cmpi slt, %lt3A_340, %lt3A_341 : vector<256x2048xi32>
    %and3A_343 = arith.andi %eq3A_339, %lt3A_342 : vector<256x2048xi1>
    %or3A_344 = arith.ori %gt3A_336, %and3A_343 : vector<256x2048xi1>
    %jit3A_345 = arith.constant 1 : i32
    %jit3A_346 = arith.constant 0 : i32
    %broadcast_in_dim3A_347 = vector.broadcast %jit3A_345 : i32 to vector<256x2048xi32>
    %broadcast_in_dim3A_348 = vector.broadcast %jit3A_346 : i32 to vector<256x2048xi32>
    %select_n3A_349 = arith.select %or3A_344, %broadcast_in_dim3A_347, %broadcast_in_dim3A_348 : vector<256x2048xi1>, vector<256x2048xi32>
    %reduce_sum3A_350 = arith.constant dense<0> : vector<256xi32>
    %reduce_sum3A_351 = vector.multi_reduction <add>, %select_n3A_349, %reduce_sum3A_350 [1] : vector<256x2048xi32> to vector<256xi32>
    %broadcast_in_dim3A_352 = vector.shape_cast %reduce_sum3A_351 : vector<256xi32> to vector<256x1xi32>
    %concatenate3A_353 = tpu.concatenate %broadcast_in_dim3A_184, %broadcast_in_dim3A_208, %broadcast_in_dim3A_232, %broadcast_in_dim3A_256, %broadcast_in_dim3A_280, %broadcast_in_dim3A_304, %broadcast_in_dim3A_328, %broadcast_in_dim3A_352 in 0 : vector<256x1xi32>, vector<256x1xi32>, vector<256x1xi32>, vector<256x1xi32>, vector<256x1xi32>, vector<256x1xi32>, vector<256x1xi32>, vector<256x1xi32> -> vector<2048x1xi32>
    %iota3A_354 = tpu.iota {dimensions = array<i32: 1>} : vector<1x512xi32>
    %iota3A_355 = tpu.iota {dimensions = array<i32: 0>} : vector<2048x1xi32>
    %eq3A_356 = vector.broadcast %concatenate3A_353 : vector<2048x1xi32> to vector<2048x512xi32>
    %eq3A_357 = vector.broadcast %iota3A_354 : vector<1x512xi32> to vector<2048x512xi32>
    %eq3A_358 = arith.cmpi eq, %eq3A_356, %eq3A_357 : vector<2048x512xi32>
    %broadcast_in_dim3A_359 = vector.shape_cast %iota3A_355 : vector<2048x1xi32> to vector<2048x1xi32>
    %broadcast_in_dim3A_360 = vector.broadcast %broadcast_in_dim3A_359 : vector<2048x1xi32> to vector<2048x512xi32>
    %jit3A_361 = arith.constant 0 : i32
    %broadcast_in_dim3A_362 = vector.broadcast %jit3A_361 : i32 to vector<2048x512xi32>
    %select_n3A_363 = arith.select %eq3A_358, %broadcast_in_dim3A_360, %broadcast_in_dim3A_362 : vector<2048x512xi1>, vector<2048x512xi32>
    %reduce_sum3A_364 = arith.constant dense<0> : vector<512xi32>
    %reduce_sum3A_365 = vector.multi_reduction <add>, %select_n3A_363, %reduce_sum3A_364 [0] : vector<2048x512xi32> to vector<512xi32>
    %broadcast_in_dim3A_366 = vector.shape_cast %reduce_sum3A_365 : vector<512xi32> to vector<1x512xi32>
    %add3A_367 = vector.broadcast %mul3A_160 : i32 to vector<1x512xi32>
    %add3A_368 = arith.addi %broadcast_in_dim3A_366, %add3A_367 : vector<1x512xi32>
    %reshape3A_369 = vector.shape_cast %add3A_368 : vector<1x512xi32> to vector<1x1x512xi32>
    %swap3A_370 = arith.constant 0 : index
    %swap3A_371 = arith.constant 0 : index
    %swap3A_372 = arith.constant 0 : index
    %swap3A_373 = vector.load %arg2[%swap3A_370, %swap3A_371, %swap3A_372] : memref<1x1x1280xi32, #tpu.memory_space<vmem>>, vector<1x1x512xi32>
    tpu.vector_store %arg2[%swap3A_370, %swap3A_371, %swap3A_372], %reshape3A_369 {strides = array<i32>} : memref<1x1x1280xi32, #tpu.memory_space<vmem>>, vector<1x1x512xi32>,
    %broadcast_in_dim3A_374 = vector.shape_cast %sub3A_158 : vector<2048x1xf32> to vector<2048x1xf32>
    %broadcast_in_dim3A_375 = vector.broadcast %broadcast_in_dim3A_374 : vector<2048x1xf32> to vector<2048x128xf32>
    %transpose3A_376 = tpu.transpose %broadcast_in_dim3A_375, [1, 0] : vector<2048x128xf32> -> vector<128x2048xf32>
    %slice3A_377 = vector.extract_strided_slice %transpose3A_376 {offsets = [0, 0], sizes = [1, 2048], strides = [1, 1]} : vector<128x2048xf32> to vector<1x2048xf32>
    %iota3A_378 = tpu.iota {dimensions = array<i32: 1>} : vector<1x2048xi32>
    %slice3A_379 = vector.extract_strided_slice %sub3A_158 {offsets = [0, 0], sizes = [256, 1], strides = [1, 1]} : vector<2048x1xf32> to vector<256x1xf32>
    %iota3A_380 = tpu.iota {dimensions = array<i32: 0>} : vector<256x1xi32>
    %add3A_381 = arith.constant 0 : i32
    %add3A_382 = vector.broadcast %add3A_381 : i32 to vector<256x1xi32>
    %add3A_383 = arith.addi %iota3A_380, %add3A_382 : vector<256x1xi32>
    %gt3A_384 = vector.broadcast %slice3A_377 : vector<1x2048xf32> to vector<256x2048xf32>
    %gt3A_385 = vector.broadcast %slice3A_379 : vector<256x1xf32> to vector<256x2048xf32>
    %gt3A_386 = arith.cmpf ogt, %gt3A_384, %gt3A_385 : vector<256x2048xf32>
    %eq3A_387 = vector.broadcast %slice3A_377 : vector<1x2048xf32> to vector<256x2048xf32>
    %eq3A_388 = vector.broadcast %slice3A_379 : vector<256x1xf32> to vector<256x2048xf32>
    %eq3A_389 = arith.cmpf oeq, %eq3A_387, %eq3A_388 : vector<256x2048xf32>
    %lt3A_390 = vector.broadcast %iota3A_378 : vector<1x2048xi32> to vector<256x2048xi32>
    %lt3A_391 = vector.broadcast %add3A_383 : vector<256x1xi32> to vector<256x2048xi32>
    %lt3A_392 = arith.cmpi slt, %lt3A_390, %lt3A_391 : vector<256x2048xi32>
    %and3A_393 = arith.andi %eq3A_389, %lt3A_392 : vector<256x2048xi1>
    %or3A_394 = arith.ori %gt3A_386, %and3A_393 : vector<256x2048xi1>
    %jit3A_395 = arith.constant 1 : i32
    %jit3A_396 = arith.constant 0 : i32
    %broadcast_in_dim3A_397 = vector.broadcast %jit3A_395 : i32 to vector<256x2048xi32>
    %broadcast_in_dim3A_398 = vector.broadcast %jit3A_396 : i32 to vector<256x2048xi32>
    %select_n3A_399 = arith.select %or3A_394, %broadcast_in_dim3A_397, %broadcast_in_dim3A_398 : vector<256x2048xi1>, vector<256x2048xi32>
    %reduce_sum3A_400 = arith.constant dense<0> : vector<256xi32>
    %reduce_sum3A_401 = vector.multi_reduction <add>, %select_n3A_399, %reduce_sum3A_400 [1] : vector<256x2048xi32> to vector<256xi32>
    %broadcast_in_dim3A_402 = vector.shape_cast %reduce_sum3A_401 : vector<256xi32> to vector<256x1xi32>
    %slice3A_403 = vector.extract_strided_slice %sub3A_158 {offsets = [256, 0], sizes = [256, 1], strides = [1, 1]} : vector<2048x1xf32> to vector<256x1xf32>
    %iota3A_404 = tpu.iota {dimensions = array<i32: 0>} : vector<256x1xi32>
    %add3A_405 = arith.constant 256 : i32
    %add3A_406 = vector.broadcast %add3A_405 : i32 to vector<256x1xi32>
    %add3A_407 = arith.addi %iota3A_404, %add3A_406 : vector<256x1xi32>
    %gt3A_408 = vector.broadcast %slice3A_377 : vector<1x2048xf32> to vector<256x2048xf32>
    %gt3A_409 = vector.broadcast %slice3A_403 : vector<256x1xf32> to vector<256x2048xf32>
    %gt3A_410 = arith.cmpf ogt, %gt3A_408, %gt3A_409 : vector<256x2048xf32>
    %eq3A_411 = vector.broadcast %slice3A_377 : vector<1x2048xf32> to vector<256x2048xf32>
    %eq3A_412 = vector.broadcast %slice3A_403 : vector<256x1xf32> to vector<256x2048xf32>
    %eq3A_413 = arith.cmpf oeq, %eq3A_411, %eq3A_412 : vector<256x2048xf32>
    %lt3A_414 = vector.broadcast %iota3A_378 : vector<1x2048xi32> to vector<256x2048xi32>
    %lt3A_415 = vector.broadcast %add3A_407 : vector<256x1xi32> to vector<256x2048xi32>
    %lt3A_416 = arith.cmpi slt, %lt3A_414, %lt3A_415 : vector<256x2048xi32>
    %and3A_417 = arith.andi %eq3A_413, %lt3A_416 : vector<256x2048xi1>
    %or3A_418 = arith.ori %gt3A_410, %and3A_417 : vector<256x2048xi1>
    %jit3A_419 = arith.constant 1 : i32
    %jit3A_420 = arith.constant 0 : i32
    %broadcast_in_dim3A_421 = vector.broadcast %jit3A_419 : i32 to vector<256x2048xi32>
    %broadcast_in_dim3A_422 = vector.broadcast %jit3A_420 : i32 to vector<256x2048xi32>
    %select_n3A_423 = arith.select %or3A_418, %broadcast_in_dim3A_421, %broadcast_in_dim3A_422 : vector<256x2048xi1>, vector<256x2048xi32>
    %reduce_sum3A_424 = arith.constant dense<0> : vector<256xi32>
    %reduce_sum3A_425 = vector.multi_reduction <add>, %select_n3A_423, %reduce_sum3A_424 [1] : vector<256x2048xi32> to vector<256xi32>
    %broadcast_in_dim3A_426 = vector.shape_cast %reduce_sum3A_425 : vector<256xi32> to vector<256x1xi32>
    %slice3A_427 = vector.extract_strided_slice %sub3A_158 {offsets = [512, 0], sizes = [256, 1], strides = [1, 1]} : vector<2048x1xf32> to vector<256x1xf32>
    %iota3A_428 = tpu.iota {dimensions = array<i32: 0>} : vector<256x1xi32>
    %add3A_429 = arith.constant 512 : i32
    %add3A_430 = vector.broadcast %add3A_429 : i32 to vector<256x1xi32>
    %add3A_431 = arith.addi %iota3A_428, %add3A_430 : vector<256x1xi32>
    %gt3A_432 = vector.broadcast %slice3A_377 : vector<1x2048xf32> to vector<256x2048xf32>
    %gt3A_433 = vector.broadcast %slice3A_427 : vector<256x1xf32> to vector<256x2048xf32>
    %gt3A_434 = arith.cmpf ogt, %gt3A_432, %gt3A_433 : vector<256x2048xf32>
    %eq3A_435 = vector.broadcast %slice3A_377 : vector<1x2048xf32> to vector<256x2048xf32>
    %eq3A_436 = vector.broadcast %slice3A_427 : vector<256x1xf32> to vector<256x2048xf32>
    %eq3A_437 = arith.cmpf oeq, %eq3A_435, %eq3A_436 : vector<256x2048xf32>
    %lt3A_438 = vector.broadcast %iota3A_378 : vector<1x2048xi32> to vector<256x2048xi32>
    %lt3A_439 = vector.broadcast %add3A_431 : vector<256x1xi32> to vector<256x2048xi32>
    %lt3A_440 = arith.cmpi slt, %lt3A_438, %lt3A_439 : vector<256x2048xi32>
    %and3A_441 = arith.andi %eq3A_437, %lt3A_440 : vector<256x2048xi1>
    %or3A_442 = arith.ori %gt3A_434, %and3A_441 : vector<256x2048xi1>
    %jit3A_443 = arith.constant 1 : i32
    %jit3A_444 = arith.constant 0 : i32
    %broadcast_in_dim3A_445 = vector.broadcast %jit3A_443 : i32 to vector<256x2048xi32>
    %broadcast_in_dim3A_446 = vector.broadcast %jit3A_444 : i32 to vector<256x2048xi32>
    %select_n3A_447 = arith.select %or3A_442, %broadcast_in_dim3A_445, %broadcast_in_dim3A_446 : vector<256x2048xi1>, vector<256x2048xi32>
    %reduce_sum3A_448 = arith.constant dense<0> : vector<256xi32>
    %reduce_sum3A_449 = vector.multi_reduction <add>, %select_n3A_447, %reduce_sum3A_448 [1] : vector<256x2048xi32> to vector<256xi32>
    %broadcast_in_dim3A_450 = vector.shape_cast %reduce_sum3A_449 : vector<256xi32> to vector<256x1xi32>
    %slice3A_451 = vector.extract_strided_slice %sub3A_158 {offsets = [768, 0], sizes = [256, 1], strides = [1, 1]} : vector<2048x1xf32> to vector<256x1xf32>
    %iota3A_452 = tpu.iota {dimensions = array<i32: 0>} : vector<256x1xi32>
    %add3A_453 = arith.constant 768 : i32
    %add3A_454 = vector.broadcast %add3A_453 : i32 to vector<256x1xi32>
    %add3A_455 = arith.addi %iota3A_452, %add3A_454 : vector<256x1xi32>
    %gt3A_456 = vector.broadcast %slice3A_377 : vector<1x2048xf32> to vector<256x2048xf32>
    %gt3A_457 = vector.broadcast %slice3A_451 : vector<256x1xf32> to vector<256x2048xf32>
    %gt3A_458 = arith.cmpf ogt, %gt3A_456, %gt3A_457 : vector<256x2048xf32>
    %eq3A_459 = vector.broadcast %slice3A_377 : vector<1x2048xf32> to vector<256x2048xf32>
    %eq3A_460 = vector.broadcast %slice3A_451 : vector<256x1xf32> to vector<256x2048xf32>
    %eq3A_461 = arith.cmpf oeq, %eq3A_459, %eq3A_460 : vector<256x2048xf32>
    %lt3A_462 = vector.broadcast %iota3A_378 : vector<1x2048xi32> to vector<256x2048xi32>
    %lt3A_463 = vector.broadcast %add3A_455 : vector<256x1xi32> to vector<256x2048xi32>
    %lt3A_464 = arith.cmpi slt, %lt3A_462, %lt3A_463 : vector<256x2048xi32>
    %and3A_465 = arith.andi %eq3A_461, %lt3A_464 : vector<256x2048xi1>
    %or3A_466 = arith.ori %gt3A_458, %and3A_465 : vector<256x2048xi1>
    %jit3A_467 = arith.constant 1 : i32
    %jit3A_468 = arith.constant 0 : i32
    %broadcast_in_dim3A_469 = vector.broadcast %jit3A_467 : i32 to vector<256x2048xi32>
    %broadcast_in_dim3A_470 = vector.broadcast %jit3A_468 : i32 to vector<256x2048xi32>
    %select_n3A_471 = arith.select %or3A_466, %broadcast_in_dim3A_469, %broadcast_in_dim3A_470 : vector<256x2048xi1>, vector<256x2048xi32>
    %reduce_sum3A_472 = arith.constant dense<0> : vector<256xi32>
    %reduce_sum3A_473 = vector.multi_reduction <add>, %select_n3A_471, %reduce_sum3A_472 [1] : vector<256x2048xi32> to vector<256xi32>
    %broadcast_in_dim3A_474 = vector.shape_cast %reduce_sum3A_473 : vector<256xi32> to vector<256x1xi32>
    %slice3A_475 = vector.extract_strided_slice %sub3A_158 {offsets = [1024, 0], sizes = [256, 1], strides = [1, 1]} : vector<2048x1xf32> to vector<256x1xf32>
    %iota3A_476 = tpu.iota {dimensions = array<i32: 0>} : vector<256x1xi32>
    %add3A_477 = arith.constant 1024 : i32
    %add3A_478 = vector.broadcast %add3A_477 : i32 to vector<256x1xi32>
    %add3A_479 = arith.addi %iota3A_476, %add3A_478 : vector<256x1xi32>
    %gt3A_480 = vector.broadcast %slice3A_377 : vector<1x2048xf32> to vector<256x2048xf32>
    %gt3A_481 = vector.broadcast %slice3A_475 : vector<256x1xf32> to vector<256x2048xf32>
    %gt3A_482 = arith.cmpf ogt, %gt3A_480, %gt3A_481 : vector<256x2048xf32>
    %eq3A_483 = vector.broadcast %slice3A_377 : vector<1x2048xf32> to vector<256x2048xf32>
    %eq3A_484 = vector.broadcast %slice3A_475 : vector<256x1xf32> to vector<256x2048xf32>
    %eq3A_485 = arith.cmpf oeq, %eq3A_483, %eq3A_484 : vector<256x2048xf32>
    %lt3A_486 = vector.broadcast %iota3A_378 : vector<1x2048xi32> to vector<256x2048xi32>
    %lt3A_487 = vector.broadcast %add3A_479 : vector<256x1xi32> to vector<256x2048xi32>
    %lt3A_488 = arith.cmpi slt, %lt3A_486, %lt3A_487 : vector<256x2048xi32>
    %and3A_489 = arith.andi %eq3A_485, %lt3A_488 : vector<256x2048xi1>
    %or3A_490 = arith.ori %gt3A_482, %and3A_489 : vector<256x2048xi1>
    %jit3A_491 = arith.constant 1 : i32
    %jit3A_492 = arith.constant 0 : i32
    %broadcast_in_dim3A_493 = vector.broadcast %jit3A_491 : i32 to vector<256x2048xi32>
    %broadcast_in_dim3A_494 = vector.broadcast %jit3A_492 : i32 to vector<256x2048xi32>
    %select_n3A_495 = arith.select %or3A_490, %broadcast_in_dim3A_493, %broadcast_in_dim3A_494 : vector<256x2048xi1>, vector<256x2048xi32>
    %reduce_sum3A_496 = arith.constant dense<0> : vector<256xi32>
    %reduce_sum3A_497 = vector.multi_reduction <add>, %select_n3A_495, %reduce_sum3A_496 [1] : vector<256x2048xi32> to vector<256xi32>
    %broadcast_in_dim3A_498 = vector.shape_cast %reduce_sum3A_497 : vector<256xi32> to vector<256x1xi32>
    %slice3A_499 = vector.extract_strided_slice %sub3A_158 {offsets = [1280, 0], sizes = [256, 1], strides = [1, 1]} : vector<2048x1xf32> to vector<256x1xf32>
    %iota3A_500 = tpu.iota {dimensions = array<i32: 0>} : vector<256x1xi32>
    %add3A_501 = arith.constant 1280 : i32
    %add3A_502 = vector.broadcast %add3A_501 : i32 to vector<256x1xi32>
    %add3A_503 = arith.addi %iota3A_500, %add3A_502 : vector<256x1xi32>
    %gt3A_504 = vector.broadcast %slice3A_377 : vector<1x2048xf32> to vector<256x2048xf32>
    %gt3A_505 = vector.broadcast %slice3A_499 : vector<256x1xf32> to vector<256x2048xf32>
    %gt3A_506 = arith.cmpf ogt, %gt3A_504, %gt3A_505 : vector<256x2048xf32>
    %eq3A_507 = vector.broadcast %slice3A_377 : vector<1x2048xf32> to vector<256x2048xf32>
    %eq3A_508 = vector.broadcast %slice3A_499 : vector<256x1xf32> to vector<256x2048xf32>
    %eq3A_509 = arith.cmpf oeq, %eq3A_507, %eq3A_508 : vector<256x2048xf32>
    %lt3A_510 = vector.broadcast %iota3A_378 : vector<1x2048xi32> to vector<256x2048xi32>
    %lt3A_511 = vector.broadcast %add3A_503 : vector<256x1xi32> to vector<256x2048xi32>
    %lt3A_512 = arith.cmpi slt, %lt3A_510, %lt3A_511 : vector<256x2048xi32>
    %and3A_513 = arith.andi %eq3A_509, %lt3A_512 : vector<256x2048xi1>
    %or3A_514 = arith.ori %gt3A_506, %and3A_513 : vector<256x2048xi1>
    %jit3A_515 = arith.constant 1 : i32
    %jit3A_516 = arith.constant 0 : i32
    %broadcast_in_dim3A_517 = vector.broadcast %jit3A_515 : i32 to vector<256x2048xi32>
    %broadcast_in_dim3A_518 = vector.broadcast %jit3A_516 : i32 to vector<256x2048xi32>
    %select_n3A_519 = arith.select %or3A_514, %broadcast_in_dim3A_517, %broadcast_in_dim3A_518 : vector<256x2048xi1>, vector<256x2048xi32>
    %reduce_sum3A_520 = arith.constant dense<0> : vector<256xi32>
    %reduce_sum3A_521 = vector.multi_reduction <add>, %select_n3A_519, %reduce_sum3A_520 [1] : vector<256x2048xi32> to vector<256xi32>
    %broadcast_in_dim3A_522 = vector.shape_cast %reduce_sum3A_521 : vector<256xi32> to vector<256x1xi32>
    %slice3A_523 = vector.extract_strided_slice %sub3A_158 {offsets = [1536, 0], sizes = [256, 1], strides = [1, 1]} : vector<2048x1xf32> to vector<256x1xf32>
    %iota3A_524 = tpu.iota {dimensions = array<i32: 0>} : vector<256x1xi32>
    %add3A_525 = arith.constant 1536 : i32
    %add3A_526 = vector.broadcast %add3A_525 : i32 to vector<256x1xi32>
    %add3A_527 = arith.addi %iota3A_524, %add3A_526 : vector<256x1xi32>
    %gt3A_528 = vector.broadcast %slice3A_377 : vector<1x2048xf32> to vector<256x2048xf32>
    %gt3A_529 = vector.broadcast %slice3A_523 : vector<256x1xf32> to vector<256x2048xf32>
    %gt3A_530 = arith.cmpf ogt, %gt3A_528, %gt3A_529 : vector<256x2048xf32>
    %eq3A_531 = vector.broadcast %slice3A_377 : vector<1x2048xf32> to vector<256x2048xf32>
    %eq3A_532 = vector.broadcast %slice3A_523 : vector<256x1xf32> to vector<256x2048xf32>
    %eq3A_533 = arith.cmpf oeq, %eq3A_531, %eq3A_532 : vector<256x2048xf32>
    %lt3A_534 = vector.broadcast %iota3A_378 : vector<1x2048xi32> to vector<256x2048xi32>
    %lt3A_535 = vector.broadcast %add3A_527 : vector<256x1xi32> to vector<256x2048xi32>
    %lt3A_536 = arith.cmpi slt, %lt3A_534, %lt3A_535 : vector<256x2048xi32>
    %and3A_537 = arith.andi %eq3A_533, %lt3A_536 : vector<256x2048xi1>
    %or3A_538 = arith.ori %gt3A_530, %and3A_537 : vector<256x2048xi1>
    %jit3A_539 = arith.constant 1 : i32
    %jit3A_540 = arith.constant 0 : i32
    %broadcast_in_dim3A_541 = vector.broadcast %jit3A_539 : i32 to vector<256x2048xi32>
    %broadcast_in_dim3A_542 = vector.broadcast %jit3A_540 : i32 to vector<256x2048xi32>
    %select_n3A_543 = arith.select %or3A_538, %broadcast_in_dim3A_541, %broadcast_in_dim3A_542 : vector<256x2048xi1>, vector<256x2048xi32>
    %reduce_sum3A_544 = arith.constant dense<0> : vector<256xi32>
    %reduce_sum3A_545 = vector.multi_reduction <add>, %select_n3A_543, %reduce_sum3A_544 [1] : vector<256x2048xi32> to vector<256xi32>
    %broadcast_in_dim3A_546 = vector.shape_cast %reduce_sum3A_545 : vector<256xi32> to vector<256x1xi32>
    %slice3A_547 = vector.extract_strided_slice %sub3A_158 {offsets = [1792, 0], sizes = [256, 1], strides = [1, 1]} : vector<2048x1xf32> to vector<256x1xf32>
    %iota3A_548 = tpu.iota {dimensions = array<i32: 0>} : vector<256x1xi32>
    %add3A_549 = arith.constant 1792 : i32
    %add3A_550 = vector.broadcast %add3A_549 : i32 to vector<256x1xi32>
    %add3A_551 = arith.addi %iota3A_548, %add3A_550 : vector<256x1xi32>
    %gt3A_552 = vector.broadcast %slice3A_377 : vector<1x2048xf32> to vector<256x2048xf32>
    %gt3A_553 = vector.broadcast %slice3A_547 : vector<256x1xf32> to vector<256x2048xf32>
    %gt3A_554 = arith.cmpf ogt, %gt3A_552, %gt3A_553 : vector<256x2048xf32>
    %eq3A_555 = vector.broadcast %slice3A_377 : vector<1x2048xf32> to vector<256x2048xf32>
    %eq3A_556 = vector.broadcast %slice3A_547 : vector<256x1xf32> to vector<256x2048xf32>
    %eq3A_557 = arith.cmpf oeq, %eq3A_555, %eq3A_556 : vector<256x2048xf32>
    %lt3A_558 = vector.broadcast %iota3A_378 : vector<1x2048xi32> to vector<256x2048xi32>
    %lt3A_559 = vector.broadcast %add3A_551 : vector<256x1xi32> to vector<256x2048xi32>
    %lt3A_560 = arith.cmpi slt, %lt3A_558, %lt3A_559 : vector<256x2048xi32>
    %and3A_561 = arith.andi %eq3A_557, %lt3A_560 : vector<256x2048xi1>
    %or3A_562 = arith.ori %gt3A_554, %and3A_561 : vector<256x2048xi1>
    %jit3A_563 = arith.constant 1 : i32
    %jit3A_564 = arith.constant 0 : i32
    %broadcast_in_dim3A_565 = vector.broadcast %jit3A_563 : i32 to vector<256x2048xi32>
    %broadcast_in_dim3A_566 = vector.broadcast %jit3A_564 : i32 to vector<256x2048xi32>
    %select_n3A_567 = arith.select %or3A_562, %broadcast_in_dim3A_565, %broadcast_in_dim3A_566 : vector<256x2048xi1>, vector<256x2048xi32>
    %reduce_sum3A_568 = arith.constant dense<0> : vector<256xi32>
    %reduce_sum3A_569 = vector.multi_reduction <add>, %select_n3A_567, %reduce_sum3A_568 [1] : vector<256x2048xi32> to vector<256xi32>
    %broadcast_in_dim3A_570 = vector.shape_cast %reduce_sum3A_569 : vector<256xi32> to vector<256x1xi32>
    %concatenate3A_571 = tpu.concatenate %broadcast_in_dim3A_402, %broadcast_in_dim3A_426, %broadcast_in_dim3A_450, %broadcast_in_dim3A_474, %broadcast_in_dim3A_498, %broadcast_in_dim3A_522, %broadcast_in_dim3A_546, %broadcast_in_dim3A_570 in 0 : vector<256x1xi32>, vector<256x1xi32>, vector<256x1xi32>, vector<256x1xi32>, vector<256x1xi32>, vector<256x1xi32>, vector<256x1xi32>, vector<256x1xi32> -> vector<2048x1xi32>
    %iota3A_572 = tpu.iota {dimensions = array<i32: 1>} : vector<1x512xi32>
    %iota3A_573 = tpu.iota {dimensions = array<i32: 0>} : vector<2048x1xi32>
    %eq3A_574 = vector.broadcast %concatenate3A_571 : vector<2048x1xi32> to vector<2048x512xi32>
    %eq3A_575 = vector.broadcast %iota3A_572 : vector<1x512xi32> to vector<2048x512xi32>
    %eq3A_576 = arith.cmpi eq, %eq3A_574, %eq3A_575 : vector<2048x512xi32>
    %broadcast_in_dim3A_577 = vector.shape_cast %iota3A_573 : vector<2048x1xi32> to vector<2048x1xi32>
    %broadcast_in_dim3A_578 = vector.broadcast %broadcast_in_dim3A_577 : vector<2048x1xi32> to vector<2048x512xi32>
    %jit3A_579 = arith.constant 0 : i32
    %broadcast_in_dim3A_580 = vector.broadcast %jit3A_579 : i32 to vector<2048x512xi32>
    %select_n3A_581 = arith.select %eq3A_576, %broadcast_in_dim3A_578, %broadcast_in_dim3A_580 : vector<2048x512xi1>, vector<2048x512xi32>
    %reduce_sum3A_582 = arith.constant dense<0> : vector<512xi32>
    %reduce_sum3A_583 = vector.multi_reduction <add>, %select_n3A_581, %reduce_sum3A_582 [0] : vector<2048x512xi32> to vector<512xi32>
    %broadcast_in_dim3A_584 = vector.shape_cast %reduce_sum3A_583 : vector<512xi32> to vector<1x512xi32>
    %add3A_585 = vector.broadcast %mul3A_160 : i32 to vector<1x512xi32>
    %add3A_586 = arith.addi %broadcast_in_dim3A_584, %add3A_585 : vector<1x512xi32>
    %reshape3A_587 = vector.shape_cast %add3A_586 : vector<1x512xi32> to vector<1x1x512xi32>
    %swap3A_588 = arith.constant 0 : index
    %swap3A_589 = arith.constant 0 : index
    %swap3A_590 = arith.constant 512 : index
    %swap3A_591 = vector.load %arg2[%swap3A_588, %swap3A_589, %swap3A_590] : memref<1x1x1280xi32, #tpu.memory_space<vmem>>, vector<1x1x512xi32>
    tpu.vector_store %arg2[%swap3A_588, %swap3A_589, %swap3A_590], %reshape3A_587 {strides = array<i32>} : memref<1x1x1280xi32, #tpu.memory_space<vmem>>, vector<1x1x512xi32>,
    %broadcast_in_dim3A_592 = vector.shape_cast %mul3A_150 : vector<2048x1xf32> to vector<2048x1xf32>
    %broadcast_in_dim3A_593 = vector.broadcast %broadcast_in_dim3A_592 : vector<2048x1xf32> to vector<2048x128xf32>
    %transpose3A_594 = tpu.transpose %broadcast_in_dim3A_593, [1, 0] : vector<2048x128xf32> -> vector<128x2048xf32>
    %slice3A_595 = vector.extract_strided_slice %transpose3A_594 {offsets = [0, 0], sizes = [1, 2048], strides = [1, 1]} : vector<128x2048xf32> to vector<1x2048xf32>
    %iota3A_596 = tpu.iota {dimensions = array<i32: 1>} : vector<1x2048xi32>
    %slice3A_597 = vector.extract_strided_slice %mul3A_150 {offsets = [0, 0], sizes = [256, 1], strides = [1, 1]} : vector<2048x1xf32> to vector<256x1xf32>
    %iota3A_598 = tpu.iota {dimensions = array<i32: 0>} : vector<256x1xi32>
    %add3A_599 = arith.constant 0 : i32
    %add3A_600 = vector.broadcast %add3A_599 : i32 to vector<256x1xi32>
    %add3A_601 = arith.addi %iota3A_598, %add3A_600 : vector<256x1xi32>
    %gt3A_602 = vector.broadcast %slice3A_595 : vector<1x2048xf32> to vector<256x2048xf32>
    %gt3A_603 = vector.broadcast %slice3A_597 : vector<256x1xf32> to vector<256x2048xf32>
    %gt3A_604 = arith.cmpf ogt, %gt3A_602, %gt3A_603 : vector<256x2048xf32>
    %eq3A_605 = vector.broadcast %slice3A_595 : vector<1x2048xf32> to vector<256x2048xf32>
    %eq3A_606 = vector.broadcast %slice3A_597 : vector<256x1xf32> to vector<256x2048xf32>
    %eq3A_607 = arith.cmpf oeq, %eq3A_605, %eq3A_606 : vector<256x2048xf32>
    %lt3A_608 = vector.broadcast %iota3A_596 : vector<1x2048xi32> to vector<256x2048xi32>
    %lt3A_609 = vector.broadcast %add3A_601 : vector<256x1xi32> to vector<256x2048xi32>
    %lt3A_610 = arith.cmpi slt, %lt3A_608, %lt3A_609 : vector<256x2048xi32>
    %and3A_611 = arith.andi %eq3A_607, %lt3A_610 : vector<256x2048xi1>
    %or3A_612 = arith.ori %gt3A_604, %and3A_611 : vector<256x2048xi1>
    %jit3A_613 = arith.constant 1 : i32
    %jit3A_614 = arith.constant 0 : i32
    %broadcast_in_dim3A_615 = vector.broadcast %jit3A_613 : i32 to vector<256x2048xi32>
    %broadcast_in_dim3A_616 = vector.broadcast %jit3A_614 : i32 to vector<256x2048xi32>
    %select_n3A_617 = arith.select %or3A_612, %broadcast_in_dim3A_615, %broadcast_in_dim3A_616 : vector<256x2048xi1>, vector<256x2048xi32>
    %reduce_sum3A_618 = arith.constant dense<0> : vector<256xi32>
    %reduce_sum3A_619 = vector.multi_reduction <add>, %select_n3A_617, %reduce_sum3A_618 [1] : vector<256x2048xi32> to vector<256xi32>
    %broadcast_in_dim3A_620 = vector.shape_cast %reduce_sum3A_619 : vector<256xi32> to vector<256x1xi32>
    %slice3A_621 = vector.extract_strided_slice %mul3A_150 {offsets = [256, 0], sizes = [256, 1], strides = [1, 1]} : vector<2048x1xf32> to vector<256x1xf32>
    %iota3A_622 = tpu.iota {dimensions = array<i32: 0>} : vector<256x1xi32>
    %add3A_623 = arith.constant 256 : i32
    %add3A_624 = vector.broadcast %add3A_623 : i32 to vector<256x1xi32>
    %add3A_625 = arith.addi %iota3A_622, %add3A_624 : vector<256x1xi32>
    %gt3A_626 = vector.broadcast %slice3A_595 : vector<1x2048xf32> to vector<256x2048xf32>
    %gt3A_627 = vector.broadcast %slice3A_621 : vector<256x1xf32> to vector<256x2048xf32>
    %gt3A_628 = arith.cmpf ogt, %gt3A_626, %gt3A_627 : vector<256x2048xf32>
    %eq3A_629 = vector.broadcast %slice3A_595 : vector<1x2048xf32> to vector<256x2048xf32>
    %eq3A_630 = vector.broadcast %slice3A_621 : vector<256x1xf32> to vector<256x2048xf32>
    %eq3A_631 = arith.cmpf oeq, %eq3A_629, %eq3A_630 : vector<256x2048xf32>
    %lt3A_632 = vector.broadcast %iota3A_596 : vector<1x2048xi32> to vector<256x2048xi32>
    %lt3A_633 = vector.broadcast %add3A_625 : vector<256x1xi32> to vector<256x2048xi32>
    %lt3A_634 = arith.cmpi slt, %lt3A_632, %lt3A_633 : vector<256x2048xi32>
    %and3A_635 = arith.andi %eq3A_631, %lt3A_634 : vector<256x2048xi1>
    %or3A_636 = arith.ori %gt3A_628, %and3A_635 : vector<256x2048xi1>
    %jit3A_637 = arith.constant 1 : i32
    %jit3A_638 = arith.constant 0 : i32
    %broadcast_in_dim3A_639 = vector.broadcast %jit3A_637 : i32 to vector<256x2048xi32>
    %broadcast_in_dim3A_640 = vector.broadcast %jit3A_638 : i32 to vector<256x2048xi32>
    %select_n3A_641 = arith.select %or3A_636, %broadcast_in_dim3A_639, %broadcast_in_dim3A_640 : vector<256x2048xi1>, vector<256x2048xi32>
    %reduce_sum3A_642 = arith.constant dense<0> : vector<256xi32>
    %reduce_sum3A_643 = vector.multi_reduction <add>, %select_n3A_641, %reduce_sum3A_642 [1] : vector<256x2048xi32> to vector<256xi32>
    %broadcast_in_dim3A_644 = vector.shape_cast %reduce_sum3A_643 : vector<256xi32> to vector<256x1xi32>
    %slice3A_645 = vector.extract_strided_slice %mul3A_150 {offsets = [512, 0], sizes = [256, 1], strides = [1, 1]} : vector<2048x1xf32> to vector<256x1xf32>
    %iota3A_646 = tpu.iota {dimensions = array<i32: 0>} : vector<256x1xi32>
    %add3A_647 = arith.constant 512 : i32
    %add3A_648 = vector.broadcast %add3A_647 : i32 to vector<256x1xi32>
    %add3A_649 = arith.addi %iota3A_646, %add3A_648 : vector<256x1xi32>
    %gt3A_650 = vector.broadcast %slice3A_595 : vector<1x2048xf32> to vector<256x2048xf32>
    %gt3A_651 = vector.broadcast %slice3A_645 : vector<256x1xf32> to vector<256x2048xf32>
    %gt3A_652 = arith.cmpf ogt, %gt3A_650, %gt3A_651 : vector<256x2048xf32>
    %eq3A_653 = vector.broadcast %slice3A_595 : vector<1x2048xf32> to vector<256x2048xf32>
    %eq3A_654 = vector.broadcast %slice3A_645 : vector<256x1xf32> to vector<256x2048xf32>
    %eq3A_655 = arith.cmpf oeq, %eq3A_653, %eq3A_654 : vector<256x2048xf32>
    %lt3A_656 = vector.broadcast %iota3A_596 : vector<1x2048xi32> to vector<256x2048xi32>
    %lt3A_657 = vector.broadcast %add3A_649 : vector<256x1xi32> to vector<256x2048xi32>
    %lt3A_658 = arith.cmpi slt, %lt3A_656, %lt3A_657 : vector<256x2048xi32>
    %and3A_659 = arith.andi %eq3A_655, %lt3A_658 : vector<256x2048xi1>
    %or3A_660 = arith.ori %gt3A_652, %and3A_659 : vector<256x2048xi1>
    %jit3A_661 = arith.constant 1 : i32
    %jit3A_662 = arith.constant 0 : i32
    %broadcast_in_dim3A_663 = vector.broadcast %jit3A_661 : i32 to vector<256x2048xi32>
    %broadcast_in_dim3A_664 = vector.broadcast %jit3A_662 : i32 to vector<256x2048xi32>
    %select_n3A_665 = arith.select %or3A_660, %broadcast_in_dim3A_663, %broadcast_in_dim3A_664 : vector<256x2048xi1>, vector<256x2048xi32>
    %reduce_sum3A_666 = arith.constant dense<0> : vector<256xi32>
    %reduce_sum3A_667 = vector.multi_reduction <add>, %select_n3A_665, %reduce_sum3A_666 [1] : vector<256x2048xi32> to vector<256xi32>
    %broadcast_in_dim3A_668 = vector.shape_cast %reduce_sum3A_667 : vector<256xi32> to vector<256x1xi32>
    %slice3A_669 = vector.extract_strided_slice %mul3A_150 {offsets = [768, 0], sizes = [256, 1], strides = [1, 1]} : vector<2048x1xf32> to vector<256x1xf32>
    %iota3A_670 = tpu.iota {dimensions = array<i32: 0>} : vector<256x1xi32>
    %add3A_671 = arith.constant 768 : i32
    %add3A_672 = vector.broadcast %add3A_671 : i32 to vector<256x1xi32>
    %add3A_673 = arith.addi %iota3A_670, %add3A_672 : vector<256x1xi32>
    %gt3A_674 = vector.broadcast %slice3A_595 : vector<1x2048xf32> to vector<256x2048xf32>
    %gt3A_675 = vector.broadcast %slice3A_669 : vector<256x1xf32> to vector<256x2048xf32>
    %gt3A_676 = arith.cmpf ogt, %gt3A_674, %gt3A_675 : vector<256x2048xf32>
    %eq3A_677 = vector.broadcast %slice3A_595 : vector<1x2048xf32> to vector<256x2048xf32>
    %eq3A_678 = vector.broadcast %slice3A_669 : vector<256x1xf32> to vector<256x2048xf32>
    %eq3A_679 = arith.cmpf oeq, %eq3A_677, %eq3A_678 : vector<256x2048xf32>
    %lt3A_680 = vector.broadcast %iota3A_596 : vector<1x2048xi32> to vector<256x2048xi32>
    %lt3A_681 = vector.broadcast %add3A_673 : vector<256x1xi32> to vector<256x2048xi32>
    %lt3A_682 = arith.cmpi slt, %lt3A_680, %lt3A_681 : vector<256x2048xi32>
    %and3A_683 = arith.andi %eq3A_679, %lt3A_682 : vector<256x2048xi1>
    %or3A_684 = arith.ori %gt3A_676, %and3A_683 : vector<256x2048xi1>
    %jit3A_685 = arith.constant 1 : i32
    %jit3A_686 = arith.constant 0 : i32
    %broadcast_in_dim3A_687 = vector.broadcast %jit3A_685 : i32 to vector<256x2048xi32>
    %broadcast_in_dim3A_688 = vector.broadcast %jit3A_686 : i32 to vector<256x2048xi32>
    %select_n3A_689 = arith.select %or3A_684, %broadcast_in_dim3A_687, %broadcast_in_dim3A_688 : vector<256x2048xi1>, vector<256x2048xi32>
    %reduce_sum3A_690 = arith.constant dense<0> : vector<256xi32>
    %reduce_sum3A_691 = vector.multi_reduction <add>, %select_n3A_689, %reduce_sum3A_690 [1] : vector<256x2048xi32> to vector<256xi32>
    %broadcast_in_dim3A_692 = vector.shape_cast %reduce_sum3A_691 : vector<256xi32> to vector<256x1xi32>
    %slice3A_693 = vector.extract_strided_slice %mul3A_150 {offsets = [1024, 0], sizes = [256, 1], strides = [1, 1]} : vector<2048x1xf32> to vector<256x1xf32>
    %iota3A_694 = tpu.iota {dimensions = array<i32: 0>} : vector<256x1xi32>
    %add3A_695 = arith.constant 1024 : i32
    %add3A_696 = vector.broadcast %add3A_695 : i32 to vector<256x1xi32>
    %add3A_697 = arith.addi %iota3A_694, %add3A_696 : vector<256x1xi32>
    %gt3A_698 = vector.broadcast %slice3A_595 : vector<1x2048xf32> to vector<256x2048xf32>
    %gt3A_699 = vector.broadcast %slice3A_693 : vector<256x1xf32> to vector<256x2048xf32>
    %gt3A_700 = arith.cmpf ogt, %gt3A_698, %gt3A_699 : vector<256x2048xf32>
    %eq3A_701 = vector.broadcast %slice3A_595 : vector<1x2048xf32> to vector<256x2048xf32>
    %eq3A_702 = vector.broadcast %slice3A_693 : vector<256x1xf32> to vector<256x2048xf32>
    %eq3A_703 = arith.cmpf oeq, %eq3A_701, %eq3A_702 : vector<256x2048xf32>
    %lt3A_704 = vector.broadcast %iota3A_596 : vector<1x2048xi32> to vector<256x2048xi32>
    %lt3A_705 = vector.broadcast %add3A_697 : vector<256x1xi32> to vector<256x2048xi32>
    %lt3A_706 = arith.cmpi slt, %lt3A_704, %lt3A_705 : vector<256x2048xi32>
    %and3A_707 = arith.andi %eq3A_703, %lt3A_706 : vector<256x2048xi1>
    %or3A_708 = arith.ori %gt3A_700, %and3A_707 : vector<256x2048xi1>
    %jit3A_709 = arith.constant 1 : i32
    %jit3A_710 = arith.constant 0 : i32
    %broadcast_in_dim3A_711 = vector.broadcast %jit3A_709 : i32 to vector<256x2048xi32>
    %broadcast_in_dim3A_712 = vector.broadcast %jit3A_710 : i32 to vector<256x2048xi32>
    %select_n3A_713 = arith.select %or3A_708, %broadcast_in_dim3A_711, %broadcast_in_dim3A_712 : vector<256x2048xi1>, vector<256x2048xi32>
    %reduce_sum3A_714 = arith.constant dense<0> : vector<256xi32>
    %reduce_sum3A_715 = vector.multi_reduction <add>, %select_n3A_713, %reduce_sum3A_714 [1] : vector<256x2048xi32> to vector<256xi32>
    %broadcast_in_dim3A_716 = vector.shape_cast %reduce_sum3A_715 : vector<256xi32> to vector<256x1xi32>
    %slice3A_717 = vector.extract_strided_slice %mul3A_150 {offsets = [1280, 0], sizes = [256, 1], strides = [1, 1]} : vector<2048x1xf32> to vector<256x1xf32>
    %iota3A_718 = tpu.iota {dimensions = array<i32: 0>} : vector<256x1xi32>
    %add3A_719 = arith.constant 1280 : i32
    %add3A_720 = vector.broadcast %add3A_719 : i32 to vector<256x1xi32>
    %add3A_721 = arith.addi %iota3A_718, %add3A_720 : vector<256x1xi32>
    %gt3A_722 = vector.broadcast %slice3A_595 : vector<1x2048xf32> to vector<256x2048xf32>
    %gt3A_723 = vector.broadcast %slice3A_717 : vector<256x1xf32> to vector<256x2048xf32>
    %gt3A_724 = arith.cmpf ogt, %gt3A_722, %gt3A_723 : vector<256x2048xf32>
    %eq3A_725 = vector.broadcast %slice3A_595 : vector<1x2048xf32> to vector<256x2048xf32>
    %eq3A_726 = vector.broadcast %slice3A_717 : vector<256x1xf32> to vector<256x2048xf32>
    %eq3A_727 = arith.cmpf oeq, %eq3A_725, %eq3A_726 : vector<256x2048xf32>
    %lt3A_728 = vector.broadcast %iota3A_596 : vector<1x2048xi32> to vector<256x2048xi32>
    %lt3A_729 = vector.broadcast %add3A_721 : vector<256x1xi32> to vector<256x2048xi32>
    %lt3A_730 = arith.cmpi slt, %lt3A_728, %lt3A_729 : vector<256x2048xi32>
    %and3A_731 = arith.andi %eq3A_727, %lt3A_730 : vector<256x2048xi1>
    %or3A_732 = arith.ori %gt3A_724, %and3A_731 : vector<256x2048xi1>
    %jit3A_733 = arith.constant 1 : i32
    %jit3A_734 = arith.constant 0 : i32
    %broadcast_in_dim3A_735 = vector.broadcast %jit3A_733 : i32 to vector<256x2048xi32>
    %broadcast_in_dim3A_736 = vector.broadcast %jit3A_734 : i32 to vector<256x2048xi32>
    %select_n3A_737 = arith.select %or3A_732, %broadcast_in_dim3A_735, %broadcast_in_dim3A_736 : vector<256x2048xi1>, vector<256x2048xi32>
    %reduce_sum3A_738 = arith.constant dense<0> : vector<256xi32>
    %reduce_sum3A_739 = vector.multi_reduction <add>, %select_n3A_737, %reduce_sum3A_738 [1] : vector<256x2048xi32> to vector<256xi32>
    %broadcast_in_dim3A_740 = vector.shape_cast %reduce_sum3A_739 : vector<256xi32> to vector<256x1xi32>
    %slice3A_741 = vector.extract_strided_slice %mul3A_150 {offsets = [1536, 0], sizes = [256, 1], strides = [1, 1]} : vector<2048x1xf32> to vector<256x1xf32>
    %iota3A_742 = tpu.iota {dimensions = array<i32: 0>} : vector<256x1xi32>
    %add3A_743 = arith.constant 1536 : i32
    %add3A_744 = vector.broadcast %add3A_743 : i32 to vector<256x1xi32>
    %add3A_745 = arith.addi %iota3A_742, %add3A_744 : vector<256x1xi32>
    %gt3A_746 = vector.broadcast %slice3A_595 : vector<1x2048xf32> to vector<256x2048xf32>
    %gt3A_747 = vector.broadcast %slice3A_741 : vector<256x1xf32> to vector<256x2048xf32>
    %gt3A_748 = arith.cmpf ogt, %gt3A_746, %gt3A_747 : vector<256x2048xf32>
    %eq3A_749 = vector.broadcast %slice3A_595 : vector<1x2048xf32> to vector<256x2048xf32>
    %eq3A_750 = vector.broadcast %slice3A_741 : vector<256x1xf32> to vector<256x2048xf32>
    %eq3A_751 = arith.cmpf oeq, %eq3A_749, %eq3A_750 : vector<256x2048xf32>
    %lt3A_752 = vector.broadcast %iota3A_596 : vector<1x2048xi32> to vector<256x2048xi32>
    %lt3A_753 = vector.broadcast %add3A_745 : vector<256x1xi32> to vector<256x2048xi32>
    %lt3A_754 = arith.cmpi slt, %lt3A_752, %lt3A_753 : vector<256x2048xi32>
    %and3A_755 = arith.andi %eq3A_751, %lt3A_754 : vector<256x2048xi1>
    %or3A_756 = arith.ori %gt3A_748, %and3A_755 : vector<256x2048xi1>
    %jit3A_757 = arith.constant 1 : i32
    %jit3A_758 = arith.constant 0 : i32
    %broadcast_in_dim3A_759 = vector.broadcast %jit3A_757 : i32 to vector<256x2048xi32>
    %broadcast_in_dim3A_760 = vector.broadcast %jit3A_758 : i32 to vector<256x2048xi32>
    %select_n3A_761 = arith.select %or3A_756, %broadcast_in_dim3A_759, %broadcast_in_dim3A_760 : vector<256x2048xi1>, vector<256x2048xi32>
    %reduce_sum3A_762 = arith.constant dense<0> : vector<256xi32>
    %reduce_sum3A_763 = vector.multi_reduction <add>, %select_n3A_761, %reduce_sum3A_762 [1] : vector<256x2048xi32> to vector<256xi32>
    %broadcast_in_dim3A_764 = vector.shape_cast %reduce_sum3A_763 : vector<256xi32> to vector<256x1xi32>
    %slice3A_765 = vector.extract_strided_slice %mul3A_150 {offsets = [1792, 0], sizes = [256, 1], strides = [1, 1]} : vector<2048x1xf32> to vector<256x1xf32>
    %iota3A_766 = tpu.iota {dimensions = array<i32: 0>} : vector<256x1xi32>
    %add3A_767 = arith.constant 1792 : i32
    %add3A_768 = vector.broadcast %add3A_767 : i32 to vector<256x1xi32>
    %add3A_769 = arith.addi %iota3A_766, %add3A_768 : vector<256x1xi32>
    %gt3A_770 = vector.broadcast %slice3A_595 : vector<1x2048xf32> to vector<256x2048xf32>
    %gt3A_771 = vector.broadcast %slice3A_765 : vector<256x1xf32> to vector<256x2048xf32>
    %gt3A_772 = arith.cmpf ogt, %gt3A_770, %gt3A_771 : vector<256x2048xf32>
    %eq3A_773 = vector.broadcast %slice3A_595 : vector<1x2048xf32> to vector<256x2048xf32>
    %eq3A_774 = vector.broadcast %slice3A_765 : vector<256x1xf32> to vector<256x2048xf32>
    %eq3A_775 = arith.cmpf oeq, %eq3A_773, %eq3A_774 : vector<256x2048xf32>
    %lt3A_776 = vector.broadcast %iota3A_596 : vector<1x2048xi32> to vector<256x2048xi32>
    %lt3A_777 = vector.broadcast %add3A_769 : vector<256x1xi32> to vector<256x2048xi32>
    %lt3A_778 = arith.cmpi slt, %lt3A_776, %lt3A_777 : vector<256x2048xi32>
    %and3A_779 = arith.andi %eq3A_775, %lt3A_778 : vector<256x2048xi1>
    %or3A_780 = arith.ori %gt3A_772, %and3A_779 : vector<256x2048xi1>
    %jit3A_781 = arith.constant 1 : i32
    %jit3A_782 = arith.constant 0 : i32
    %broadcast_in_dim3A_783 = vector.broadcast %jit3A_781 : i32 to vector<256x2048xi32>
    %broadcast_in_dim3A_784 = vector.broadcast %jit3A_782 : i32 to vector<256x2048xi32>
    %select_n3A_785 = arith.select %or3A_780, %broadcast_in_dim3A_783, %broadcast_in_dim3A_784 : vector<256x2048xi1>, vector<256x2048xi32>
    %reduce_sum3A_786 = arith.constant dense<0> : vector<256xi32>
    %reduce_sum3A_787 = vector.multi_reduction <add>, %select_n3A_785, %reduce_sum3A_786 [1] : vector<256x2048xi32> to vector<256xi32>
    %broadcast_in_dim3A_788 = vector.shape_cast %reduce_sum3A_787 : vector<256xi32> to vector<256x1xi32>
    %concatenate3A_789 = tpu.concatenate %broadcast_in_dim3A_620, %broadcast_in_dim3A_644, %broadcast_in_dim3A_668, %broadcast_in_dim3A_692, %broadcast_in_dim3A_716, %broadcast_in_dim3A_740, %broadcast_in_dim3A_764, %broadcast_in_dim3A_788 in 0 : vector<256x1xi32>, vector<256x1xi32>, vector<256x1xi32>, vector<256x1xi32>, vector<256x1xi32>, vector<256x1xi32>, vector<256x1xi32>, vector<256x1xi32> -> vector<2048x1xi32>
    %iota3A_790 = tpu.iota {dimensions = array<i32: 1>} : vector<1x128xi32>
    %iota3A_791 = tpu.iota {dimensions = array<i32: 0>} : vector<2048x1xi32>
    %eq3A_792 = vector.broadcast %concatenate3A_789 : vector<2048x1xi32> to vector<2048x128xi32>
    %eq3A_793 = vector.broadcast %iota3A_790 : vector<1x128xi32> to vector<2048x128xi32>
    %eq3A_794 = arith.cmpi eq, %eq3A_792, %eq3A_793 : vector<2048x128xi32>
    %broadcast_in_dim3A_795 = vector.shape_cast %iota3A_791 : vector<2048x1xi32> to vector<2048x1xi32>
    %broadcast_in_dim3A_796 = vector.broadcast %broadcast_in_dim3A_795 : vector<2048x1xi32> to vector<2048x128xi32>
    %jit3A_797 = arith.constant 0 : i32
    %broadcast_in_dim3A_798 = vector.broadcast %jit3A_797 : i32 to vector<2048x128xi32>
    %select_n3A_799 = arith.select %eq3A_794, %broadcast_in_dim3A_796, %broadcast_in_dim3A_798 : vector<2048x128xi1>, vector<2048x128xi32>
    %reduce_sum3A_800 = arith.constant dense<0> : vector<128xi32>
    %reduce_sum3A_801 = vector.multi_reduction <add>, %select_n3A_799, %reduce_sum3A_800 [0] : vector<2048x128xi32> to vector<128xi32>
    %broadcast_in_dim3A_802 = vector.shape_cast %reduce_sum3A_801 : vector<128xi32> to vector<1x128xi32>
    %add3A_803 = vector.broadcast %mul3A_160 : i32 to vector<1x128xi32>
    %add3A_804 = arith.addi %broadcast_in_dim3A_802, %add3A_803 : vector<1x128xi32>
    %reshape3A_805 = vector.shape_cast %add3A_804 : vector<1x128xi32> to vector<1x1x128xi32>
    %swap3A_806 = arith.constant 0 : index
    %swap3A_807 = arith.constant 0 : index
    %swap3A_808 = arith.constant 1024 : index
    %swap3A_809 = vector.load %arg2[%swap3A_806, %swap3A_807, %swap3A_808] : memref<1x1x1280xi32, #tpu.memory_space<vmem>>, vector<1x1x128xi32>
    tpu.vector_store %arg2[%swap3A_806, %swap3A_807, %swap3A_808], %reshape3A_805 {strides = array<i32>} : memref<1x1x1280xi32, #tpu.memory_space<vmem>>, vector<1x1x128xi32>,
    %broadcast_in_dim3A_810 = vector.shape_cast %mul3A_152 : vector<2048x1xf32> to vector<2048x1xf32>
    %broadcast_in_dim3A_811 = vector.broadcast %broadcast_in_dim3A_810 : vector<2048x1xf32> to vector<2048x128xf32>
    %transpose3A_812 = tpu.transpose %broadcast_in_dim3A_811, [1, 0] : vector<2048x128xf32> -> vector<128x2048xf32>
    %slice3A_813 = vector.extract_strided_slice %transpose3A_812 {offsets = [0, 0], sizes = [1, 2048], strides = [1, 1]} : vector<128x2048xf32> to vector<1x2048xf32>
    %iota3A_814 = tpu.iota {dimensions = array<i32: 1>} : vector<1x2048xi32>
    %slice3A_815 = vector.extract_strided_slice %mul3A_152 {offsets = [0, 0], sizes = [256, 1], strides = [1, 1]} : vector<2048x1xf32> to vector<256x1xf32>
    %iota3A_816 = tpu.iota {dimensions = array<i32: 0>} : vector<256x1xi32>
    %add3A_817 = arith.constant 0 : i32
    %add3A_818 = vector.broadcast %add3A_817 : i32 to vector<256x1xi32>
    %add3A_819 = arith.addi %iota3A_816, %add3A_818 : vector<256x1xi32>
    %gt3A_820 = vector.broadcast %slice3A_813 : vector<1x2048xf32> to vector<256x2048xf32>
    %gt3A_821 = vector.broadcast %slice3A_815 : vector<256x1xf32> to vector<256x2048xf32>
    %gt3A_822 = arith.cmpf ogt, %gt3A_820, %gt3A_821 : vector<256x2048xf32>
    %eq3A_823 = vector.broadcast %slice3A_813 : vector<1x2048xf32> to vector<256x2048xf32>
    %eq3A_824 = vector.broadcast %slice3A_815 : vector<256x1xf32> to vector<256x2048xf32>
    %eq3A_825 = arith.cmpf oeq, %eq3A_823, %eq3A_824 : vector<256x2048xf32>
    %lt3A_826 = vector.broadcast %iota3A_814 : vector<1x2048xi32> to vector<256x2048xi32>
    %lt3A_827 = vector.broadcast %add3A_819 : vector<256x1xi32> to vector<256x2048xi32>
    %lt3A_828 = arith.cmpi slt, %lt3A_826, %lt3A_827 : vector<256x2048xi32>
    %and3A_829 = arith.andi %eq3A_825, %lt3A_828 : vector<256x2048xi1>
    %or3A_830 = arith.ori %gt3A_822, %and3A_829 : vector<256x2048xi1>
    %jit3A_831 = arith.constant 1 : i32
    %jit3A_832 = arith.constant 0 : i32
    %broadcast_in_dim3A_833 = vector.broadcast %jit3A_831 : i32 to vector<256x2048xi32>
    %broadcast_in_dim3A_834 = vector.broadcast %jit3A_832 : i32 to vector<256x2048xi32>
    %select_n3A_835 = arith.select %or3A_830, %broadcast_in_dim3A_833, %broadcast_in_dim3A_834 : vector<256x2048xi1>, vector<256x2048xi32>
    %reduce_sum3A_836 = arith.constant dense<0> : vector<256xi32>
    %reduce_sum3A_837 = vector.multi_reduction <add>, %select_n3A_835, %reduce_sum3A_836 [1] : vector<256x2048xi32> to vector<256xi32>
    %broadcast_in_dim3A_838 = vector.shape_cast %reduce_sum3A_837 : vector<256xi32> to vector<256x1xi32>
    %slice3A_839 = vector.extract_strided_slice %mul3A_152 {offsets = [256, 0], sizes = [256, 1], strides = [1, 1]} : vector<2048x1xf32> to vector<256x1xf32>
    %iota3A_840 = tpu.iota {dimensions = array<i32: 0>} : vector<256x1xi32>
    %add3A_841 = arith.constant 256 : i32
    %add3A_842 = vector.broadcast %add3A_841 : i32 to vector<256x1xi32>
    %add3A_843 = arith.addi %iota3A_840, %add3A_842 : vector<256x1xi32>
    %gt3A_844 = vector.broadcast %slice3A_813 : vector<1x2048xf32> to vector<256x2048xf32>
    %gt3A_845 = vector.broadcast %slice3A_839 : vector<256x1xf32> to vector<256x2048xf32>
    %gt3A_846 = arith.cmpf ogt, %gt3A_844, %gt3A_845 : vector<256x2048xf32>
    %eq3A_847 = vector.broadcast %slice3A_813 : vector<1x2048xf32> to vector<256x2048xf32>
    %eq3A_848 = vector.broadcast %slice3A_839 : vector<256x1xf32> to vector<256x2048xf32>
    %eq3A_849 = arith.cmpf oeq, %eq3A_847, %eq3A_848 : vector<256x2048xf32>
    %lt3A_850 = vector.broadcast %iota3A_814 : vector<1x2048xi32> to vector<256x2048xi32>
    %lt3A_851 = vector.broadcast %add3A_843 : vector<256x1xi32> to vector<256x2048xi32>
    %lt3A_852 = arith.cmpi slt, %lt3A_850, %lt3A_851 : vector<256x2048xi32>
    %and3A_853 = arith.andi %eq3A_849, %lt3A_852 : vector<256x2048xi1>
    %or3A_854 = arith.ori %gt3A_846, %and3A_853 : vector<256x2048xi1>
    %jit3A_855 = arith.constant 1 : i32
    %jit3A_856 = arith.constant 0 : i32
    %broadcast_in_dim3A_857 = vector.broadcast %jit3A_855 : i32 to vector<256x2048xi32>
    %broadcast_in_dim3A_858 = vector.broadcast %jit3A_856 : i32 to vector<256x2048xi32>
    %select_n3A_859 = arith.select %or3A_854, %broadcast_in_dim3A_857, %broadcast_in_dim3A_858 : vector<256x2048xi1>, vector<256x2048xi32>
    %reduce_sum3A_860 = arith.constant dense<0> : vector<256xi32>
    %reduce_sum3A_861 = vector.multi_reduction <add>, %select_n3A_859, %reduce_sum3A_860 [1] : vector<256x2048xi32> to vector<256xi32>
    %broadcast_in_dim3A_862 = vector.shape_cast %reduce_sum3A_861 : vector<256xi32> to vector<256x1xi32>
    %slice3A_863 = vector.extract_strided_slice %mul3A_152 {offsets = [512, 0], sizes = [256, 1], strides = [1, 1]} : vector<2048x1xf32> to vector<256x1xf32>
    %iota3A_864 = tpu.iota {dimensions = array<i32: 0>} : vector<256x1xi32>
    %add3A_865 = arith.constant 512 : i32
    %add3A_866 = vector.broadcast %add3A_865 : i32 to vector<256x1xi32>
    %add3A_867 = arith.addi %iota3A_864, %add3A_866 : vector<256x1xi32>
    %gt3A_868 = vector.broadcast %slice3A_813 : vector<1x2048xf32> to vector<256x2048xf32>
    %gt3A_869 = vector.broadcast %slice3A_863 : vector<256x1xf32> to vector<256x2048xf32>
    %gt3A_870 = arith.cmpf ogt, %gt3A_868, %gt3A_869 : vector<256x2048xf32>
    %eq3A_871 = vector.broadcast %slice3A_813 : vector<1x2048xf32> to vector<256x2048xf32>
    %eq3A_872 = vector.broadcast %slice3A_863 : vector<256x1xf32> to vector<256x2048xf32>
    %eq3A_873 = arith.cmpf oeq, %eq3A_871, %eq3A_872 : vector<256x2048xf32>
    %lt3A_874 = vector.broadcast %iota3A_814 : vector<1x2048xi32> to vector<256x2048xi32>
    %lt3A_875 = vector.broadcast %add3A_867 : vector<256x1xi32> to vector<256x2048xi32>
    %lt3A_876 = arith.cmpi slt, %lt3A_874, %lt3A_875 : vector<256x2048xi32>
    %and3A_877 = arith.andi %eq3A_873, %lt3A_876 : vector<256x2048xi1>
    %or3A_878 = arith.ori %gt3A_870, %and3A_877 : vector<256x2048xi1>
    %jit3A_879 = arith.constant 1 : i32
    %jit3A_880 = arith.constant 0 : i32
    %broadcast_in_dim3A_881 = vector.broadcast %jit3A_879 : i32 to vector<256x2048xi32>
    %broadcast_in_dim3A_882 = vector.broadcast %jit3A_880 : i32 to vector<256x2048xi32>
    %select_n3A_883 = arith.select %or3A_878, %broadcast_in_dim3A_881, %broadcast_in_dim3A_882 : vector<256x2048xi1>, vector<256x2048xi32>
    %reduce_sum3A_884 = arith.constant dense<0> : vector<256xi32>
    %reduce_sum3A_885 = vector.multi_reduction <add>, %select_n3A_883, %reduce_sum3A_884 [1] : vector<256x2048xi32> to vector<256xi32>
    %broadcast_in_dim3A_886 = vector.shape_cast %reduce_sum3A_885 : vector<256xi32> to vector<256x1xi32>
    %slice3A_887 = vector.extract_strided_slice %mul3A_152 {offsets = [768, 0], sizes = [256, 1], strides = [1, 1]} : vector<2048x1xf32> to vector<256x1xf32>
    %iota3A_888 = tpu.iota {dimensions = array<i32: 0>} : vector<256x1xi32>
    %add3A_889 = arith.constant 768 : i32
    %add3A_890 = vector.broadcast %add3A_889 : i32 to vector<256x1xi32>
    %add3A_891 = arith.addi %iota3A_888, %add3A_890 : vector<256x1xi32>
    %gt3A_892 = vector.broadcast %slice3A_813 : vector<1x2048xf32> to vector<256x2048xf32>
    %gt3A_893 = vector.broadcast %slice3A_887 : vector<256x1xf32> to vector<256x2048xf32>
    %gt3A_894 = arith.cmpf ogt, %gt3A_892, %gt3A_893 : vector<256x2048xf32>
    %eq3A_895 = vector.broadcast %slice3A_813 : vector<1x2048xf32> to vector<256x2048xf32>
    %eq3A_896 = vector.broadcast %slice3A_887 : vector<256x1xf32> to vector<256x2048xf32>
    %eq3A_897 = arith.cmpf oeq, %eq3A_895, %eq3A_896 : vector<256x2048xf32>
    %lt3A_898 = vector.broadcast %iota3A_814 : vector<1x2048xi32> to vector<256x2048xi32>
    %lt3A_899 = vector.broadcast %add3A_891 : vector<256x1xi32> to vector<256x2048xi32>
    %lt3A_900 = arith.cmpi slt, %lt3A_898, %lt3A_899 : vector<256x2048xi32>
    %and3A_901 = arith.andi %eq3A_897, %lt3A_900 : vector<256x2048xi1>
    %or3A_902 = arith.ori %gt3A_894, %and3A_901 : vector<256x2048xi1>
    %jit3A_903 = arith.constant 1 : i32
    %jit3A_904 = arith.constant 0 : i32
    %broadcast_in_dim3A_905 = vector.broadcast %jit3A_903 : i32 to vector<256x2048xi32>
    %broadcast_in_dim3A_906 = vector.broadcast %jit3A_904 : i32 to vector<256x2048xi32>
    %select_n3A_907 = arith.select %or3A_902, %broadcast_in_dim3A_905, %broadcast_in_dim3A_906 : vector<256x2048xi1>, vector<256x2048xi32>
    %reduce_sum3A_908 = arith.constant dense<0> : vector<256xi32>
    %reduce_sum3A_909 = vector.multi_reduction <add>, %select_n3A_907, %reduce_sum3A_908 [1] : vector<256x2048xi32> to vector<256xi32>
    %broadcast_in_dim3A_910 = vector.shape_cast %reduce_sum3A_909 : vector<256xi32> to vector<256x1xi32>
    %slice3A_911 = vector.extract_strided_slice %mul3A_152 {offsets = [1024, 0], sizes = [256, 1], strides = [1, 1]} : vector<2048x1xf32> to vector<256x1xf32>
    %iota3A_912 = tpu.iota {dimensions = array<i32: 0>} : vector<256x1xi32>
    %add3A_913 = arith.constant 1024 : i32
    %add3A_914 = vector.broadcast %add3A_913 : i32 to vector<256x1xi32>
    %add3A_915 = arith.addi %iota3A_912, %add3A_914 : vector<256x1xi32>
    %gt3A_916 = vector.broadcast %slice3A_813 : vector<1x2048xf32> to vector<256x2048xf32>
    %gt3A_917 = vector.broadcast %slice3A_911 : vector<256x1xf32> to vector<256x2048xf32>
    %gt3A_918 = arith.cmpf ogt, %gt3A_916, %gt3A_917 : vector<256x2048xf32>
    %eq3A_919 = vector.broadcast %slice3A_813 : vector<1x2048xf32> to vector<256x2048xf32>
    %eq3A_920 = vector.broadcast %slice3A_911 : vector<256x1xf32> to vector<256x2048xf32>
    %eq3A_921 = arith.cmpf oeq, %eq3A_919, %eq3A_920 : vector<256x2048xf32>
    %lt3A_922 = vector.broadcast %iota3A_814 : vector<1x2048xi32> to vector<256x2048xi32>
    %lt3A_923 = vector.broadcast %add3A_915 : vector<256x1xi32> to vector<256x2048xi32>
    %lt3A_924 = arith.cmpi slt, %lt3A_922, %lt3A_923 : vector<256x2048xi32>
    %and3A_925 = arith.andi %eq3A_921, %lt3A_924 : vector<256x2048xi1>
    %or3A_926 = arith.ori %gt3A_918, %and3A_925 : vector<256x2048xi1>
    %jit3A_927 = arith.constant 1 : i32
    %jit3A_928 = arith.constant 0 : i32
    %broadcast_in_dim3A_929 = vector.broadcast %jit3A_927 : i32 to vector<256x2048xi32>
    %broadcast_in_dim3A_930 = vector.broadcast %jit3A_928 : i32 to vector<256x2048xi32>
    %select_n3A_931 = arith.select %or3A_926, %broadcast_in_dim3A_929, %broadcast_in_dim3A_930 : vector<256x2048xi1>, vector<256x2048xi32>
    %reduce_sum3A_932 = arith.constant dense<0> : vector<256xi32>
    %reduce_sum3A_933 = vector.multi_reduction <add>, %select_n3A_931, %reduce_sum3A_932 [1] : vector<256x2048xi32> to vector<256xi32>
    %broadcast_in_dim3A_934 = vector.shape_cast %reduce_sum3A_933 : vector<256xi32> to vector<256x1xi32>
    %slice3A_935 = vector.extract_strided_slice %mul3A_152 {offsets = [1280, 0], sizes = [256, 1], strides = [1, 1]} : vector<2048x1xf32> to vector<256x1xf32>
    %iota3A_936 = tpu.iota {dimensions = array<i32: 0>} : vector<256x1xi32>
    %add3A_937 = arith.constant 1280 : i32
    %add3A_938 = vector.broadcast %add3A_937 : i32 to vector<256x1xi32>
    %add3A_939 = arith.addi %iota3A_936, %add3A_938 : vector<256x1xi32>
    %gt3A_940 = vector.broadcast %slice3A_813 : vector<1x2048xf32> to vector<256x2048xf32>
    %gt3A_941 = vector.broadcast %slice3A_935 : vector<256x1xf32> to vector<256x2048xf32>
    %gt3A_942 = arith.cmpf ogt, %gt3A_940, %gt3A_941 : vector<256x2048xf32>
    %eq3A_943 = vector.broadcast %slice3A_813 : vector<1x2048xf32> to vector<256x2048xf32>
    %eq3A_944 = vector.broadcast %slice3A_935 : vector<256x1xf32> to vector<256x2048xf32>
    %eq3A_945 = arith.cmpf oeq, %eq3A_943, %eq3A_944 : vector<256x2048xf32>
    %lt3A_946 = vector.broadcast %iota3A_814 : vector<1x2048xi32> to vector<256x2048xi32>
    %lt3A_947 = vector.broadcast %add3A_939 : vector<256x1xi32> to vector<256x2048xi32>
    %lt3A_948 = arith.cmpi slt, %lt3A_946, %lt3A_947 : vector<256x2048xi32>
    %and3A_949 = arith.andi %eq3A_945, %lt3A_948 : vector<256x2048xi1>
    %or3A_950 = arith.ori %gt3A_942, %and3A_949 : vector<256x2048xi1>
    %jit3A_951 = arith.constant 1 : i32
    %jit3A_952 = arith.constant 0 : i32
    %broadcast_in_dim3A_953 = vector.broadcast %jit3A_951 : i32 to vector<256x2048xi32>
    %broadcast_in_dim3A_954 = vector.broadcast %jit3A_952 : i32 to vector<256x2048xi32>
    %select_n3A_955 = arith.select %or3A_950, %broadcast_in_dim3A_953, %broadcast_in_dim3A_954 : vector<256x2048xi1>, vector<256x2048xi32>
    %reduce_sum3A_956 = arith.constant dense<0> : vector<256xi32>
    %reduce_sum3A_957 = vector.multi_reduction <add>, %select_n3A_955, %reduce_sum3A_956 [1] : vector<256x2048xi32> to vector<256xi32>
    %broadcast_in_dim3A_958 = vector.shape_cast %reduce_sum3A_957 : vector<256xi32> to vector<256x1xi32>
    %slice3A_959 = vector.extract_strided_slice %mul3A_152 {offsets = [1536, 0], sizes = [256, 1], strides = [1, 1]} : vector<2048x1xf32> to vector<256x1xf32>
    %iota3A_960 = tpu.iota {dimensions = array<i32: 0>} : vector<256x1xi32>
    %add3A_961 = arith.constant 1536 : i32
    %add3A_962 = vector.broadcast %add3A_961 : i32 to vector<256x1xi32>
    %add3A_963 = arith.addi %iota3A_960, %add3A_962 : vector<256x1xi32>
    %gt3A_964 = vector.broadcast %slice3A_813 : vector<1x2048xf32> to vector<256x2048xf32>
    %gt3A_965 = vector.broadcast %slice3A_959 : vector<256x1xf32> to vector<256x2048xf32>
    %gt3A_966 = arith.cmpf ogt, %gt3A_964, %gt3A_965 : vector<256x2048xf32>
    %eq3A_967 = vector.broadcast %slice3A_813 : vector<1x2048xf32> to vector<256x2048xf32>
    %eq3A_968 = vector.broadcast %slice3A_959 : vector<256x1xf32> to vector<256x2048xf32>
    %eq3A_969 = arith.cmpf oeq, %eq3A_967, %eq3A_968 : vector<256x2048xf32>
    %lt3A_970 = vector.broadcast %iota3A_814 : vector<1x2048xi32> to vector<256x2048xi32>
    %lt3A_971 = vector.broadcast %add3A_963 : vector<256x1xi32> to vector<256x2048xi32>
    %lt3A_972 = arith.cmpi slt, %lt3A_970, %lt3A_971 : vector<256x2048xi32>
    %and3A_973 = arith.andi %eq3A_969, %lt3A_972 : vector<256x2048xi1>
    %or3A_974 = arith.ori %gt3A_966, %and3A_973 : vector<256x2048xi1>
    %jit3A_975 = arith.constant 1 : i32
    %jit3A_976 = arith.constant 0 : i32
    %broadcast_in_dim3A_977 = vector.broadcast %jit3A_975 : i32 to vector<256x2048xi32>
    %broadcast_in_dim3A_978 = vector.broadcast %jit3A_976 : i32 to vector<256x2048xi32>
    %select_n3A_979 = arith.select %or3A_974, %broadcast_in_dim3A_977, %broadcast_in_dim3A_978 : vector<256x2048xi1>, vector<256x2048xi32>
    %reduce_sum3A_980 = arith.constant dense<0> : vector<256xi32>
    %reduce_sum3A_981 = vector.multi_reduction <add>, %select_n3A_979, %reduce_sum3A_980 [1] : vector<256x2048xi32> to vector<256xi32>
    %broadcast_in_dim3A_982 = vector.shape_cast %reduce_sum3A_981 : vector<256xi32> to vector<256x1xi32>
    %slice3A_983 = vector.extract_strided_slice %mul3A_152 {offsets = [1792, 0], sizes = [256, 1], strides = [1, 1]} : vector<2048x1xf32> to vector<256x1xf32>
    %iota3A_984 = tpu.iota {dimensions = array<i32: 0>} : vector<256x1xi32>
    %add3A_985 = arith.constant 1792 : i32
    %add3A_986 = vector.broadcast %add3A_985 : i32 to vector<256x1xi32>
    %add3A_987 = arith.addi %iota3A_984, %add3A_986 : vector<256x1xi32>
    %gt3A_988 = vector.broadcast %slice3A_813 : vector<1x2048xf32> to vector<256x2048xf32>
    %gt3A_989 = vector.broadcast %slice3A_983 : vector<256x1xf32> to vector<256x2048xf32>
    %gt3A_990 = arith.cmpf ogt, %gt3A_988, %gt3A_989 : vector<256x2048xf32>
    %eq3A_991 = vector.broadcast %slice3A_813 : vector<1x2048xf32> to vector<256x2048xf32>
    %eq3A_992 = vector.broadcast %slice3A_983 : vector<256x1xf32> to vector<256x2048xf32>
    %eq3A_993 = arith.cmpf oeq, %eq3A_991, %eq3A_992 : vector<256x2048xf32>
    %lt3A_994 = vector.broadcast %iota3A_814 : vector<1x2048xi32> to vector<256x2048xi32>
    %lt3A_995 = vector.broadcast %add3A_987 : vector<256x1xi32> to vector<256x2048xi32>
    %lt3A_996 = arith.cmpi slt, %lt3A_994, %lt3A_995 : vector<256x2048xi32>
    %and3A_997 = arith.andi %eq3A_993, %lt3A_996 : vector<256x2048xi1>
    %or3A_998 = arith.ori %gt3A_990, %and3A_997 : vector<256x2048xi1>
    %jit3A_999 = arith.constant 1 : i32
    %jit3A_1000 = arith.constant 0 : i32
    %broadcast_in_dim3A_1001 = vector.broadcast %jit3A_999 : i32 to vector<256x2048xi32>
    %broadcast_in_dim3A_1002 = vector.broadcast %jit3A_1000 : i32 to vector<256x2048xi32>
    %select_n3A_1003 = arith.select %or3A_998, %broadcast_in_dim3A_1001, %broadcast_in_dim3A_1002 : vector<256x2048xi1>, vector<256x2048xi32>
    %reduce_sum3A_1004 = arith.constant dense<0> : vector<256xi32>
    %reduce_sum3A_1005 = vector.multi_reduction <add>, %select_n3A_1003, %reduce_sum3A_1004 [1] : vector<256x2048xi32> to vector<256xi32>
    %broadcast_in_dim3A_1006 = vector.shape_cast %reduce_sum3A_1005 : vector<256xi32> to vector<256x1xi32>
    %concatenate3A_1007 = tpu.concatenate %broadcast_in_dim3A_838, %broadcast_in_dim3A_862, %broadcast_in_dim3A_886, %broadcast_in_dim3A_910, %broadcast_in_dim3A_934, %broadcast_in_dim3A_958, %broadcast_in_dim3A_982, %broadcast_in_dim3A_1006 in 0 : vector<256x1xi32>, vector<256x1xi32>, vector<256x1xi32>, vector<256x1xi32>, vector<256x1xi32>, vector<256x1xi32>, vector<256x1xi32>, vector<256x1xi32> -> vector<2048x1xi32>
    %iota3A_1008 = tpu.iota {dimensions = array<i32: 1>} : vector<1x128xi32>
    %iota3A_1009 = tpu.iota {dimensions = array<i32: 0>} : vector<2048x1xi32>
    %eq3A_1010 = vector.broadcast %concatenate3A_1007 : vector<2048x1xi32> to vector<2048x128xi32>
    %eq3A_1011 = vector.broadcast %iota3A_1008 : vector<1x128xi32> to vector<2048x128xi32>
    %eq3A_1012 = arith.cmpi eq, %eq3A_1010, %eq3A_1011 : vector<2048x128xi32>
    %broadcast_in_dim3A_1013 = vector.shape_cast %iota3A_1009 : vector<2048x1xi32> to vector<2048x1xi32>
    %broadcast_in_dim3A_1014 = vector.broadcast %broadcast_in_dim3A_1013 : vector<2048x1xi32> to vector<2048x128xi32>
    %jit3A_1015 = arith.constant 0 : i32
    %broadcast_in_dim3A_1016 = vector.broadcast %jit3A_1015 : i32 to vector<2048x128xi32>
    %select_n3A_1017 = arith.select %eq3A_1012, %broadcast_in_dim3A_1014, %broadcast_in_dim3A_1016 : vector<2048x128xi1>, vector<2048x128xi32>
    %reduce_sum3A_1018 = arith.constant dense<0> : vector<128xi32>
    %reduce_sum3A_1019 = vector.multi_reduction <add>, %select_n3A_1017, %reduce_sum3A_1018 [0] : vector<2048x128xi32> to vector<128xi32>
    %broadcast_in_dim3A_1020 = vector.shape_cast %reduce_sum3A_1019 : vector<128xi32> to vector<1x128xi32>
    %add3A_1021 = vector.broadcast %mul3A_160 : i32 to vector<1x128xi32>
    %add3A_1022 = arith.addi %broadcast_in_dim3A_1020, %add3A_1021 : vector<1x128xi32>
    %reshape3A_1023 = vector.shape_cast %add3A_1022 : vector<1x128xi32> to vector<1x1x128xi32>
    %swap3A_1024 = arith.constant 0 : index
    %swap3A_1025 = arith.constant 0 : index
    %swap3A_1026 = arith.constant 1152 : index
    %swap3A_1027 = vector.load %arg2[%swap3A_1024, %swap3A_1025, %swap3A_1026] : memref<1x1x1280xi32, #tpu.memory_space<vmem>>, vector<1x1x128xi32>
    tpu.vector_store %arg2[%swap3A_1024, %swap3A_1025, %swap3A_1026], %reshape3A_1023 {strides = array<i32>} : memref<1x1x1280xi32, #tpu.memory_space<vmem>>, vector<1x1x128xi32>,
    %bitcast_convert_type3A = tpu.bitcast %reshape3A : vector<2048x128xf32> -> vector<2048x128xi32>
    %broadcast_in_dim3A_1028 = arith.constant 0 : i32
    %broadcast_in_dim3A_1029 = vector.broadcast %broadcast_in_dim3A_1028 : i32 to vector<1x128xi32>
    %or3A_1030 = arith.constant 1073741824 : i32
    %or3A_1031 = vector.broadcast %or3A_1030 : i32 to vector<1x128xi32>
    %or3A_1032 = arith.ori %broadcast_in_dim3A_1029, %or3A_1031 : vector<1x128xi32>
    %ge3A_1033 = vector.broadcast %or3A_1032 : vector<1x128xi32> to vector<2048x128xi32>
    %ge3A_1034 = arith.cmpi sge, %bitcast_convert_type3A, %ge3A_1033 : vector<2048x128xi32>
    %jit3A_1035 = arith.constant 1.000000e+00 : f32
    %jit3A_1036 = arith.constant 0.000000e+00 : f32
    %broadcast_in_dim3A_1037 = vector.broadcast %jit3A_1035 : f32 to vector<2048x128xf32>
    %broadcast_in_dim3A_1038 = vector.broadcast %jit3A_1036 : f32 to vector<2048x128xf32>
    %select_n3A_1039 = arith.select %ge3A_1034, %broadcast_in_dim3A_1037, %broadcast_in_dim3A_1038 : vector<2048x128xi1>, vector<2048x128xf32>
    %reduce_sum3A_1040 = arith.constant dense<0.000000e+00> : vector<128xf32>
    %reduce_sum3A_1041 = vector.multi_reduction <add>, %select_n3A_1039, %reduce_sum3A_1040 [0] : vector<2048x128xf32> to vector<128xf32>
    %broadcast_in_dim3A_1042 = vector.shape_cast %reduce_sum3A_1041 : vector<128xf32> to vector<1x128xf32>
    %ge3A_1043 = arith.constant 4.090000e+02 : f32
    %ge3A_1044 = vector.broadcast %ge3A_1043 : f32 to vector<1x128xf32>
    %ge3A_1045 = arith.cmpf oge, %broadcast_in_dim3A_1042, %ge3A_1044 : vector<1x128xf32>
    %select_n3A_1046 = arith.select %ge3A_1045, %or3A_1032, %broadcast_in_dim3A_1029 : vector<1x128xi1>, vector<1x128xi32>
    %or3A_1047 = arith.constant 536870912 : i32
    %or3A_1048 = vector.broadcast %or3A_1047 : i32 to vector<1x128xi32>
    %or3A_1049 = arith.ori %select_n3A_1046, %or3A_1048 : vector<1x128xi32>
    %ge3A_1050 = vector.broadcast %or3A_1049 : vector<1x128xi32> to vector<2048x128xi32>
    %ge3A_1051 = arith.cmpi sge, %bitcast_convert_type3A, %ge3A_1050 : vector<2048x128xi32>
    %jit3A_1052 = arith.constant 1.000000e+00 : f32
    %jit3A_1053 = arith.constant 0.000000e+00 : f32
    %broadcast_in_dim3A_1054 = vector.broadcast %jit3A_1052 : f32 to vector<2048x128xf32>
    %broadcast_in_dim3A_1055 = vector.broadcast %jit3A_1053 : f32 to vector<2048x128xf32>
    %select_n3A_1056 = arith.select %ge3A_1051, %broadcast_in_dim3A_1054, %broadcast_in_dim3A_1055 : vector<2048x128xi1>, vector<2048x128xf32>
    %reduce_sum3A_1057 = arith.constant dense<0.000000e+00> : vector<128xf32>
    %reduce_sum3A_1058 = vector.multi_reduction <add>, %select_n3A_1056, %reduce_sum3A_1057 [0] : vector<2048x128xf32> to vector<128xf32>
    %broadcast_in_dim3A_1059 = vector.shape_cast %reduce_sum3A_1058 : vector<128xf32> to vector<1x128xf32>
    %ge3A_1060 = arith.constant 4.090000e+02 : f32
    %ge3A_1061 = vector.broadcast %ge3A_1060 : f32 to vector<1x128xf32>
    %ge3A_1062 = arith.cmpf oge, %broadcast_in_dim3A_1059, %ge3A_1061 : vector<1x128xf32>
    %select_n3A_1063 = arith.select %ge3A_1062, %or3A_1049, %select_n3A_1046 : vector<1x128xi1>, vector<1x128xi32>
    %or3A_1064 = arith.constant 268435456 : i32
    %or3A_1065 = vector.broadcast %or3A_1064 : i32 to vector<1x128xi32>
    %or3A_1066 = arith.ori %select_n3A_1063, %or3A_1065 : vector<1x128xi32>
    %ge3A_1067 = vector.broadcast %or3A_1066 : vector<1x128xi32> to vector<2048x128xi32>
    %ge3A_1068 = arith.cmpi sge, %bitcast_convert_type3A, %ge3A_1067 : vector<2048x128xi32>
    %jit3A_1069 = arith.constant 1.000000e+00 : f32
    %jit3A_1070 = arith.constant 0.000000e+00 : f32
    %broadcast_in_dim3A_1071 = vector.broadcast %jit3A_1069 : f32 to vector<2048x128xf32>
    %broadcast_in_dim3A_1072 = vector.broadcast %jit3A_1070 : f32 to vector<2048x128xf32>
    %select_n3A_1073 = arith.select %ge3A_1068, %broadcast_in_dim3A_1071, %broadcast_in_dim3A_1072 : vector<2048x128xi1>, vector<2048x128xf32>
    %reduce_sum3A_1074 = arith.constant dense<0.000000e+00> : vector<128xf32>
    %reduce_sum3A_1075 = vector.multi_reduction <add>, %select_n3A_1073, %reduce_sum3A_1074 [0] : vector<2048x128xf32> to vector<128xf32>
    %broadcast_in_dim3A_1076 = vector.shape_cast %reduce_sum3A_1075 : vector<128xf32> to vector<1x128xf32>
    %ge3A_1077 = arith.constant 4.090000e+02 : f32
    %ge3A_1078 = vector.broadcast %ge3A_1077 : f32 to vector<1x128xf32>
    %ge3A_1079 = arith.cmpf oge, %broadcast_in_dim3A_1076, %ge3A_1078 : vector<1x128xf32>
    %select_n3A_1080 = arith.select %ge3A_1079, %or3A_1066, %select_n3A_1063 : vector<1x128xi1>, vector<1x128xi32>
    %or3A_1081 = arith.constant 134217728 : i32
    %or3A_1082 = vector.broadcast %or3A_1081 : i32 to vector<1x128xi32>
    %or3A_1083 = arith.ori %select_n3A_1080, %or3A_1082 : vector<1x128xi32>
    %ge3A_1084 = vector.broadcast %or3A_1083 : vector<1x128xi32> to vector<2048x128xi32>
    %ge3A_1085 = arith.cmpi sge, %bitcast_convert_type3A, %ge3A_1084 : vector<2048x128xi32>
    %jit3A_1086 = arith.constant 1.000000e+00 : f32
    %jit3A_1087 = arith.constant 0.000000e+00 : f32
    %broadcast_in_dim3A_1088 = vector.broadcast %jit3A_1086 : f32 to vector<2048x128xf32>
    %broadcast_in_dim3A_1089 = vector.broadcast %jit3A_1087 : f32 to vector<2048x128xf32>
    %select_n3A_1090 = arith.select %ge3A_1085, %broadcast_in_dim3A_1088, %broadcast_in_dim3A_1089 : vector<2048x128xi1>, vector<2048x128xf32>
    %reduce_sum3A_1091 = arith.constant dense<0.000000e+00> : vector<128xf32>
    %reduce_sum3A_1092 = vector.multi_reduction <add>, %select_n3A_1090, %reduce_sum3A_1091 [0] : vector<2048x128xf32> to vector<128xf32>
    %broadcast_in_dim3A_1093 = vector.shape_cast %reduce_sum3A_1092 : vector<128xf32> to vector<1x128xf32>
    %ge3A_1094 = arith.constant 4.090000e+02 : f32
    %ge3A_1095 = vector.broadcast %ge3A_1094 : f32 to vector<1x128xf32>
    %ge3A_1096 = arith.cmpf oge, %broadcast_in_dim3A_1093, %ge3A_1095 : vector<1x128xf32>
    %select_n3A_1097 = arith.select %ge3A_1096, %or3A_1083, %select_n3A_1080 : vector<1x128xi1>, vector<1x128xi32>
    %or3A_1098 = arith.constant 67108864 : i32
    %or3A_1099 = vector.broadcast %or3A_1098 : i32 to vector<1x128xi32>
    %or3A_1100 = arith.ori %select_n3A_1097, %or3A_1099 : vector<1x128xi32>
    %ge3A_1101 = vector.broadcast %or3A_1100 : vector<1x128xi32> to vector<2048x128xi32>
    %ge3A_1102 = arith.cmpi sge, %bitcast_convert_type3A, %ge3A_1101 : vector<2048x128xi32>
    %jit3A_1103 = arith.constant 1.000000e+00 : f32
    %jit3A_1104 = arith.constant 0.000000e+00 : f32
    %broadcast_in_dim3A_1105 = vector.broadcast %jit3A_1103 : f32 to vector<2048x128xf32>
    %broadcast_in_dim3A_1106 = vector.broadcast %jit3A_1104 : f32 to vector<2048x128xf32>
    %select_n3A_1107 = arith.select %ge3A_1102, %broadcast_in_dim3A_1105, %broadcast_in_dim3A_1106 : vector<2048x128xi1>, vector<2048x128xf32>
    %reduce_sum3A_1108 = arith.constant dense<0.000000e+00> : vector<128xf32>
    %reduce_sum3A_1109 = vector.multi_reduction <add>, %select_n3A_1107, %reduce_sum3A_1108 [0] : vector<2048x128xf32> to vector<128xf32>
    %broadcast_in_dim3A_1110 = vector.shape_cast %reduce_sum3A_1109 : vector<128xf32> to vector<1x128xf32>
    %ge3A_1111 = arith.constant 4.090000e+02 : f32
    %ge3A_1112 = vector.broadcast %ge3A_1111 : f32 to vector<1x128xf32>
    %ge3A_1113 = arith.cmpf oge, %broadcast_in_dim3A_1110, %ge3A_1112 : vector<1x128xf32>
    %select_n3A_1114 = arith.select %ge3A_1113, %or3A_1100, %select_n3A_1097 : vector<1x128xi1>, vector<1x128xi32>
    %or3A_1115 = arith.constant 33554432 : i32
    %or3A_1116 = vector.broadcast %or3A_1115 : i32 to vector<1x128xi32>
    %or3A_1117 = arith.ori %select_n3A_1114, %or3A_1116 : vector<1x128xi32>
    %ge3A_1118 = vector.broadcast %or3A_1117 : vector<1x128xi32> to vector<2048x128xi32>
    %ge3A_1119 = arith.cmpi sge, %bitcast_convert_type3A, %ge3A_1118 : vector<2048x128xi32>
    %jit3A_1120 = arith.constant 1.000000e+00 : f32
    %jit3A_1121 = arith.constant 0.000000e+00 : f32
    %broadcast_in_dim3A_1122 = vector.broadcast %jit3A_1120 : f32 to vector<2048x128xf32>
    %broadcast_in_dim3A_1123 = vector.broadcast %jit3A_1121 : f32 to vector<2048x128xf32>
    %select_n3A_1124 = arith.select %ge3A_1119, %broadcast_in_dim3A_1122, %broadcast_in_dim3A_1123 : vector<2048x128xi1>, vector<2048x128xf32>
    %reduce_sum3A_1125 = arith.constant dense<0.000000e+00> : vector<128xf32>
    %reduce_sum3A_1126 = vector.multi_reduction <add>, %select_n3A_1124, %reduce_sum3A_1125 [0] : vector<2048x128xf32> to vector<128xf32>
    %broadcast_in_dim3A_1127 = vector.shape_cast %reduce_sum3A_1126 : vector<128xf32> to vector<1x128xf32>
    %ge3A_1128 = arith.constant 4.090000e+02 : f32
    %ge3A_1129 = vector.broadcast %ge3A_1128 : f32 to vector<1x128xf32>
    %ge3A_1130 = arith.cmpf oge, %broadcast_in_dim3A_1127, %ge3A_1129 : vector<1x128xf32>
    %select_n3A_1131 = arith.select %ge3A_1130, %or3A_1117, %select_n3A_1114 : vector<1x128xi1>, vector<1x128xi32>
    %or3A_1132 = arith.constant 16777216 : i32
    %or3A_1133 = vector.broadcast %or3A_1132 : i32 to vector<1x128xi32>
    %or3A_1134 = arith.ori %select_n3A_1131, %or3A_1133 : vector<1x128xi32>
    %ge3A_1135 = vector.broadcast %or3A_1134 : vector<1x128xi32> to vector<2048x128xi32>
    %ge3A_1136 = arith.cmpi sge, %bitcast_convert_type3A, %ge3A_1135 : vector<2048x128xi32>
    %jit3A_1137 = arith.constant 1.000000e+00 : f32
    %jit3A_1138 = arith.constant 0.000000e+00 : f32
    %broadcast_in_dim3A_1139 = vector.broadcast %jit3A_1137 : f32 to vector<2048x128xf32>
    %broadcast_in_dim3A_1140 = vector.broadcast %jit3A_1138 : f32 to vector<2048x128xf32>
    %select_n3A_1141 = arith.select %ge3A_1136, %broadcast_in_dim3A_1139, %broadcast_in_dim3A_1140 : vector<2048x128xi1>, vector<2048x128xf32>
    %reduce_sum3A_1142 = arith.constant dense<0.000000e+00> : vector<128xf32>
    %reduce_sum3A_1143 = vector.multi_reduction <add>, %select_n3A_1141, %reduce_sum3A_1142 [0] : vector<2048x128xf32> to vector<128xf32>
    %broadcast_in_dim3A_1144 = vector.shape_cast %reduce_sum3A_1143 : vector<128xf32> to vector<1x128xf32>
    %ge3A_1145 = arith.constant 4.090000e+02 : f32
    %ge3A_1146 = vector.broadcast %ge3A_1145 : f32 to vector<1x128xf32>
    %ge3A_1147 = arith.cmpf oge, %broadcast_in_dim3A_1144, %ge3A_1146 : vector<1x128xf32>
    %select_n3A_1148 = arith.select %ge3A_1147, %or3A_1134, %select_n3A_1131 : vector<1x128xi1>, vector<1x128xi32>
    %or3A_1149 = arith.constant 8388608 : i32
    %or3A_1150 = vector.broadcast %or3A_1149 : i32 to vector<1x128xi32>
    %or3A_1151 = arith.ori %select_n3A_1148, %or3A_1150 : vector<1x128xi32>
    %ge3A_1152 = vector.broadcast %or3A_1151 : vector<1x128xi32> to vector<2048x128xi32>
    %ge3A_1153 = arith.cmpi sge, %bitcast_convert_type3A, %ge3A_1152 : vector<2048x128xi32>
    %jit3A_1154 = arith.constant 1.000000e+00 : f32
    %jit3A_1155 = arith.constant 0.000000e+00 : f32
    %broadcast_in_dim3A_1156 = vector.broadcast %jit3A_1154 : f32 to vector<2048x128xf32>
    %broadcast_in_dim3A_1157 = vector.broadcast %jit3A_1155 : f32 to vector<2048x128xf32>
    %select_n3A_1158 = arith.select %ge3A_1153, %broadcast_in_dim3A_1156, %broadcast_in_dim3A_1157 : vector<2048x128xi1>, vector<2048x128xf32>
    %reduce_sum3A_1159 = arith.constant dense<0.000000e+00> : vector<128xf32>
    %reduce_sum3A_1160 = vector.multi_reduction <add>, %select_n3A_1158, %reduce_sum3A_1159 [0] : vector<2048x128xf32> to vector<128xf32>
    %broadcast_in_dim3A_1161 = vector.shape_cast %reduce_sum3A_1160 : vector<128xf32> to vector<1x128xf32>
    %ge3A_1162 = arith.constant 4.090000e+02 : f32
    %ge3A_1163 = vector.broadcast %ge3A_1162 : f32 to vector<1x128xf32>
    %ge3A_1164 = arith.cmpf oge, %broadcast_in_dim3A_1161, %ge3A_1163 : vector<1x128xf32>
    %select_n3A_1165 = arith.select %ge3A_1164, %or3A_1151, %select_n3A_1148 : vector<1x128xi1>, vector<1x128xi32>
    %or3A_1166 = arith.constant 4194304 : i32
    %or3A_1167 = vector.broadcast %or3A_1166 : i32 to vector<1x128xi32>
    %or3A_1168 = arith.ori %select_n3A_1165, %or3A_1167 : vector<1x128xi32>
    %ge3A_1169 = vector.broadcast %or3A_1168 : vector<1x128xi32> to vector<2048x128xi32>
    %ge3A_1170 = arith.cmpi sge, %bitcast_convert_type3A, %ge3A_1169 : vector<2048x128xi32>
    %jit3A_1171 = arith.constant 1.000000e+00 : f32
    %jit3A_1172 = arith.constant 0.000000e+00 : f32
    %broadcast_in_dim3A_1173 = vector.broadcast %jit3A_1171 : f32 to vector<2048x128xf32>
    %broadcast_in_dim3A_1174 = vector.broadcast %jit3A_1172 : f32 to vector<2048x128xf32>
    %select_n3A_1175 = arith.select %ge3A_1170, %broadcast_in_dim3A_1173, %broadcast_in_dim3A_1174 : vector<2048x128xi1>, vector<2048x128xf32>
    %reduce_sum3A_1176 = arith.constant dense<0.000000e+00> : vector<128xf32>
    %reduce_sum3A_1177 = vector.multi_reduction <add>, %select_n3A_1175, %reduce_sum3A_1176 [0] : vector<2048x128xf32> to vector<128xf32>
    %broadcast_in_dim3A_1178 = vector.shape_cast %reduce_sum3A_1177 : vector<128xf32> to vector<1x128xf32>
    %ge3A_1179 = arith.constant 4.090000e+02 : f32
    %ge3A_1180 = vector.broadcast %ge3A_1179 : f32 to vector<1x128xf32>
    %ge3A_1181 = arith.cmpf oge, %broadcast_in_dim3A_1178, %ge3A_1180 : vector<1x128xf32>
    %select_n3A_1182 = arith.select %ge3A_1181, %or3A_1168, %select_n3A_1165 : vector<1x128xi1>, vector<1x128xi32>
    %or3A_1183 = arith.constant 2097152 : i32
    %or3A_1184 = vector.broadcast %or3A_1183 : i32 to vector<1x128xi32>
    %or3A_1185 = arith.ori %select_n3A_1182, %or3A_1184 : vector<1x128xi32>
    %ge3A_1186 = vector.broadcast %or3A_1185 : vector<1x128xi32> to vector<2048x128xi32>
    %ge3A_1187 = arith.cmpi sge, %bitcast_convert_type3A, %ge3A_1186 : vector<2048x128xi32>
    %jit3A_1188 = arith.constant 1.000000e+00 : f32
    %jit3A_1189 = arith.constant 0.000000e+00 : f32
    %broadcast_in_dim3A_1190 = vector.broadcast %jit3A_1188 : f32 to vector<2048x128xf32>
    %broadcast_in_dim3A_1191 = vector.broadcast %jit3A_1189 : f32 to vector<2048x128xf32>
    %select_n3A_1192 = arith.select %ge3A_1187, %broadcast_in_dim3A_1190, %broadcast_in_dim3A_1191 : vector<2048x128xi1>, vector<2048x128xf32>
    %reduce_sum3A_1193 = arith.constant dense<0.000000e+00> : vector<128xf32>
    %reduce_sum3A_1194 = vector.multi_reduction <add>, %select_n3A_1192, %reduce_sum3A_1193 [0] : vector<2048x128xf32> to vector<128xf32>
    %broadcast_in_dim3A_1195 = vector.shape_cast %reduce_sum3A_1194 : vector<128xf32> to vector<1x128xf32>
    %ge3A_1196 = arith.constant 4.090000e+02 : f32
    %ge3A_1197 = vector.broadcast %ge3A_1196 : f32 to vector<1x128xf32>
    %ge3A_1198 = arith.cmpf oge, %broadcast_in_dim3A_1195, %ge3A_1197 : vector<1x128xf32>
    %select_n3A_1199 = arith.select %ge3A_1198, %or3A_1185, %select_n3A_1182 : vector<1x128xi1>, vector<1x128xi32>
    %or3A_1200 = arith.constant 1048576 : i32
    %or3A_1201 = vector.broadcast %or3A_1200 : i32 to vector<1x128xi32>
    %or3A_1202 = arith.ori %select_n3A_1199, %or3A_1201 : vector<1x128xi32>
    %ge3A_1203 = vector.broadcast %or3A_1202 : vector<1x128xi32> to vector<2048x128xi32>
    %ge3A_1204 = arith.cmpi sge, %bitcast_convert_type3A, %ge3A_1203 : vector<2048x128xi32>
    %jit3A_1205 = arith.constant 1.000000e+00 : f32
    %jit3A_1206 = arith.constant 0.000000e+00 : f32
    %broadcast_in_dim3A_1207 = vector.broadcast %jit3A_1205 : f32 to vector<2048x128xf32>
    %broadcast_in_dim3A_1208 = vector.broadcast %jit3A_1206 : f32 to vector<2048x128xf32>
    %select_n3A_1209 = arith.select %ge3A_1204, %broadcast_in_dim3A_1207, %broadcast_in_dim3A_1208 : vector<2048x128xi1>, vector<2048x128xf32>
    %reduce_sum3A_1210 = arith.constant dense<0.000000e+00> : vector<128xf32>
    %reduce_sum3A_1211 = vector.multi_reduction <add>, %select_n3A_1209, %reduce_sum3A_1210 [0] : vector<2048x128xf32> to vector<128xf32>
    %broadcast_in_dim3A_1212 = vector.shape_cast %reduce_sum3A_1211 : vector<128xf32> to vector<1x128xf32>
    %ge3A_1213 = arith.constant 4.090000e+02 : f32
    %ge3A_1214 = vector.broadcast %ge3A_1213 : f32 to vector<1x128xf32>
    %ge3A_1215 = arith.cmpf oge, %broadcast_in_dim3A_1212, %ge3A_1214 : vector<1x128xf32>
    %select_n3A_1216 = arith.select %ge3A_1215, %or3A_1202, %select_n3A_1199 : vector<1x128xi1>, vector<1x128xi32>
    %or3A_1217 = arith.constant 524288 : i32
    %or3A_1218 = vector.broadcast %or3A_1217 : i32 to vector<1x128xi32>
    %or3A_1219 = arith.ori %select_n3A_1216, %or3A_1218 : vector<1x128xi32>
    %ge3A_1220 = vector.broadcast %or3A_1219 : vector<1x128xi32> to vector<2048x128xi32>
    %ge3A_1221 = arith.cmpi sge, %bitcast_convert_type3A, %ge3A_1220 : vector<2048x128xi32>
    %jit3A_1222 = arith.constant 1.000000e+00 : f32
    %jit3A_1223 = arith.constant 0.000000e+00 : f32
    %broadcast_in_dim3A_1224 = vector.broadcast %jit3A_1222 : f32 to vector<2048x128xf32>
    %broadcast_in_dim3A_1225 = vector.broadcast %jit3A_1223 : f32 to vector<2048x128xf32>
    %select_n3A_1226 = arith.select %ge3A_1221, %broadcast_in_dim3A_1224, %broadcast_in_dim3A_1225 : vector<2048x128xi1>, vector<2048x128xf32>
    %reduce_sum3A_1227 = arith.constant dense<0.000000e+00> : vector<128xf32>
    %reduce_sum3A_1228 = vector.multi_reduction <add>, %select_n3A_1226, %reduce_sum3A_1227 [0] : vector<2048x128xf32> to vector<128xf32>
    %broadcast_in_dim3A_1229 = vector.shape_cast %reduce_sum3A_1228 : vector<128xf32> to vector<1x128xf32>
    %ge3A_1230 = arith.constant 4.090000e+02 : f32
    %ge3A_1231 = vector.broadcast %ge3A_1230 : f32 to vector<1x128xf32>
    %ge3A_1232 = arith.cmpf oge, %broadcast_in_dim3A_1229, %ge3A_1231 : vector<1x128xf32>
    %select_n3A_1233 = arith.select %ge3A_1232, %or3A_1219, %select_n3A_1216 : vector<1x128xi1>, vector<1x128xi32>
    %or3A_1234 = arith.constant 262144 : i32
    %or3A_1235 = vector.broadcast %or3A_1234 : i32 to vector<1x128xi32>
    %or3A_1236 = arith.ori %select_n3A_1233, %or3A_1235 : vector<1x128xi32>
    %ge3A_1237 = vector.broadcast %or3A_1236 : vector<1x128xi32> to vector<2048x128xi32>
    %ge3A_1238 = arith.cmpi sge, %bitcast_convert_type3A, %ge3A_1237 : vector<2048x128xi32>
    %jit3A_1239 = arith.constant 1.000000e+00 : f32
    %jit3A_1240 = arith.constant 0.000000e+00 : f32
    %broadcast_in_dim3A_1241 = vector.broadcast %jit3A_1239 : f32 to vector<2048x128xf32>
    %broadcast_in_dim3A_1242 = vector.broadcast %jit3A_1240 : f32 to vector<2048x128xf32>
    %select_n3A_1243 = arith.select %ge3A_1238, %broadcast_in_dim3A_1241, %broadcast_in_dim3A_1242 : vector<2048x128xi1>, vector<2048x128xf32>
    %reduce_sum3A_1244 = arith.constant dense<0.000000e+00> : vector<128xf32>
    %reduce_sum3A_1245 = vector.multi_reduction <add>, %select_n3A_1243, %reduce_sum3A_1244 [0] : vector<2048x128xf32> to vector<128xf32>
    %broadcast_in_dim3A_1246 = vector.shape_cast %reduce_sum3A_1245 : vector<128xf32> to vector<1x128xf32>
    %ge3A_1247 = arith.constant 4.090000e+02 : f32
    %ge3A_1248 = vector.broadcast %ge3A_1247 : f32 to vector<1x128xf32>
    %ge3A_1249 = arith.cmpf oge, %broadcast_in_dim3A_1246, %ge3A_1248 : vector<1x128xf32>
    %select_n3A_1250 = arith.select %ge3A_1249, %or3A_1236, %select_n3A_1233 : vector<1x128xi1>, vector<1x128xi32>
    %or3A_1251 = arith.constant 131072 : i32
    %or3A_1252 = vector.broadcast %or3A_1251 : i32 to vector<1x128xi32>
    %or3A_1253 = arith.ori %select_n3A_1250, %or3A_1252 : vector<1x128xi32>
    %ge3A_1254 = vector.broadcast %or3A_1253 : vector<1x128xi32> to vector<2048x128xi32>
    %ge3A_1255 = arith.cmpi sge, %bitcast_convert_type3A, %ge3A_1254 : vector<2048x128xi32>
    %jit3A_1256 = arith.constant 1.000000e+00 : f32
    %jit3A_1257 = arith.constant 0.000000e+00 : f32
    %broadcast_in_dim3A_1258 = vector.broadcast %jit3A_1256 : f32 to vector<2048x128xf32>
    %broadcast_in_dim3A_1259 = vector.broadcast %jit3A_1257 : f32 to vector<2048x128xf32>
    %select_n3A_1260 = arith.select %ge3A_1255, %broadcast_in_dim3A_1258, %broadcast_in_dim3A_1259 : vector<2048x128xi1>, vector<2048x128xf32>
    %reduce_sum3A_1261 = arith.constant dense<0.000000e+00> : vector<128xf32>
    %reduce_sum3A_1262 = vector.multi_reduction <add>, %select_n3A_1260, %reduce_sum3A_1261 [0] : vector<2048x128xf32> to vector<128xf32>
    %broadcast_in_dim3A_1263 = vector.shape_cast %reduce_sum3A_1262 : vector<128xf32> to vector<1x128xf32>
    %ge3A_1264 = arith.constant 4.090000e+02 : f32
    %ge3A_1265 = vector.broadcast %ge3A_1264 : f32 to vector<1x128xf32>
    %ge3A_1266 = arith.cmpf oge, %broadcast_in_dim3A_1263, %ge3A_1265 : vector<1x128xf32>
    %select_n3A_1267 = arith.select %ge3A_1266, %or3A_1253, %select_n3A_1250 : vector<1x128xi1>, vector<1x128xi32>
    %or3A_1268 = arith.constant 65536 : i32
    %or3A_1269 = vector.broadcast %or3A_1268 : i32 to vector<1x128xi32>
    %or3A_1270 = arith.ori %select_n3A_1267, %or3A_1269 : vector<1x128xi32>
    %ge3A_1271 = vector.broadcast %or3A_1270 : vector<1x128xi32> to vector<2048x128xi32>
    %ge3A_1272 = arith.cmpi sge, %bitcast_convert_type3A, %ge3A_1271 : vector<2048x128xi32>
    %jit3A_1273 = arith.constant 1.000000e+00 : f32
    %jit3A_1274 = arith.constant 0.000000e+00 : f32
    %broadcast_in_dim3A_1275 = vector.broadcast %jit3A_1273 : f32 to vector<2048x128xf32>
    %broadcast_in_dim3A_1276 = vector.broadcast %jit3A_1274 : f32 to vector<2048x128xf32>
    %select_n3A_1277 = arith.select %ge3A_1272, %broadcast_in_dim3A_1275, %broadcast_in_dim3A_1276 : vector<2048x128xi1>, vector<2048x128xf32>
    %reduce_sum3A_1278 = arith.constant dense<0.000000e+00> : vector<128xf32>
    %reduce_sum3A_1279 = vector.multi_reduction <add>, %select_n3A_1277, %reduce_sum3A_1278 [0] : vector<2048x128xf32> to vector<128xf32>
    %broadcast_in_dim3A_1280 = vector.shape_cast %reduce_sum3A_1279 : vector<128xf32> to vector<1x128xf32>
    %ge3A_1281 = arith.constant 4.090000e+02 : f32
    %ge3A_1282 = vector.broadcast %ge3A_1281 : f32 to vector<1x128xf32>
    %ge3A_1283 = arith.cmpf oge, %broadcast_in_dim3A_1280, %ge3A_1282 : vector<1x128xf32>
    %select_n3A_1284 = arith.select %ge3A_1283, %or3A_1270, %select_n3A_1267 : vector<1x128xi1>, vector<1x128xi32>
    %or3A_1285 = arith.constant 32768 : i32
    %or3A_1286 = vector.broadcast %or3A_1285 : i32 to vector<1x128xi32>
    %or3A_1287 = arith.ori %select_n3A_1284, %or3A_1286 : vector<1x128xi32>
    %ge3A_1288 = vector.broadcast %or3A_1287 : vector<1x128xi32> to vector<2048x128xi32>
    %ge3A_1289 = arith.cmpi sge, %bitcast_convert_type3A, %ge3A_1288 : vector<2048x128xi32>
    %jit3A_1290 = arith.constant 1.000000e+00 : f32
    %jit3A_1291 = arith.constant 0.000000e+00 : f32
    %broadcast_in_dim3A_1292 = vector.broadcast %jit3A_1290 : f32 to vector<2048x128xf32>
    %broadcast_in_dim3A_1293 = vector.broadcast %jit3A_1291 : f32 to vector<2048x128xf32>
    %select_n3A_1294 = arith.select %ge3A_1289, %broadcast_in_dim3A_1292, %broadcast_in_dim3A_1293 : vector<2048x128xi1>, vector<2048x128xf32>
    %reduce_sum3A_1295 = arith.constant dense<0.000000e+00> : vector<128xf32>
    %reduce_sum3A_1296 = vector.multi_reduction <add>, %select_n3A_1294, %reduce_sum3A_1295 [0] : vector<2048x128xf32> to vector<128xf32>
    %broadcast_in_dim3A_1297 = vector.shape_cast %reduce_sum3A_1296 : vector<128xf32> to vector<1x128xf32>
    %ge3A_1298 = arith.constant 4.090000e+02 : f32
    %ge3A_1299 = vector.broadcast %ge3A_1298 : f32 to vector<1x128xf32>
    %ge3A_1300 = arith.cmpf oge, %broadcast_in_dim3A_1297, %ge3A_1299 : vector<1x128xf32>
    %select_n3A_1301 = arith.select %ge3A_1300, %or3A_1287, %select_n3A_1284 : vector<1x128xi1>, vector<1x128xi32>
    %or3A_1302 = arith.constant 16384 : i32
    %or3A_1303 = vector.broadcast %or3A_1302 : i32 to vector<1x128xi32>
    %or3A_1304 = arith.ori %select_n3A_1301, %or3A_1303 : vector<1x128xi32>
    %ge3A_1305 = vector.broadcast %or3A_1304 : vector<1x128xi32> to vector<2048x128xi32>
    %ge3A_1306 = arith.cmpi sge, %bitcast_convert_type3A, %ge3A_1305 : vector<2048x128xi32>
    %jit3A_1307 = arith.constant 1.000000e+00 : f32
    %jit3A_1308 = arith.constant 0.000000e+00 : f32
    %broadcast_in_dim3A_1309 = vector.broadcast %jit3A_1307 : f32 to vector<2048x128xf32>
    %broadcast_in_dim3A_1310 = vector.broadcast %jit3A_1308 : f32 to vector<2048x128xf32>
    %select_n3A_1311 = arith.select %ge3A_1306, %broadcast_in_dim3A_1309, %broadcast_in_dim3A_1310 : vector<2048x128xi1>, vector<2048x128xf32>
    %reduce_sum3A_1312 = arith.constant dense<0.000000e+00> : vector<128xf32>
    %reduce_sum3A_1313 = vector.multi_reduction <add>, %select_n3A_1311, %reduce_sum3A_1312 [0] : vector<2048x128xf32> to vector<128xf32>
    %broadcast_in_dim3A_1314 = vector.shape_cast %reduce_sum3A_1313 : vector<128xf32> to vector<1x128xf32>
    %ge3A_1315 = arith.constant 4.090000e+02 : f32
    %ge3A_1316 = vector.broadcast %ge3A_1315 : f32 to vector<1x128xf32>
    %ge3A_1317 = arith.cmpf oge, %broadcast_in_dim3A_1314, %ge3A_1316 : vector<1x128xf32>
    %select_n3A_1318 = arith.select %ge3A_1317, %or3A_1304, %select_n3A_1301 : vector<1x128xi1>, vector<1x128xi32>
    %or3A_1319 = arith.constant 8192 : i32
    %or3A_1320 = vector.broadcast %or3A_1319 : i32 to vector<1x128xi32>
    %or3A_1321 = arith.ori %select_n3A_1318, %or3A_1320 : vector<1x128xi32>
    %ge3A_1322 = vector.broadcast %or3A_1321 : vector<1x128xi32> to vector<2048x128xi32>
    %ge3A_1323 = arith.cmpi sge, %bitcast_convert_type3A, %ge3A_1322 : vector<2048x128xi32>
    %jit3A_1324 = arith.constant 1.000000e+00 : f32
    %jit3A_1325 = arith.constant 0.000000e+00 : f32
    %broadcast_in_dim3A_1326 = vector.broadcast %jit3A_1324 : f32 to vector<2048x128xf32>
    %broadcast_in_dim3A_1327 = vector.broadcast %jit3A_1325 : f32 to vector<2048x128xf32>
    %select_n3A_1328 = arith.select %ge3A_1323, %broadcast_in_dim3A_1326, %broadcast_in_dim3A_1327 : vector<2048x128xi1>, vector<2048x128xf32>
    %reduce_sum3A_1329 = arith.constant dense<0.000000e+00> : vector<128xf32>
    %reduce_sum3A_1330 = vector.multi_reduction <add>, %select_n3A_1328, %reduce_sum3A_1329 [0] : vector<2048x128xf32> to vector<128xf32>
    %broadcast_in_dim3A_1331 = vector.shape_cast %reduce_sum3A_1330 : vector<128xf32> to vector<1x128xf32>
    %ge3A_1332 = arith.constant 4.090000e+02 : f32
    %ge3A_1333 = vector.broadcast %ge3A_1332 : f32 to vector<1x128xf32>
    %ge3A_1334 = arith.cmpf oge, %broadcast_in_dim3A_1331, %ge3A_1333 : vector<1x128xf32>
    %select_n3A_1335 = arith.select %ge3A_1334, %or3A_1321, %select_n3A_1318 : vector<1x128xi1>, vector<1x128xi32>
    %or3A_1336 = arith.constant 4096 : i32
    %or3A_1337 = vector.broadcast %or3A_1336 : i32 to vector<1x128xi32>
    %or3A_1338 = arith.ori %select_n3A_1335, %or3A_1337 : vector<1x128xi32>
    %ge3A_1339 = vector.broadcast %or3A_1338 : vector<1x128xi32> to vector<2048x128xi32>
    %ge3A_1340 = arith.cmpi sge, %bitcast_convert_type3A, %ge3A_1339 : vector<2048x128xi32>
    %jit3A_1341 = arith.constant 1.000000e+00 : f32
    %jit3A_1342 = arith.constant 0.000000e+00 : f32
    %broadcast_in_dim3A_1343 = vector.broadcast %jit3A_1341 : f32 to vector<2048x128xf32>
    %broadcast_in_dim3A_1344 = vector.broadcast %jit3A_1342 : f32 to vector<2048x128xf32>
    %select_n3A_1345 = arith.select %ge3A_1340, %broadcast_in_dim3A_1343, %broadcast_in_dim3A_1344 : vector<2048x128xi1>, vector<2048x128xf32>
    %reduce_sum3A_1346 = arith.constant dense<0.000000e+00> : vector<128xf32>
    %reduce_sum3A_1347 = vector.multi_reduction <add>, %select_n3A_1345, %reduce_sum3A_1346 [0] : vector<2048x128xf32> to vector<128xf32>
    %broadcast_in_dim3A_1348 = vector.shape_cast %reduce_sum3A_1347 : vector<128xf32> to vector<1x128xf32>
    %ge3A_1349 = arith.constant 4.090000e+02 : f32
    %ge3A_1350 = vector.broadcast %ge3A_1349 : f32 to vector<1x128xf32>
    %ge3A_1351 = arith.cmpf oge, %broadcast_in_dim3A_1348, %ge3A_1350 : vector<1x128xf32>
    %select_n3A_1352 = arith.select %ge3A_1351, %or3A_1338, %select_n3A_1335 : vector<1x128xi1>, vector<1x128xi32>
    %or3A_1353 = arith.constant 2048 : i32
    %or3A_1354 = vector.broadcast %or3A_1353 : i32 to vector<1x128xi32>
    %or3A_1355 = arith.ori %select_n3A_1352, %or3A_1354 : vector<1x128xi32>
    %ge3A_1356 = vector.broadcast %or3A_1355 : vector<1x128xi32> to vector<2048x128xi32>
    %ge3A_1357 = arith.cmpi sge, %bitcast_convert_type3A, %ge3A_1356 : vector<2048x128xi32>
    %jit3A_1358 = arith.constant 1.000000e+00 : f32
    %jit3A_1359 = arith.constant 0.000000e+00 : f32
    %broadcast_in_dim3A_1360 = vector.broadcast %jit3A_1358 : f32 to vector<2048x128xf32>
    %broadcast_in_dim3A_1361 = vector.broadcast %jit3A_1359 : f32 to vector<2048x128xf32>
    %select_n3A_1362 = arith.select %ge3A_1357, %broadcast_in_dim3A_1360, %broadcast_in_dim3A_1361 : vector<2048x128xi1>, vector<2048x128xf32>
    %reduce_sum3A_1363 = arith.constant dense<0.000000e+00> : vector<128xf32>
    %reduce_sum3A_1364 = vector.multi_reduction <add>, %select_n3A_1362, %reduce_sum3A_1363 [0] : vector<2048x128xf32> to vector<128xf32>
    %broadcast_in_dim3A_1365 = vector.shape_cast %reduce_sum3A_1364 : vector<128xf32> to vector<1x128xf32>
    %ge3A_1366 = arith.constant 4.090000e+02 : f32
    %ge3A_1367 = vector.broadcast %ge3A_1366 : f32 to vector<1x128xf32>
    %ge3A_1368 = arith.cmpf oge, %broadcast_in_dim3A_1365, %ge3A_1367 : vector<1x128xf32>
    %select_n3A_1369 = arith.select %ge3A_1368, %or3A_1355, %select_n3A_1352 : vector<1x128xi1>, vector<1x128xi32>
    %or3A_1370 = arith.constant 1024 : i32
    %or3A_1371 = vector.broadcast %or3A_1370 : i32 to vector<1x128xi32>
    %or3A_1372 = arith.ori %select_n3A_1369, %or3A_1371 : vector<1x128xi32>
    %ge3A_1373 = vector.broadcast %or3A_1372 : vector<1x128xi32> to vector<2048x128xi32>
    %ge3A_1374 = arith.cmpi sge, %bitcast_convert_type3A, %ge3A_1373 : vector<2048x128xi32>
    %jit3A_1375 = arith.constant 1.000000e+00 : f32
    %jit3A_1376 = arith.constant 0.000000e+00 : f32
    %broadcast_in_dim3A_1377 = vector.broadcast %jit3A_1375 : f32 to vector<2048x128xf32>
    %broadcast_in_dim3A_1378 = vector.broadcast %jit3A_1376 : f32 to vector<2048x128xf32>
    %select_n3A_1379 = arith.select %ge3A_1374, %broadcast_in_dim3A_1377, %broadcast_in_dim3A_1378 : vector<2048x128xi1>, vector<2048x128xf32>
    %reduce_sum3A_1380 = arith.constant dense<0.000000e+00> : vector<128xf32>
    %reduce_sum3A_1381 = vector.multi_reduction <add>, %select_n3A_1379, %reduce_sum3A_1380 [0] : vector<2048x128xf32> to vector<128xf32>
    %broadcast_in_dim3A_1382 = vector.shape_cast %reduce_sum3A_1381 : vector<128xf32> to vector<1x128xf32>
    %ge3A_1383 = arith.constant 4.090000e+02 : f32
    %ge3A_1384 = vector.broadcast %ge3A_1383 : f32 to vector<1x128xf32>
    %ge3A_1385 = arith.cmpf oge, %broadcast_in_dim3A_1382, %ge3A_1384 : vector<1x128xf32>
    %select_n3A_1386 = arith.select %ge3A_1385, %or3A_1372, %select_n3A_1369 : vector<1x128xi1>, vector<1x128xi32>
    %or3A_1387 = arith.constant 512 : i32
    %or3A_1388 = vector.broadcast %or3A_1387 : i32 to vector<1x128xi32>
    %or3A_1389 = arith.ori %select_n3A_1386, %or3A_1388 : vector<1x128xi32>
    %ge3A_1390 = vector.broadcast %or3A_1389 : vector<1x128xi32> to vector<2048x128xi32>
    %ge3A_1391 = arith.cmpi sge, %bitcast_convert_type3A, %ge3A_1390 : vector<2048x128xi32>
    %jit3A_1392 = arith.constant 1.000000e+00 : f32
    %jit3A_1393 = arith.constant 0.000000e+00 : f32
    %broadcast_in_dim3A_1394 = vector.broadcast %jit3A_1392 : f32 to vector<2048x128xf32>
    %broadcast_in_dim3A_1395 = vector.broadcast %jit3A_1393 : f32 to vector<2048x128xf32>
    %select_n3A_1396 = arith.select %ge3A_1391, %broadcast_in_dim3A_1394, %broadcast_in_dim3A_1395 : vector<2048x128xi1>, vector<2048x128xf32>
    %reduce_sum3A_1397 = arith.constant dense<0.000000e+00> : vector<128xf32>
    %reduce_sum3A_1398 = vector.multi_reduction <add>, %select_n3A_1396, %reduce_sum3A_1397 [0] : vector<2048x128xf32> to vector<128xf32>
    %broadcast_in_dim3A_1399 = vector.shape_cast %reduce_sum3A_1398 : vector<128xf32> to vector<1x128xf32>
    %ge3A_1400 = arith.constant 4.090000e+02 : f32
    %ge3A_1401 = vector.broadcast %ge3A_1400 : f32 to vector<1x128xf32>
    %ge3A_1402 = arith.cmpf oge, %broadcast_in_dim3A_1399, %ge3A_1401 : vector<1x128xf32>
    %select_n3A_1403 = arith.select %ge3A_1402, %or3A_1389, %select_n3A_1386 : vector<1x128xi1>, vector<1x128xi32>
    %or3A_1404 = arith.constant 256 : i32
    %or3A_1405 = vector.broadcast %or3A_1404 : i32 to vector<1x128xi32>
    %or3A_1406 = arith.ori %select_n3A_1403, %or3A_1405 : vector<1x128xi32>
    %ge3A_1407 = vector.broadcast %or3A_1406 : vector<1x128xi32> to vector<2048x128xi32>
    %ge3A_1408 = arith.cmpi sge, %bitcast_convert_type3A, %ge3A_1407 : vector<2048x128xi32>
    %jit3A_1409 = arith.constant 1.000000e+00 : f32
    %jit3A_1410 = arith.constant 0.000000e+00 : f32
    %broadcast_in_dim3A_1411 = vector.broadcast %jit3A_1409 : f32 to vector<2048x128xf32>
    %broadcast_in_dim3A_1412 = vector.broadcast %jit3A_1410 : f32 to vector<2048x128xf32>
    %select_n3A_1413 = arith.select %ge3A_1408, %broadcast_in_dim3A_1411, %broadcast_in_dim3A_1412 : vector<2048x128xi1>, vector<2048x128xf32>
    %reduce_sum3A_1414 = arith.constant dense<0.000000e+00> : vector<128xf32>
    %reduce_sum3A_1415 = vector.multi_reduction <add>, %select_n3A_1413, %reduce_sum3A_1414 [0] : vector<2048x128xf32> to vector<128xf32>
    %broadcast_in_dim3A_1416 = vector.shape_cast %reduce_sum3A_1415 : vector<128xf32> to vector<1x128xf32>
    %ge3A_1417 = arith.constant 4.090000e+02 : f32
    %ge3A_1418 = vector.broadcast %ge3A_1417 : f32 to vector<1x128xf32>
    %ge3A_1419 = arith.cmpf oge, %broadcast_in_dim3A_1416, %ge3A_1418 : vector<1x128xf32>
    %select_n3A_1420 = arith.select %ge3A_1419, %or3A_1406, %select_n3A_1403 : vector<1x128xi1>, vector<1x128xi32>
    %or3A_1421 = arith.constant 128 : i32
    %or3A_1422 = vector.broadcast %or3A_1421 : i32 to vector<1x128xi32>
    %or3A_1423 = arith.ori %select_n3A_1420, %or3A_1422 : vector<1x128xi32>
    %ge3A_1424 = vector.broadcast %or3A_1423 : vector<1x128xi32> to vector<2048x128xi32>
    %ge3A_1425 = arith.cmpi sge, %bitcast_convert_type3A, %ge3A_1424 : vector<2048x128xi32>
    %jit3A_1426 = arith.constant 1.000000e+00 : f32
    %jit3A_1427 = arith.constant 0.000000e+00 : f32
    %broadcast_in_dim3A_1428 = vector.broadcast %jit3A_1426 : f32 to vector<2048x128xf32>
    %broadcast_in_dim3A_1429 = vector.broadcast %jit3A_1427 : f32 to vector<2048x128xf32>
    %select_n3A_1430 = arith.select %ge3A_1425, %broadcast_in_dim3A_1428, %broadcast_in_dim3A_1429 : vector<2048x128xi1>, vector<2048x128xf32>
    %reduce_sum3A_1431 = arith.constant dense<0.000000e+00> : vector<128xf32>
    %reduce_sum3A_1432 = vector.multi_reduction <add>, %select_n3A_1430, %reduce_sum3A_1431 [0] : vector<2048x128xf32> to vector<128xf32>
    %broadcast_in_dim3A_1433 = vector.shape_cast %reduce_sum3A_1432 : vector<128xf32> to vector<1x128xf32>
    %ge3A_1434 = arith.constant 4.090000e+02 : f32
    %ge3A_1435 = vector.broadcast %ge3A_1434 : f32 to vector<1x128xf32>
    %ge3A_1436 = arith.cmpf oge, %broadcast_in_dim3A_1433, %ge3A_1435 : vector<1x128xf32>
    %select_n3A_1437 = arith.select %ge3A_1436, %or3A_1423, %select_n3A_1420 : vector<1x128xi1>, vector<1x128xi32>
    %or3A_1438 = arith.constant 64 : i32
    %or3A_1439 = vector.broadcast %or3A_1438 : i32 to vector<1x128xi32>
    %or3A_1440 = arith.ori %select_n3A_1437, %or3A_1439 : vector<1x128xi32>
    %ge3A_1441 = vector.broadcast %or3A_1440 : vector<1x128xi32> to vector<2048x128xi32>
    %ge3A_1442 = arith.cmpi sge, %bitcast_convert_type3A, %ge3A_1441 : vector<2048x128xi32>
    %jit3A_1443 = arith.constant 1.000000e+00 : f32
    %jit3A_1444 = arith.constant 0.000000e+00 : f32
    %broadcast_in_dim3A_1445 = vector.broadcast %jit3A_1443 : f32 to vector<2048x128xf32>
    %broadcast_in_dim3A_1446 = vector.broadcast %jit3A_1444 : f32 to vector<2048x128xf32>
    %select_n3A_1447 = arith.select %ge3A_1442, %broadcast_in_dim3A_1445, %broadcast_in_dim3A_1446 : vector<2048x128xi1>, vector<2048x128xf32>
    %reduce_sum3A_1448 = arith.constant dense<0.000000e+00> : vector<128xf32>
    %reduce_sum3A_1449 = vector.multi_reduction <add>, %select_n3A_1447, %reduce_sum3A_1448 [0] : vector<2048x128xf32> to vector<128xf32>
    %broadcast_in_dim3A_1450 = vector.shape_cast %reduce_sum3A_1449 : vector<128xf32> to vector<1x128xf32>
    %ge3A_1451 = arith.constant 4.090000e+02 : f32
    %ge3A_1452 = vector.broadcast %ge3A_1451 : f32 to vector<1x128xf32>
    %ge3A_1453 = arith.cmpf oge, %broadcast_in_dim3A_1450, %ge3A_1452 : vector<1x128xf32>
    %select_n3A_1454 = arith.select %ge3A_1453, %or3A_1440, %select_n3A_1437 : vector<1x128xi1>, vector<1x128xi32>
    %or3A_1455 = arith.constant 32 : i32
    %or3A_1456 = vector.broadcast %or3A_1455 : i32 to vector<1x128xi32>
    %or3A_1457 = arith.ori %select_n3A_1454, %or3A_1456 : vector<1x128xi32>
    %ge3A_1458 = vector.broadcast %or3A_1457 : vector<1x128xi32> to vector<2048x128xi32>
    %ge3A_1459 = arith.cmpi sge, %bitcast_convert_type3A, %ge3A_1458 : vector<2048x128xi32>
    %jit3A_1460 = arith.constant 1.000000e+00 : f32
    %jit3A_1461 = arith.constant 0.000000e+00 : f32
    %broadcast_in_dim3A_1462 = vector.broadcast %jit3A_1460 : f32 to vector<2048x128xf32>
    %broadcast_in_dim3A_1463 = vector.broadcast %jit3A_1461 : f32 to vector<2048x128xf32>
    %select_n3A_1464 = arith.select %ge3A_1459, %broadcast_in_dim3A_1462, %broadcast_in_dim3A_1463 : vector<2048x128xi1>, vector<2048x128xf32>
    %reduce_sum3A_1465 = arith.constant dense<0.000000e+00> : vector<128xf32>
    %reduce_sum3A_1466 = vector.multi_reduction <add>, %select_n3A_1464, %reduce_sum3A_1465 [0] : vector<2048x128xf32> to vector<128xf32>
    %broadcast_in_dim3A_1467 = vector.shape_cast %reduce_sum3A_1466 : vector<128xf32> to vector<1x128xf32>
    %ge3A_1468 = arith.constant 4.090000e+02 : f32
    %ge3A_1469 = vector.broadcast %ge3A_1468 : f32 to vector<1x128xf32>
    %ge3A_1470 = arith.cmpf oge, %broadcast_in_dim3A_1467, %ge3A_1469 : vector<1x128xf32>
    %select_n3A_1471 = arith.select %ge3A_1470, %or3A_1457, %select_n3A_1454 : vector<1x128xi1>, vector<1x128xi32>
    %or3A_1472 = arith.constant 16 : i32
    %or3A_1473 = vector.broadcast %or3A_1472 : i32 to vector<1x128xi32>
    %or3A_1474 = arith.ori %select_n3A_1471, %or3A_1473 : vector<1x128xi32>
    %ge3A_1475 = vector.broadcast %or3A_1474 : vector<1x128xi32> to vector<2048x128xi32>
    %ge3A_1476 = arith.cmpi sge, %bitcast_convert_type3A, %ge3A_1475 : vector<2048x128xi32>
    %jit3A_1477 = arith.constant 1.000000e+00 : f32
    %jit3A_1478 = arith.constant 0.000000e+00 : f32
    %broadcast_in_dim3A_1479 = vector.broadcast %jit3A_1477 : f32 to vector<2048x128xf32>
    %broadcast_in_dim3A_1480 = vector.broadcast %jit3A_1478 : f32 to vector<2048x128xf32>
    %select_n3A_1481 = arith.select %ge3A_1476, %broadcast_in_dim3A_1479, %broadcast_in_dim3A_1480 : vector<2048x128xi1>, vector<2048x128xf32>
    %reduce_sum3A_1482 = arith.constant dense<0.000000e+00> : vector<128xf32>
    %reduce_sum3A_1483 = vector.multi_reduction <add>, %select_n3A_1481, %reduce_sum3A_1482 [0] : vector<2048x128xf32> to vector<128xf32>
    %broadcast_in_dim3A_1484 = vector.shape_cast %reduce_sum3A_1483 : vector<128xf32> to vector<1x128xf32>
    %ge3A_1485 = arith.constant 4.090000e+02 : f32
    %ge3A_1486 = vector.broadcast %ge3A_1485 : f32 to vector<1x128xf32>
    %ge3A_1487 = arith.cmpf oge, %broadcast_in_dim3A_1484, %ge3A_1486 : vector<1x128xf32>
    %select_n3A_1488 = arith.select %ge3A_1487, %or3A_1474, %select_n3A_1471 : vector<1x128xi1>, vector<1x128xi32>
    %or3A_1489 = arith.constant 8 : i32
    %or3A_1490 = vector.broadcast %or3A_1489 : i32 to vector<1x128xi32>
    %or3A_1491 = arith.ori %select_n3A_1488, %or3A_1490 : vector<1x128xi32>
    %ge3A_1492 = vector.broadcast %or3A_1491 : vector<1x128xi32> to vector<2048x128xi32>
    %ge3A_1493 = arith.cmpi sge, %bitcast_convert_type3A, %ge3A_1492 : vector<2048x128xi32>
    %jit3A_1494 = arith.constant 1.000000e+00 : f32
    %jit3A_1495 = arith.constant 0.000000e+00 : f32
    %broadcast_in_dim3A_1496 = vector.broadcast %jit3A_1494 : f32 to vector<2048x128xf32>
    %broadcast_in_dim3A_1497 = vector.broadcast %jit3A_1495 : f32 to vector<2048x128xf32>
    %select_n3A_1498 = arith.select %ge3A_1493, %broadcast_in_dim3A_1496, %broadcast_in_dim3A_1497 : vector<2048x128xi1>, vector<2048x128xf32>
    %reduce_sum3A_1499 = arith.constant dense<0.000000e+00> : vector<128xf32>
    %reduce_sum3A_1500 = vector.multi_reduction <add>, %select_n3A_1498, %reduce_sum3A_1499 [0] : vector<2048x128xf32> to vector<128xf32>
    %broadcast_in_dim3A_1501 = vector.shape_cast %reduce_sum3A_1500 : vector<128xf32> to vector<1x128xf32>
    %ge3A_1502 = arith.constant 4.090000e+02 : f32
    %ge3A_1503 = vector.broadcast %ge3A_1502 : f32 to vector<1x128xf32>
    %ge3A_1504 = arith.cmpf oge, %broadcast_in_dim3A_1501, %ge3A_1503 : vector<1x128xf32>
    %select_n3A_1505 = arith.select %ge3A_1504, %or3A_1491, %select_n3A_1488 : vector<1x128xi1>, vector<1x128xi32>
    %or3A_1506 = arith.constant 4 : i32
    %or3A_1507 = vector.broadcast %or3A_1506 : i32 to vector<1x128xi32>
    %or3A_1508 = arith.ori %select_n3A_1505, %or3A_1507 : vector<1x128xi32>
    %ge3A_1509 = vector.broadcast %or3A_1508 : vector<1x128xi32> to vector<2048x128xi32>
    %ge3A_1510 = arith.cmpi sge, %bitcast_convert_type3A, %ge3A_1509 : vector<2048x128xi32>
    %jit3A_1511 = arith.constant 1.000000e+00 : f32
    %jit3A_1512 = arith.constant 0.000000e+00 : f32
    %broadcast_in_dim3A_1513 = vector.broadcast %jit3A_1511 : f32 to vector<2048x128xf32>
    %broadcast_in_dim3A_1514 = vector.broadcast %jit3A_1512 : f32 to vector<2048x128xf32>
    %select_n3A_1515 = arith.select %ge3A_1510, %broadcast_in_dim3A_1513, %broadcast_in_dim3A_1514 : vector<2048x128xi1>, vector<2048x128xf32>
    %reduce_sum3A_1516 = arith.constant dense<0.000000e+00> : vector<128xf32>
    %reduce_sum3A_1517 = vector.multi_reduction <add>, %select_n3A_1515, %reduce_sum3A_1516 [0] : vector<2048x128xf32> to vector<128xf32>
    %broadcast_in_dim3A_1518 = vector.shape_cast %reduce_sum3A_1517 : vector<128xf32> to vector<1x128xf32>
    %ge3A_1519 = arith.constant 4.090000e+02 : f32
    %ge3A_1520 = vector.broadcast %ge3A_1519 : f32 to vector<1x128xf32>
    %ge3A_1521 = arith.cmpf oge, %broadcast_in_dim3A_1518, %ge3A_1520 : vector<1x128xf32>
    %select_n3A_1522 = arith.select %ge3A_1521, %or3A_1508, %select_n3A_1505 : vector<1x128xi1>, vector<1x128xi32>
    %or3A_1523 = arith.constant 2 : i32
    %or3A_1524 = vector.broadcast %or3A_1523 : i32 to vector<1x128xi32>
    %or3A_1525 = arith.ori %select_n3A_1522, %or3A_1524 : vector<1x128xi32>
    %ge3A_1526 = vector.broadcast %or3A_1525 : vector<1x128xi32> to vector<2048x128xi32>
    %ge3A_1527 = arith.cmpi sge, %bitcast_convert_type3A, %ge3A_1526 : vector<2048x128xi32>
    %jit3A_1528 = arith.constant 1.000000e+00 : f32
    %jit3A_1529 = arith.constant 0.000000e+00 : f32
    %broadcast_in_dim3A_1530 = vector.broadcast %jit3A_1528 : f32 to vector<2048x128xf32>
    %broadcast_in_dim3A_1531 = vector.broadcast %jit3A_1529 : f32 to vector<2048x128xf32>
    %select_n3A_1532 = arith.select %ge3A_1527, %broadcast_in_dim3A_1530, %broadcast_in_dim3A_1531 : vector<2048x128xi1>, vector<2048x128xf32>
    %reduce_sum3A_1533 = arith.constant dense<0.000000e+00> : vector<128xf32>
    %reduce_sum3A_1534 = vector.multi_reduction <add>, %select_n3A_1532, %reduce_sum3A_1533 [0] : vector<2048x128xf32> to vector<128xf32>
    %broadcast_in_dim3A_1535 = vector.shape_cast %reduce_sum3A_1534 : vector<128xf32> to vector<1x128xf32>
    %ge3A_1536 = arith.constant 4.090000e+02 : f32
    %ge3A_1537 = vector.broadcast %ge3A_1536 : f32 to vector<1x128xf32>
    %ge3A_1538 = arith.cmpf oge, %broadcast_in_dim3A_1535, %ge3A_1537 : vector<1x128xf32>
    %select_n3A_1539 = arith.select %ge3A_1538, %or3A_1525, %select_n3A_1522 : vector<1x128xi1>, vector<1x128xi32>
    %or3A_1540 = arith.constant 1 : i32
    %or3A_1541 = vector.broadcast %or3A_1540 : i32 to vector<1x128xi32>
    %or3A_1542 = arith.ori %select_n3A_1539, %or3A_1541 : vector<1x128xi32>
    %ge3A_1543 = vector.broadcast %or3A_1542 : vector<1x128xi32> to vector<2048x128xi32>
    %ge3A_1544 = arith.cmpi sge, %bitcast_convert_type3A, %ge3A_1543 : vector<2048x128xi32>
    %jit3A_1545 = arith.constant 1.000000e+00 : f32
    %jit3A_1546 = arith.constant 0.000000e+00 : f32
    %broadcast_in_dim3A_1547 = vector.broadcast %jit3A_1545 : f32 to vector<2048x128xf32>
    %broadcast_in_dim3A_1548 = vector.broadcast %jit3A_1546 : f32 to vector<2048x128xf32>
    %select_n3A_1549 = arith.select %ge3A_1544, %broadcast_in_dim3A_1547, %broadcast_in_dim3A_1548 : vector<2048x128xi1>, vector<2048x128xf32>
    %reduce_sum3A_1550 = arith.constant dense<0.000000e+00> : vector<128xf32>
    %reduce_sum3A_1551 = vector.multi_reduction <add>, %select_n3A_1549, %reduce_sum3A_1550 [0] : vector<2048x128xf32> to vector<128xf32>
    %broadcast_in_dim3A_1552 = vector.shape_cast %reduce_sum3A_1551 : vector<128xf32> to vector<1x128xf32>
    %ge3A_1553 = arith.constant 4.090000e+02 : f32
    %ge3A_1554 = vector.broadcast %ge3A_1553 : f32 to vector<1x128xf32>
    %ge3A_1555 = arith.cmpf oge, %broadcast_in_dim3A_1552, %ge3A_1554 : vector<1x128xf32>
    %select_n3A_1556 = arith.select %ge3A_1555, %or3A_1542, %select_n3A_1539 : vector<1x128xi1>, vector<1x128xi32>
    %bitcast_convert_type3A_1557 = tpu.bitcast %select_n3A_1556 : vector<1x128xi32> -> vector<1x128xf32>
    %gt3A_1558 = vector.broadcast %select_n3A_1556 : vector<1x128xi32> to vector<2048x128xi32>
    %gt3A_1559 = arith.cmpi sgt, %bitcast_convert_type3A, %gt3A_1558 : vector<2048x128xi32>
    %jit3A_1560 = arith.constant 0.000000e+00 : f32
    %broadcast_in_dim3A_1561 = vector.broadcast %jit3A_1560 : f32 to vector<2048x128xf32>
    %select_n3A_1562 = arith.select %gt3A_1559, %reshape3A, %broadcast_in_dim3A_1561 : vector<2048x128xi1>, vector<2048x128xf32>
    %reduce_sum3A_1563 = arith.constant dense<0.000000e+00> : vector<128xf32>
    %reduce_sum3A_1564 = vector.multi_reduction <add>, %select_n3A_1562, %reduce_sum3A_1563 [0] : vector<2048x128xf32> to vector<128xf32>
    %broadcast_in_dim3A_1565 = vector.shape_cast %reduce_sum3A_1564 : vector<128xf32> to vector<1x128xf32>
    %jit3A_1566 = arith.constant 1.000000e+00 : f32
    %jit3A_1567 = arith.constant 0.000000e+00 : f32
    %broadcast_in_dim3A_1568 = vector.broadcast %jit3A_1566 : f32 to vector<2048x128xf32>
    %broadcast_in_dim3A_1569 = vector.broadcast %jit3A_1567 : f32 to vector<2048x128xf32>
    %select_n3A_1570 = arith.select %gt3A_1559, %broadcast_in_dim3A_1568, %broadcast_in_dim3A_1569 : vector<2048x128xi1>, vector<2048x128xf32>
    %reduce_sum3A_1571 = arith.constant dense<0.000000e+00> : vector<128xf32>
    %reduce_sum3A_1572 = vector.multi_reduction <add>, %select_n3A_1570, %reduce_sum3A_1571 [0] : vector<2048x128xf32> to vector<128xf32>
    %broadcast_in_dim3A_1573 = vector.shape_cast %reduce_sum3A_1572 : vector<128xf32> to vector<1x128xf32>
    %sub3A_1574 = arith.constant 4.090000e+02 : f32
    %sub3A_1575 = vector.broadcast %sub3A_1574 : f32 to vector<1x128xf32>
    %sub3A_1576 = arith.subf %sub3A_1575, %broadcast_in_dim3A_1573 : vector<1x128xf32>
    %mul3A_1577 = arith.mulf %sub3A_1576, %bitcast_convert_type3A_1557 : vector<1x128xf32>
    %add3A_1578 = arith.addf %broadcast_in_dim3A_1565, %mul3A_1577 : vector<1x128xf32>
    %div3A = arith.constant 4.090000e+02 : f32
    %div3A_1579 = vector.broadcast %div3A : f32 to vector<1x128xf32>
    %div3A_1580 = arith.divf %add3A_1578, %div3A_1579 : vector<1x128xf32>
    %iota3A_1581 = tpu.iota {dimensions = array<i32: 1>} : vector<1x128xi32>
    %lt3A_1582 = arith.constant 20 : i32
    %lt3A_1583 = vector.broadcast %lt3A_1582 : i32 to vector<1x128xi32>
    %lt3A_1584 = arith.cmpi slt, %iota3A_1581, %lt3A_1583 : vector<1x128xi32>
    %neg3A = arith.constant 0.000000e+00 : f32
    %neg3A_1585 = arith.constant 3.400000e+38 : f32
    %neg3A_1586 = arith.subf %neg3A, %neg3A_1585 : f32
    %broadcast_in_dim3A_1587 = vector.broadcast %neg3A_1586 : f32 to vector<1x128xf32>
    %select_n3A_1588 = arith.select %lt3A_1584, %div3A_1580, %broadcast_in_dim3A_1587 : vector<1x128xi1>, vector<1x128xf32>
    %reduce_max3A_1589 = vector.shape_cast %select_n3A_1588 : vector<1x128xf32> to vector<1x1x128xf32>
    %reduce_max3A_1590 = arith.constant dense<0xFF800000> : vector<1xf32>
    %reduce_max3A_1591 = vector.multi_reduction <maximumf>, %reduce_max3A_1589, %reduce_max3A_1590 [1, 2] : vector<1x1x128xf32> to vector<1xf32>
    %reduce_max3A_1592 = vector.shape_cast %reduce_max3A_1591 : vector<1xf32> to vector<1x1x1xf32>
    %reduce_max3A_1593 = vector.extract %reduce_max3A_1592[0, 0, 0] : f32 from vector<1x1x1xf32>
    %sub3A_1594 = vector.broadcast %reduce_max3A_1593 : f32 to vector<1x128xf32>
    %sub3A_1595 = arith.subf %div3A_1580, %sub3A_1594 : vector<1x128xf32>
    %exp3A = math.exp %sub3A_1595 : vector<1x128xf32>
    %jit3A_1596 = arith.constant 0.000000e+00 : f32
    %broadcast_in_dim3A_1597 = vector.broadcast %jit3A_1596 : f32 to vector<1x128xf32>
    %select_n3A_1598 = arith.select %lt3A_1584, %exp3A, %broadcast_in_dim3A_1597 : vector<1x128xi1>, vector<1x128xf32>
    %reduce_sum3A_1599 = vector.shape_cast %select_n3A_1598 : vector<1x128xf32> to vector<1x1x128xf32>
    %reduce_sum3A_1600 = arith.constant dense<0.000000e+00> : vector<1xf32>
    %reduce_sum3A_1601 = vector.multi_reduction <add>, %reduce_sum3A_1599, %reduce_sum3A_1600 [1, 2] : vector<1x1x128xf32> to vector<1xf32>
    %reduce_sum3A_1602 = vector.shape_cast %reduce_sum3A_1601 : vector<1xf32> to vector<1x1x1xf32>
    %reduce_sum3A_1603 = vector.extract %reduce_sum3A_1602[0, 0, 0] : f32 from vector<1x1x1xf32>
    %div3A_1604 = vector.broadcast %reduce_sum3A_1603 : f32 to vector<1x128xf32>
    %div3A_1605 = arith.divf %select_n3A_1598, %div3A_1604 : vector<1x128xf32>
    %reshape3A_1606 = vector.shape_cast %div3A_1605 : vector<1x128xf32> to vector<1x1x128xf32>
    %swap3A_1607 = arith.constant 0 : index
    %swap3A_1608 = arith.constant 0 : index
    %swap3A_1609 = arith.constant 0 : index
    %swap3A_1610 = vector.load %arg3[%swap3A_1607, %swap3A_1608, %swap3A_1609] : memref<1x1x128xf32, #tpu.memory_space<vmem>>, vector<1x1x128xf32>
    tpu.vector_store %arg3[%swap3A_1607, %swap3A_1608, %swap3A_1609], %reshape3A_1606 {strides = array<i32>} : memref<1x1x128xf32, #tpu.memory_space<vmem>>, vector<1x1x128xf32>,
    return
  }
  func.func @transform_0(%arg0: i32) -> (i32, i32, i32) {
    %c0_i32 = arith.constant 0 : i32
    %c0_i32_0 = arith.constant 0 : i32
    %c0_i32_1 = arith.constant 0 : i32
    return %arg0, %c0_i32, %c0_i32_0 : i32, i32, i32
  }
  func.func @transform_1(%arg0: i32) -> (i32, i32, i32) {
    %c0_i32 = arith.constant 0 : i32
    %c0_i32_0 = arith.constant 0 : i32
    %c0_i32_1 = arith.constant 0 : i32
    return %arg0, %c0_i32, %c0_i32_0 : i32, i32, i32
  }
  func.func @transform_2(%arg0: i32) -> (i32, i32, i32) {
    %c0_i32 = arith.constant 0 : i32
    %c0_i32_0 = arith.constant 0 : i32
    %c0_i32_1 = arith.constant 0 : i32
    return %arg0, %c0_i32, %c0_i32_0 : i32, i32, i32
  }
  func.func @transform_3(%arg0: i32) -> (i32, i32, i32) {
    %c0_i32 = arith.constant 0 : i32
    %c0_i32_0 = arith.constant 0 : i32
    %c0_i32_1 = arith.constant 0 : i32
    return %arg0, %c0_i32, %c0_i32_0 : i32, i32, i32
  }
}

</mosaic_0001>

<sc_bundles>
// kernel: kernel.5.cloned.1.call-start
scs
__scs_entry_jumppad:
0x0: {  	(pc) =	sbr.rel $0x88, $3  }
0x1: {  	(tag) =	ssettag $0x0;
	lr =	simm.s32 $0x1  }
0x2: {  	[smem:$0x3F9D] =	sst lr;
	_ =	strace $0xD0000000  }
0x3: {  	_ = 	snop  }
0x4: {  	_ = 	snop  }
0x5: {  	_ = 	snop  }
0x6: {  	_ = 	snop  }
0x7: {  	_ = 	snop  }
__scs_overlays_trampoline_lowered:
0x8: {  	[smem:$0x3FAC] =	sst s0  }
0x9: {  	[smem:$0x3FAD] =	sst s1  }
0xa: {  	[smem:$0x3FAE] =	sst s2  }
0xb: {  	[smem:$0x3FAF] =	sst s3  }
0xc: {  	[smem:$0x3FB0] =	sst s4  }
0xd: {  	[smem:$0x3FB1] =	sst s5  }
0xe: {  	[smem:$0x3FB2] =	sst s6  }
0xf: {  	[smem:$0x3FB3] =	sst s7  }
0x10: {  	[smem:$0x3FB4] =	sst s8  }
0x11: {  	[smem:$0x3FB5] =	sst s9;
	s0 =	simm.s32 @!p0 $0x0  }
0x12: {  	s1 =	sld [smem:$0x3F9B];
	s0 =	simm.s32 @p0 $0x1  }
0x13: {  	[smem:$0x3FB6] =	sst s0;
	s0 =	simm.s32 @!p1 $0x0  }
0x14: {  	s2 =	sld [smem:$0x3F9A];
	s0 =	simm.s32 @p1 $0x1  }
0x15: {  	[smem:$0x3FB7] =	sst s0;
	s0 =	simm.s32 @!p2 $0x0  }
0x16: {  	s3 =	sld [smem:$0x3FDB];
	s0 =	simm.s32 @p2 $0x1  }
0x17: {  	s4 =	simm.s32 $0x1BF5;
	[smem:$0x3FB9] =	sst s0  }
0x18: {  	s0 =	sld [smem:$0x3F9C];
	_ =	swait.ge [sflag:s4], $0x0  }
0x19: {  	s7 =	sld [smem:$0x3F9D]  }
0x1a: {  	s8 =	sadd.s32 $0xFFFFE003, lr  }
0x1b: {  	s9 =	sadd.s32 $0xFFFFFEF7, lr;
	s5 =	simm.s32 $0xFFFFFFFF;
	p2 =	slt.u32 s8, $0xFFFFF086  }
0x1c: {  	p1 =	slt.u32 s9, $0xF7A;
	s5 =	simm.s32 @!p2 $0x0  }
0x1d: {  	s5 =	simm.s32 @p1 $0x1;
	p0 =	seq.s32 s7, s2  }
0x1e: {  	s7 =	smul.u32 @!p0 $0xF7A, s2;
	p2 =	seq.s32 @!p0 s5, $0x0  }
0x1f: {  	s9 =	smul.u32 $0xF7A, s1;
	s8 =	simm.s32 @!p0 $0x1BF5;
	p2 =	por !p2, p0  }
0x20: {  	[sflag:s8] =	ssyncset.s32 @!p0 $0xFFFFF086;
	s6 =	sadd.s32 @!p0 s3, s7;
	s7 =	simm.s32 @!p0 $0x108  }
0x21: {  	s3 =	sadd.s32 s3, s9;
	s6 =	sadd.s32 @!p0 $0x88, s6;
	s7 =	simm.s32 @p2 $0x1082  }
0x22: {  	[simem:s7], [sflag:s8] =	dma.local @!p0 [hbm:s6], $0xF7A  }
0x23: {  	s9 =	sor.u32 $0xD0000000, s2;
	s6 =	simm.s32 $0x108;
	_ =	swait.ge @!p0 [sflag:s8], $0x0  }
0x24: {  	s3 =	sadd.s32 $0x88, s3;
	s6 =	simm.s32 @!p1 $0x1082;
	[sflag:s4] =	ssyncset.s32 $0xFFFFF086  }
0x25: {  	[simem:s6], [sflag:s4] =	dma.local [hbm:s3], $0xF7A  }
0x26: {  	[smem:$0x3F9D] =	sst s1;
	(tag) =	ssettag s2;
	_ =	strace s9  }
0x27: {  	s1 =	sld [smem:$0x3FAD]  }
0x28: {  	s2 =	sld [smem:$0x3FAE]  }
0x29: {  	s4 =	sld [smem:$0x3FB0]  }
0x2a: {  	p0 =	seq.s32 s5, $0x0;
	s5 =	sld [smem:$0x3FB1]  }
0x2b: {  	s6 =	sld [smem:$0x3FB2]  }
0x2c: {  	s7 =	sld [smem:$0x3FB3]  }
0x2d: {  	s3 =	simm.s32 $0x108;
	s8 =	sld [smem:$0x3FB4]  }
0x2e: {  	s3 =	simm.s32 @!p0 $0x1082;
	s9 =	sld [smem:$0x3FB5]  }
0x2f: {  	lr =	sadd.s32 s0, s3;
	s0 =	sld [smem:$0x3FAC]  }
0x30: {  	s3 =	sld [smem:$0x3FAF]  }
0x31: {  	[smem:$0x3FB8] =	sst s10  }
0x32: {  	s10 =	sld [smem:$0x3FB6];
	_ =	sdelay $0x3  }
0x33: {  	p0 =	seq.s32 s10, $0x1;
	s10 =	sld [smem:$0x3FB8];
	_ =	sdelay $0x3  }
0x34: {  	[smem:$0x3FB8] =	sst s10  }
0x35: {  	s10 =	sld [smem:$0x3FB7];
	_ =	sdelay $0x3  }
0x36: {  	p1 =	seq.s32 s10, $0x1;
	s10 =	sld [smem:$0x3FB8];
	_ =	sdelay $0x3  }
0x37: {  	[smem:$0x3FB8] =	sst s10  }
0x38: {  	s10 =	sld [smem:$0x3FB9]  }
0x39: {  	_ = 	snop;
	(pc) =	sbr.ind lr, $3  }
0x3a: {  	_ = 	snop  }
0x3b: {  	_ = 	snop  }
0x3c: {  	p2 =	seq.s32 s10, $0x1;
	s10 =	sld [smem:$0x3FB8]  }
0x3d: {  	_ =	shalt  }
0x3e: {  	_ =	shalt  }
0x3f: {  	_ =	shalt  }
0x40: {  	_ =	shalt  }
0x41: {  	_ =	shalt  }
0x42: {  	_ =	shalt  }
0x43: {  	_ =	shalt  }
0x44: {  	_ =	shalt  }
0x45: {  	_ =	shalt  }
0x46: {  	_ =	shalt  }
0x47: {  	_ =	shalt  }
0x48: {  	_ =	shalt  }
0x49: {  	_ =	shalt  }
0x4a: {  	_ =	shalt  }
0x4b: {  	_ =	shalt  }
0x4c: {  	_ =	shalt  }
0x4d: {  	_ =	shalt  }
0x4e: {  	_ =	shalt  }
0x4f: {  	_ =	shalt  }
0x50: {  	_ =	shalt  }
0x51: {  	_ =	shalt  }
0x52: {  	_ =	shalt  }
0x53: {  	_ =	shalt  }
0x54: {  	_ =	shalt  }
0x55: {  	_ =	shalt  }
0x56: {  	_ =	shalt  }
0x57: {  	_ =	shalt  }
0x58: {  	_ =	shalt  }
0x59: {  	_ =	shalt  }
0x5a: {  	_ =	shalt  }
0x5b: {  	_ =	shalt  }
0x5c: {  	_ =	shalt  }
0x5d: {  	_ =	shalt  }
0x5e: {  	_ =	shalt  }
0x5f: {  	_ =	shalt  }
0x60: {  	_ =	shalt  }
0x61: {  	_ =	shalt  }
0x62: {  	_ =	shalt  }
0x63: {  	_ =	shalt  }
0x64: {  	_ =	shalt  }
0x65: {  	_ =	shalt  }
0x66: {  	_ =	shalt  }
0x67: {  	_ =	shalt  }
0x68: {  	_ =	shalt  }
0x69: {  	_ =	shalt  }
0x6a: {  	_ =	shalt  }
0x6b: {  	_ =	shalt  }
0x6c: {  	_ =	shalt  }
0x6d: {  	_ =	shalt  }
0x6e: {  	_ =	shalt  }
0x6f: {  	_ =	shalt  }
0x70: {  	_ =	shalt  }
0x71: {  	_ =	shalt  }
0x72: {  	_ =	shalt  }
0x73: {  	_ =	shalt  }
0x74: {  	_ =	shalt  }
0x75: {  	_ =	shalt  }
0x76: {  	_ =	shalt  }
0x77: {  	_ =	shalt  }
0x78: {  	_ =	shalt  }
0x79: {  	_ =	shalt  }
0x7a: {  	_ =	shalt  }
0x7b: {  	_ =	shalt  }
0x7c: {  	_ =	shalt  }
0x7d: {  	_ =	shalt  }
0x7e: {  	_ =	shalt  }
0x7f: {  	_ =	shalt  }
0x80: {  	_ =	shalt  }
0x81: {  	_ =	shalt  }
0x82: {  	_ =	shalt  }
0x83: {  	_ =	shalt  }
0x84: {  	_ =	shalt  }
0x85: {  	_ =	shalt  }
0x86: {  	_ =	shalt  }
0x87: {  	_ =	shalt  }
.Lfunc_end0:
.L_simem_size_0:
called_computation_lowered:
.L_overlay_start_0:
0x88: {  	s2 =	sld [smem:$0x3FD9]  }
0x89: {  	s3 =	sld [smem:$0x3FFE];
	_ =	sdelay $0x1  }
0x8a: {  	s1 =	srdreg.scid  }
0x8b: {  	s0 =	sand.u32 $0x1, s1  }
0x8c: {  	s14 =	sshll.u32 s0, $0xA;
	s2 =	sadd.s32 s3, s2  }
0x8d: {  	s2 =	sadd.s32 s2, s14  }
0x8e: {  	[smem:$0x3FC4] =	sst s2  }
0x8f: {  	_ = 	snop  }
0x90: {  	s2 =	sld [smem:$0x3FD0];
	_ =	sdelay $0x2  }
0x91: {  	s15 =	simm.s32 $0xA;
	s4 =	simm.s32 $0x10  }
0x92: {  	[smem:s4], [sflag:s15] =	dma.local [hbm:s2], $0x1  }
0x93: {  	_ =	swait.eq [sflag:s15], $0x1  }
0x94: {  	[sflag:s15] =	ssyncset.done $0x0  }
0x95: {  	[sflag:s15] =	ssyncadd.s32 $0xFFFFFFFF  }
0x96: {  	s16 =	sld [smem:$0x14];
	(tm) =	ssettm $0x1  }
0x97: {  	s17 =	sld [smem:$0x3FFB];
	_ =	sdelay $0x3  }
0x98: {  	_ =	strace s17  }
0x99: {  	s3 =	sld [smem:$0x3FFC];
	_ =	sdelay $0x3  }
0x9a: {  	_ =	strace s3  }
0x9b: {  	s3 =	sld [smem:$0x3FFD];
	_ =	sdelay $0x3  }
0x9c: {  	_ =	strace s3  }
0x9d: {  	_ =	strace $0x8FFFFFFF  }
0x9e: {  	s18 =	sld [smem:$0x3FDB];
	_ =	sdelay $0x1  }
0x9f: {  	s19 =	simm.s32 $_scs_section_size  }
0xa0: {  	s5 =	simm.s32 $_size__tile_overlayer_lowered;
	s6 =	simm.s32 $_tile_overlayer_lowered  }
0xa1: {  	s22 =	simm.s32 $0x1BFF;
	s21 =	sshll.u32 s6, $0x1;
	s3 =	sadd.s32 s19, s18  }
0xa2: {  	s7 =	simm.s32 $0x0;
	s20 =	sshll.u32 s5, $0x1;
	s5 =	sadd.s32 s21, s3  }
0xa3: {  	[timem:s7], [sflag:s22] =	dma.local [hbm:s5], s20  }
0xa4: {  	_ =	swait.ge [sflag:s22], s20  }
0xa5: {  	s4 =	ssub.s32 $0x0, s20;
	[sflag:s22] =	ssyncset.done $0x0  }
0xa6: {  	[sflag:s22] =	ssyncadd.s32 s4;
	_ =	sdelay $0x1  }
0xa7: {  	s23 =	simm.s32 $0x1B8B  }
0xa8: {  	_ =	swait.ge [sflag:s23], $0x1  }
0xa9: {  	[sflag:s23] =	ssyncset.done $0x0  }
0xaa: {  	s25 =	simm.s32 $0x1B8E;
	s24 =	sld [smem:$0x3FFE];
	[sflag:s23] =	ssyncadd.s32 $0xFFFFFFFF  }
0xab: {  	s26 =	simm.s32 $execute0_lowered;
	[smem:$0x3FD2] =	sst s25  }
0xac: {  	s5 =	sshll.u32 s26, $0x1;
	_ =	strace $0x80000046;
	[dreg:$0x1] =	wrdreg $0xFFFFFFFF  }
0xad: {  	s28 =	simm.s32 $_size_execute0_lowered;
	s3 =	sadd.s32 s3, s5;
	[dreg:$0x0] =	wrdreg $0x0  }
0xae: {  	s5 =	sshll.u32 s28, $0x1;
	[dreg:$0x2] =	wrdreg s3  }
0xaf: {  	[dreg:$0x3] =	wrdreg s5  }
0xb0: {  	[dreg:$0x4] =	wrdreg $0xC0  }
0xb1: {  	_ =	task [dreg:s7], $0x5FFFF  }
0xb2: {  	[dreg:$0x1] =	wrdreg $0xFFFFFFFF  }
0xb3: {  	[dreg:$0x0] =	wrdreg $0x60  }
0xb4: {  	[dreg:$0x2] =	wrdreg s24  }
0xb5: {  	[dreg:$0x3] =	wrdreg s16  }
0xb6: {  	[dreg:$0x4] =	wrdreg $0x9  }
0xb7: {  	_ =	task.clear_ibuf [dreg:s7], $0x5FFFF;
	_ =	strace $0x90000046  }
0xb8: {  	s29 =	simm.s32 $0x9;
	_ =	strace $0x80000048  }
0xb9: {  	_ =	swait.ge [sflag:s29], $0x1  }
0xba: {  	[sflag:s29] =	ssyncadd.s32 $0xFFFFFFFF  }
0xbb: {  	_ =	strace $0x90000048  }
0xbc: {  	_ =	sfence  }
0xbd: {  	s30 =	sld [smem:$0x0];
	_ =	sdelay $0x2  }
0xbe: {  	s31 =	sshll.u32 s1, $0xD;
	s1 =	sshrl.u32 s1, $0x2  }
0xbf: {  	s3 =	sand.u32 $0x4000, s31;
	s1 =	sadd.s32 s1, s30  }
0xc0: {  	s0 =	sor.u32 s3, s0;
	s1 =	sshll.u32 s1, $0x11  }
0xc1: {  	s0 =	sor.u32 s1, s0  }
0xc2: {  	s0 =	sadd.s32 $0x8F2B, s0  }
0xc3: {  	[sflag:s0] =	ssyncadd.remote.s32 $0x1  }
0xc4: {  	_ =	sfence.sel $0xFFFF  }
0xc5: {  	[dreg:$0x0] =	wrdreg $0xFFFFFFFF;
	(pc) =	sbr.abs _section_cstart, $3  }
0xc6: {  	[dreg:$0x1] =	wrdreg $0xFFFFFFFF  }
0xc7: {  	_ =	task.clear_ibuf [dreg:s7], $0x2FFFF;
	_ =	strace $0x9FFFFFFF  }
0xc8: {  	(tm) =	ssettm $0x7FFFFFFF  }
0xc9: {  	_ =	shalt  }
tec
execute0_lowered:
.L_overlay_start_1:
0x0: {  	(tag) =	ssettag $0x1  }
0x1: {  	s1 =	srdreg.scid  }
0x2: {  	s0 =	stileid.u32;
	s11 =	rddreg [dreg:$0x0]  }
0x3: {  	s4 =	rddreg [dreg:$0x1];
	s14 =	simm.s32 $0x2;
	s15 =	simm.s32 $0x100  }
0x4: {  	s16 =	simm.s32 $0x900;
	s17 =	simm.s32 $0x1100;
	s18 =	simm.s32 $0x1900  }
0x5: {  	s19 =	simm.s32 $0x2100;
	s20 =	simm.s32 $0x2900;
	s28 =	simm.s32 $0x6100  }
0x6: {  	s29 =	simm.s32 $0x6900;
	s1 =	sand.u32 $0x1, s1;
	s2 =	sshll.u32 s0, $0x1  }
0x7: {  	s30 =	simm.s32 $0x7100;
	s31 =	simm.s32 $0x7900;
	s3 =	sor.u32 s1, s2  }
0x8: {  	s9 =	sadd.s32 $0x200E00, s11;
	s2 =	simm.s32 $0x0;
	s5 =	smul.u32 $0x14, s3  }
0x9: {  	s1 =	ssub.s32 $0x2, s1;
	[smem:$0x7FF] =	sst s2;
	s6 =	smul.u32 $0xA000, s3  }
0xa: {  	s7 =	sshrl.u32 s1, $0x1;
	s8 =	smul.u32 $0x50000, s3;
	s3 =	sadd.s32 $0xE00, s11  }
0xb: {  	_ =	strace $0x80000047;
	s1 =	ssub.s32 s1, s7;
	s7 =	sadd.s32 $0x1100, s11  }
0xc: {  	s5 =	sadd.s32 s4, s5;
	s4 =	sadd.s32 s9, s6;
	s21 =	sshrl.u32 s8, $0x3  }
0xd: {  	[dreg:$0x3] =	wrdreg s5;
	s22 =	sadd.s32 $0x1000, s4;
	s12 =	sadd.s32 s9, s21  }
0xe: {  	s6 =	sadd.s32 $0x1000, s11;
	[dreg:$0x4] =	wrdreg s22;
	s23 =	sadd.s32 $0x2000, s12  }
0xf: {  	s8 =	sadd.s32 $0x1200, s11;
	s24 =	sadd.s32 $0x3000, s12;
	[dreg:$0x5] =	wrdreg s23  }
0x10: {  	s5 =	sadd.s32 $0xF00, s11;
	s9 =	sadd.s32 $0x4000, s12;
	[dreg:$0x6] =	wrdreg s24  }
0x11: {  	s21 =	simm.s32 $0x3100;
	s10 =	sadd.s32 $0x5000, s12;
	[dreg:$0x7] =	wrdreg s9  }
0x12: {  	s13 =	sadd.s32 $0x6000, s12;
	s25 =	sadd.s32 $0x7000, s12;
	[dreg:$0x8] =	wrdreg s10  }
0x13: {  	s26 =	sadd.s32 $0x8000, s12;
	s12 =	sadd.s32 $0x9000, s12;
	[dreg:$0x9] =	wrdreg s13  }
0x14: {  	s22 =	simm.s32 $0x3900;
	s9 =	sadd.s32 $0x1300, s11;
	[dreg:$0xa] =	wrdreg s25  }
0x15: {  	v2 =	vlaneseq.u32;
	s10 =	sadd.s32 $0x1400, s11;
	s11 =	sadd.s32 $0x1500, s11;
	[dreg:$0xb] =	wrdreg s26  }
0x16: {  	vm0 =	vmmov $0xffff;
	v1 =	vshrl.u32 v2, $0x3;
	s13 =	smax.u32 s1, $0x1;
	s23 =	simm.s32 $0x4100;
	s24 =	simm.s32 $0x4900  }
0x17: {  	v0 =	vand.u32 $0x7, v2;
	v2 =	vor.u32 $0x8, v2;
	v1 =	vmul.u32 $0x8, v1;
	s25 =	simm.s32 $0x5100;
	s26 =	simm.s32 $0x5900;
	s1 =	simm.s32 $0x1  }
.LBB2_1:
0x18: {  	s0 =	rddreg [dreg:$0x3]  }
0x19: {  	[tilespmem:s2], [sflag:$0x2] =	stream.linear.gather [hbm4b:s0+s2], $0xA0, $0x38;
	[tilespmem:$0x8100] =	vst v63  }
0x1a: {  	_ =	swait.ge [sflag:s14], $0xA0  }
0x1b: {  	[sflag:s14] =	ssyncset.done $0x0  }
0x1c: {  	[sflag:s14] =	ssyncadd.s32 $0xFFFFFF60  }
0x1d: {  	v3 =	vld [tilespmem:$0x0];
	_ =	sdelay $0x4  }
0x1e: {  	v4 =	vshll.u32 v3, $0x4  }
0x1f: {  	v3 =	vand.u32 $0x7, v3;
	v4 =	vand.u32 $0xFFFFFF80, v4  }
0x20: {  	v3 =	vor.u32 v3, v4  }
0x21: {  	v4 =	vperm.xlane v3, v0;
	_ =	sdelay $0x1  }
0x22: {  	v4 =	vadd.s32 v1, v4;
	_ =	sdelay $0x4  }
0x23: {  	[tilespmem:s15], [sflag:$0x1] =	stream.indirect_vreg.gather [hbm4b:s3+s2], $0x80, v4, vm0, $0xb8;
	[tilespmem:$0x8100] =	vst v63  }
0x24: {  	_ = 	snop  }
0x25: {  	[tilespmem:s16], [sflag:$0x1] =	stream.indirect_vreg.gather [hbm4b:s5+s2], $0x80, v4, vm0, $0xb8;
	[tilespmem:$0x8100] =	vst v63  }
0x26: {  	_ = 	snop  }
0x27: {  	[tilespmem:s17], [sflag:$0x1] =	stream.indirect_vreg.gather [hbm4b:s6+s2], $0x80, v4, vm0, $0xb8;
	[tilespmem:$0x8100] =	vst v63  }
0x28: {  	_ = 	snop  }
0x29: {  	[tilespmem:s18], [sflag:$0x1] =	stream.indirect_vreg.gather [hbm4b:s7+s2], $0x80, v4, vm0, $0xb8;
	[tilespmem:$0x8100] =	vst v63  }
0x2a: {  	_ = 	snop  }
0x2b: {  	[tilespmem:s19], [sflag:$0x1] =	stream.indirect_vreg.gather [hbm4b:s8+s2], $0x80, v4, vm0, $0xb8;
	[tilespmem:$0x8100] =	vst v63  }
0x2c: {  	v3 =	vperm.xlane v3, v2  }
0x2d: {  	[tilespmem:s20], [sflag:$0x1] =	stream.indirect_vreg.gather [hbm4b:s9+s2], $0x80, v4, vm0, $0xb8;
	[tilespmem:$0x8100] =	vst v63  }
0x2e: {  	v3 =	vadd.s32 v1, v3  }
0x2f: {  	[tilespmem:s21], [sflag:$0x1] =	stream.indirect_vreg.gather [hbm4b:s10+s2], $0x80, v4, vm0, $0xb8;
	[tilespmem:$0x8100] =	vst v63  }
0x30: {  	_ = 	snop  }
0x31: {  	[tilespmem:s22], [sflag:$0x1] =	stream.indirect_vreg.gather [hbm4b:s11+s2], $0x80, v4, vm0, $0xb8;
	[tilespmem:$0x8100] =	vst v63  }
0x32: {  	_ = 	snop  }
0x33: {  	[tilespmem:s23], [sflag:$0x1] =	stream.indirect_vreg.gather [hbm4b:s3+s2], $0x80, v3, vm0, $0xb8;
	[tilespmem:$0x8100] =	vst v63  }
0x34: {  	_ = 	snop  }
0x35: {  	[tilespmem:s24], [sflag:$0x1] =	stream.indirect_vreg.gather [hbm4b:s5+s2], $0x80, v3, vm0, $0xb8;
	[tilespmem:$0x8100] =	vst v63  }
0x36: {  	_ = 	snop  }
0x37: {  	[tilespmem:s25], [sflag:$0x1] =	stream.indirect_vreg.gather [hbm4b:s6+s2], $0x80, v3, vm0, $0xb8;
	[tilespmem:$0x8100] =	vst v63  }
0x38: {  	_ = 	snop  }
0x39: {  	[tilespmem:s26], [sflag:$0x1] =	stream.indirect_vreg.gather [hbm4b:s7+s2], $0x80, v3, vm0, $0xb8;
	[tilespmem:$0x8100] =	vst v63  }
0x3a: {  	_ = 	snop  }
0x3b: {  	[tilespmem:s28], [sflag:$0x1] =	stream.indirect_vreg.gather [hbm4b:s8+s2], $0x80, v3, vm0, $0xb8;
	[tilespmem:$0x8100] =	vst v63  }
0x3c: {  	_ = 	snop  }
0x3d: {  	[tilespmem:s29], [sflag:$0x1] =	stream.indirect_vreg.gather [hbm4b:s9+s2], $0x80, v3, vm0, $0xb8;
	[tilespmem:$0x8100] =	vst v63  }
0x3e: {  	_ = 	snop  }
0x3f: {  	[tilespmem:s30], [sflag:$0x1] =	stream.indirect_vreg.gather [hbm4b:s10+s2], $0x80, v3, vm0, $0xb8;
	[tilespmem:$0x8100] =	vst v63  }
0x40: {  	_ = 	snop  }
0x41: {  	[tilespmem:s31], [sflag:$0x1] =	stream.indirect_vreg.gather [hbm4b:s11+s2], $0x80, v3, vm0, $0xb8;
	[tilespmem:$0x8100] =	vst v63  }
0x42: {  	_ =	swait.ge [sflag:s1], $0x8000  }
0x43: {  	[sflag:s1] =	ssyncset.done $0x0  }
0x44: {  	[sflag:s1] =	ssyncadd.s32 $0xFFFF8000  }
0x45: {  	[hbm4b:s4+s2] =	stream.linear.scatter [tilespmem:s15], [sflag:$0x2], $0x8000, $0x38;
	[tilespmem:$0x8100] =	vst v63  }
0x46: {  	_ =	swait.ge [sflag:s14], $0x8000  }
0x47: {  	[sflag:s14] =	ssyncset.done $0x0  }
0x48: {  	[sflag:s14] =	ssyncadd.s32 $0xFFFF8000  }
0x49: {  	v3 =	vld [tilespmem:$0x10];
	_ =	sdelay $0x4  }
0x4a: {  	v55 =	vshll.u32 v3, $0x4  }
0x4b: {  	v3 =	vand.u32 $0x7, v3;
	v4 =	vand.u32 $0xFFFFFF80, v55  }
0x4c: {  	v3 =	vor.u32 v3, v4  }
0x4d: {  	v4 =	vperm.xlane v3, v0;
	_ =	sdelay $0x1  }
0x4e: {  	v4 =	vadd.s32 v1, v4;
	_ =	sdelay $0x4  }
0x4f: {  	[tilespmem:s15], [sflag:$0x1] =	stream.indirect_vreg.gather [hbm4b:s3+s2], $0x80, v4, vm0, $0xb8;
	[tilespmem:$0x8100] =	vst v63  }
0x50: {  	_ = 	snop  }
0x51: {  	[tilespmem:s16], [sflag:$0x1] =	stream.indirect_vreg.gather [hbm4b:s5+s2], $0x80, v4, vm0, $0xb8;
	[tilespmem:$0x8100] =	vst v63  }
0x52: {  	_ = 	snop  }
0x53: {  	[tilespmem:s17], [sflag:$0x1] =	stream.indirect_vreg.gather [hbm4b:s6+s2], $0x80, v4, vm0, $0xb8;
	[tilespmem:$0x8100] =	vst v63  }
0x54: {  	_ = 	snop  }
0x55: {  	[tilespmem:s18], [sflag:$0x1] =	stream.indirect_vreg.gather [hbm4b:s7+s2], $0x80, v4, vm0, $0xb8;
	[tilespmem:$0x8100] =	vst v63  }
0x56: {  	_ = 	snop  }
0x57: {  	[tilespmem:s19], [sflag:$0x1] =	stream.indirect_vreg.gather [hbm4b:s8+s2], $0x80, v4, vm0, $0xb8;
	[tilespmem:$0x8100] =	vst v63  }
0x58: {  	v3 =	vperm.xlane v3, v2  }
0x59: {  	[tilespmem:s20], [sflag:$0x1] =	stream.indirect_vreg.gather [hbm4b:s9+s2], $0x80, v4, vm0, $0xb8;
	[tilespmem:$0x8100] =	vst v63  }
0x5a: {  	v3 =	vadd.s32 v1, v3  }
0x5b: {  	[tilespmem:s21], [sflag:$0x1] =	stream.indirect_vreg.gather [hbm4b:s10+s2], $0x80, v4, vm0, $0xb8;
	[tilespmem:$0x8100] =	vst v63  }
0x5c: {  	_ = 	snop  }
0x5d: {  	[tilespmem:s22], [sflag:$0x1] =	stream.indirect_vreg.gather [hbm4b:s11+s2], $0x80, v4, vm0, $0xb8;
	[tilespmem:$0x8100] =	vst v63  }
0x5e: {  	_ = 	snop  }
0x5f: {  	[tilespmem:s23], [sflag:$0x1] =	stream.indirect_vreg.gather [hbm4b:s3+s2], $0x80, v3, vm0, $0xb8;
	[tilespmem:$0x8100] =	vst v63  }
0x60: {  	_ = 	snop  }
0x61: {  	[tilespmem:s24], [sflag:$0x1] =	stream.indirect_vreg.gather [hbm4b:s5+s2], $0x80, v3, vm0, $0xb8;
	[tilespmem:$0x8100] =	vst v63  }
0x62: {  	_ = 	snop  }
0x63: {  	[tilespmem:s25], [sflag:$0x1] =	stream.indirect_vreg.gather [hbm4b:s6+s2], $0x80, v3, vm0, $0xb8;
	[tilespmem:$0x8100] =	vst v63  }
0x64: {  	_ = 	snop  }
0x65: {  	[tilespmem:s26], [sflag:$0x1] =	stream.indirect_vreg.gather [hbm4b:s7+s2], $0x80, v3, vm0, $0xb8;
	[tilespmem:$0x8100] =	vst v63  }
0x66: {  	_ = 	snop  }
0x67: {  	[tilespmem:s28], [sflag:$0x1] =	stream.indirect_vreg.gather [hbm4b:s8+s2], $0x80, v3, vm0, $0xb8;
	[tilespmem:$0x8100] =	vst v63  }
0x68: {  	_ = 	snop  }
0x69: {  	[tilespmem:s29], [sflag:$0x1] =	stream.indirect_vreg.gather [hbm4b:s9+s2], $0x80, v3, vm0, $0xb8;
	[tilespmem:$0x8100] =	vst v63  }
0x6a: {  	_ = 	snop  }
0x6b: {  	[tilespmem:s30], [sflag:$0x1] =	stream.indirect_vreg.gather [hbm4b:s10+s2], $0x80, v3, vm0, $0xb8;
	[tilespmem:$0x8100] =	vst v63  }
0x6c: {  	_ = 	snop  }
0x6d: {  	[tilespmem:s31], [sflag:$0x1] =	stream.indirect_vreg.gather [hbm4b:s11+s2], $0x80, v3, vm0, $0xb8;
	[tilespmem:$0x8100] =	vst v63  }
0x6e: {  	_ =	swait.ge [sflag:s1], $0x8000  }
0x6f: {  	[sflag:s1] =	ssyncset.done $0x0  }
0x70: {  	s0 =	rddreg [dreg:$0x4];
	[sflag:s1] =	ssyncadd.s32 $0xFFFF8000  }
0x71: {  	[hbm4b:s0+s2] =	stream.linear.scatter [tilespmem:s15], [sflag:$0x2], $0x8000, $0x38;
	[tilespmem:$0x8100] =	vst v63  }
0x72: {  	_ =	swait.ge [sflag:s14], $0x8000  }
0x73: {  	[sflag:s14] =	ssyncset.done $0x0  }
0x74: {  	[sflag:s14] =	ssyncadd.s32 $0xFFFF8000  }
0x75: {  	v3 =	vld [tilespmem:$0x20];
	_ =	sdelay $0x4  }
0x76: {  	v56 =	vshll.u32 v3, $0x4  }
0x77: {  	v3 =	vand.u32 $0x7, v3;
	v4 =	vand.u32 $0xFFFFFF80, v56  }
0x78: {  	v3 =	vor.u32 v3, v4  }
0x79: {  	v4 =	vperm.xlane v3, v0;
	_ =	sdelay $0x1  }
0x7a: {  	v4 =	vadd.s32 v1, v4;
	_ =	sdelay $0x4  }
0x7b: {  	[tilespmem:s15], [sflag:$0x1] =	stream.indirect_vreg.gather [hbm4b:s3+s2], $0x80, v4, vm0, $0xb8;
	[tilespmem:$0x8100] =	vst v63  }
0x7c: {  	_ = 	snop  }
0x7d: {  	[tilespmem:s16], [sflag:$0x1] =	stream.indirect_vreg.gather [hbm4b:s5+s2], $0x80, v4, vm0, $0xb8;
	[tilespmem:$0x8100] =	vst v63  }
0x7e: {  	_ = 	snop  }
0x7f: {  	[tilespmem:s17], [sflag:$0x1] =	stream.indirect_vreg.gather [hbm4b:s6+s2], $0x80, v4, vm0, $0xb8;
	[tilespmem:$0x8100] =	vst v63  }
0x80: {  	_ = 	snop  }
0x81: {  	[tilespmem:s18], [sflag:$0x1] =	stream.indirect_vreg.gather [hbm4b:s7+s2], $0x80, v4, vm0, $0xb8;
	[tilespmem:$0x8100] =	vst v63  }
0x82: {  	_ = 	snop  }
0x83: {  	[tilespmem:s19], [sflag:$0x1] =	stream.indirect_vreg.gather [hbm4b:s8+s2], $0x80, v4, vm0, $0xb8;
	[tilespmem:$0x8100] =	vst v63  }
0x84: {  	v3 =	vperm.xlane v3, v2  }
0x85: {  	[tilespmem:s20], [sflag:$0x1] =	stream.indirect_vreg.gather [hbm4b:s9+s2], $0x80, v4, vm0, $0xb8;
	[tilespmem:$0x8100] =	vst v63  }
0x86: {  	v3 =	vadd.s32 v1, v3  }
0x87: {  	[tilespmem:s21], [sflag:$0x1] =	stream.indirect_vreg.gather [hbm4b:s10+s2], $0x80, v4, vm0, $0xb8;
	[tilespmem:$0x8100] =	vst v63  }
0x88: {  	_ = 	snop  }
0x89: {  	[tilespmem:s22], [sflag:$0x1] =	stream.indirect_vreg.gather [hbm4b:s11+s2], $0x80, v4, vm0, $0xb8;
	[tilespmem:$0x8100] =	vst v63  }
0x8a: {  	_ = 	snop  }
0x8b: {  	[tilespmem:s23], [sflag:$0x1] =	stream.indirect_vreg.gather [hbm4b:s3+s2], $0x80, v3, vm0, $0xb8;
	[tilespmem:$0x8100] =	vst v63  }
0x8c: {  	_ = 	snop  }
0x8d: {  	[tilespmem:s24], [sflag:$0x1] =	stream.indirect_vreg.gather [hbm4b:s5+s2], $0x80, v3, vm0, $0xb8;
	[tilespmem:$0x8100] =	vst v63  }
0x8e: {  	_ = 	snop  }
0x8f: {  	[tilespmem:s25], [sflag:$0x1] =	stream.indirect_vreg.gather [hbm4b:s6+s2], $0x80, v3, vm0, $0xb8;
	[tilespmem:$0x8100] =	vst v63  }
0x90: {  	_ = 	snop  }
0x91: {  	[tilespmem:s26], [sflag:$0x1] =	stream.indirect_vreg.gather [hbm4b:s7+s2], $0x80, v3, vm0, $0xb8;
	[tilespmem:$0x8100] =	vst v63  }
0x92: {  	_ = 	snop  }
0x93: {  	[tilespmem:s28], [sflag:$0x1] =	stream.indirect_vreg.gather [hbm4b:s8+s2], $0x80, v3, vm0, $0xb8;
	[tilespmem:$0x8100] =	vst v63  }
0x94: {  	_ = 	snop  }
0x95: {  	[tilespmem:s29], [sflag:$0x1] =	stream.indirect_vreg.gather [hbm4b:s9+s2], $0x80, v3, vm0, $0xb8;
	[tilespmem:$0x8100] =	vst v63  }
0x96: {  	_ = 	snop  }
0x97: {  	[tilespmem:s30], [sflag:$0x1] =	stream.indirect_vreg.gather [hbm4b:s10+s2], $0x80, v3, vm0, $0xb8;
	[tilespmem:$0x8100] =	vst v63  }
0x98: {  	_ = 	snop  }
0x99: {  	[tilespmem:s31], [sflag:$0x1] =	stream.indirect_vreg.gather [hbm4b:s11+s2], $0x80, v3, vm0, $0xb8;
	[tilespmem:$0x8100] =	vst v63  }
0x9a: {  	_ =	swait.ge [sflag:s1], $0x8000  }
0x9b: {  	[sflag:s1] =	ssyncset.done $0x0  }
0x9c: {  	s0 =	rddreg [dreg:$0x5];
	[sflag:s1] =	ssyncadd.s32 $0xFFFF8000  }
0x9d: {  	[hbm4b:s0+s2] =	stream.linear.scatter [tilespmem:s15], [sflag:$0x2], $0x8000, $0x38;
	[tilespmem:$0x8100] =	vst v63  }
0x9e: {  	_ =	swait.ge [sflag:s14], $0x8000  }
0x9f: {  	[sflag:s14] =	ssyncset.done $0x0  }
0xa0: {  	[sflag:s14] =	ssyncadd.s32 $0xFFFF8000  }
0xa1: {  	v3 =	vld [tilespmem:$0x30];
	_ =	sdelay $0x4  }
0xa2: {  	v57 =	vshll.u32 v3, $0x4  }
0xa3: {  	v3 =	vand.u32 $0x7, v3;
	v4 =	vand.u32 $0xFFFFFF80, v57  }
0xa4: {  	v3 =	vor.u32 v3, v4  }
0xa5: {  	v4 =	vperm.xlane v3, v0;
	_ =	sdelay $0x1  }
0xa6: {  	v4 =	vadd.s32 v1, v4;
	_ =	sdelay $0x4  }
0xa7: {  	[tilespmem:s15], [sflag:$0x1] =	stream.indirect_vreg.gather [hbm4b:s3+s2], $0x80, v4, vm0, $0xb8;
	[tilespmem:$0x8100] =	vst v63  }
0xa8: {  	_ = 	snop  }
0xa9: {  	[tilespmem:s16], [sflag:$0x1] =	stream.indirect_vreg.gather [hbm4b:s5+s2], $0x80, v4, vm0, $0xb8;
	[tilespmem:$0x8100] =	vst v63  }
0xaa: {  	_ = 	snop  }
0xab: {  	[tilespmem:s17], [sflag:$0x1] =	stream.indirect_vreg.gather [hbm4b:s6+s2], $0x80, v4, vm0, $0xb8;
	[tilespmem:$0x8100] =	vst v63  }
0xac: {  	_ = 	snop  }
0xad: {  	[tilespmem:s18], [sflag:$0x1] =	stream.indirect_vreg.gather [hbm4b:s7+s2], $0x80, v4, vm0, $0xb8;
	[tilespmem:$0x8100] =	vst v63  }
0xae: {  	_ = 	snop  }
0xaf: {  	[tilespmem:s19], [sflag:$0x1] =	stream.indirect_vreg.gather [hbm4b:s8+s2], $0x80, v4, vm0, $0xb8;
	[tilespmem:$0x8100] =	vst v63  }
0xb0: {  	v3 =	vperm.xlane v3, v2  }
0xb1: {  	[tilespmem:s20], [sflag:$0x1] =	stream.indirect_vreg.gather [hbm4b:s9+s2], $0x80, v4, vm0, $0xb8;
	[tilespmem:$0x8100] =	vst v63  }
0xb2: {  	v3 =	vadd.s32 v1, v3  }
0xb3: {  	[tilespmem:s21], [sflag:$0x1] =	stream.indirect_vreg.gather [hbm4b:s10+s2], $0x80, v4, vm0, $0xb8;
	[tilespmem:$0x8100] =	vst v63  }
0xb4: {  	_ = 	snop  }
0xb5: {  	[tilespmem:s22], [sflag:$0x1] =	stream.indirect_vreg.gather [hbm4b:s11+s2], $0x80, v4, vm0, $0xb8;
	[tilespmem:$0x8100] =	vst v63  }
0xb6: {  	_ = 	snop  }
0xb7: {  	[tilespmem:s23], [sflag:$0x1] =	stream.indirect_vreg.gather [hbm4b:s3+s2], $0x80, v3, vm0, $0xb8;
	[tilespmem:$0x8100] =	vst v63  }
0xb8: {  	_ = 	snop  }
0xb9: {  	[tilespmem:s24], [sflag:$0x1] =	stream.indirect_vreg.gather [hbm4b:s5+s2], $0x80, v3, vm0, $0xb8;
	[tilespmem:$0x8100] =	vst v63  }
0xba: {  	_ = 	snop  }
0xbb: {  	[tilespmem:s25], [sflag:$0x1] =	stream.indirect_vreg.gather [hbm4b:s6+s2], $0x80, v3, vm0, $0xb8;
	[tilespmem:$0x8100] =	vst v63  }
0xbc: {  	_ = 	snop  }
0xbd: {  	[tilespmem:s26], [sflag:$0x1] =	stream.indirect_vreg.gather [hbm4b:s7+s2], $0x80, v3, vm0, $0xb8;
	[tilespmem:$0x8100] =	vst v63  }
0xbe: {  	_ = 	snop  }
0xbf: {  	[tilespmem:s28], [sflag:$0x1] =	stream.indirect_vreg.gather [hbm4b:s8+s2], $0x80, v3, vm0, $0xb8;
	[tilespmem:$0x8100] =	vst v63  }
0xc0: {  	_ = 	snop  }
0xc1: {  	[tilespmem:s29], [sflag:$0x1] =	stream.indirect_vreg.gather [hbm4b:s9+s2], $0x80, v3, vm0, $0xb8;
	[tilespmem:$0x8100] =	vst v63  }
0xc2: {  	_ = 	snop  }
0xc3: {  	[tilespmem:s30], [sflag:$0x1] =	stream.indirect_vreg.gather [hbm4b:s10+s2], $0x80, v3, vm0, $0xb8;
	[tilespmem:$0x8100] =	vst v63  }
0xc4: {  	_ = 	snop  }
0xc5: {  	[tilespmem:s31], [sflag:$0x1] =	stream.indirect_vreg.gather [hbm4b:s11+s2], $0x80, v3, vm0, $0xb8;
	[tilespmem:$0x8100] =	vst v63  }
0xc6: {  	_ =	swait.ge [sflag:s1], $0x8000  }
0xc7: {  	[sflag:s1] =	ssyncset.done $0x0  }
0xc8: {  	s0 =	rddreg [dreg:$0x6];
	[sflag:s1] =	ssyncadd.s32 $0xFFFF8000  }
0xc9: {  	[hbm4b:s0+s2] =	stream.linear.scatter [tilespmem:s15], [sflag:$0x2], $0x8000, $0x38;
	[tilespmem:$0x8100] =	vst v63  }
0xca: {  	_ =	swait.ge [sflag:s14], $0x8000  }
0xcb: {  	[sflag:s14] =	ssyncset.done $0x0  }
0xcc: {  	[sflag:s14] =	ssyncadd.s32 $0xFFFF8000  }
0xcd: {  	v3 =	vld [tilespmem:$0x40];
	_ =	sdelay $0x4  }
0xce: {  	v58 =	vshll.u32 v3, $0x4  }
0xcf: {  	v3 =	vand.u32 $0x7, v3;
	v4 =	vand.u32 $0xFFFFFF80, v58  }
0xd0: {  	v3 =	vor.u32 v3, v4  }
0xd1: {  	v4 =	vperm.xlane v3, v0;
	_ =	sdelay $0x1  }
0xd2: {  	v4 =	vadd.s32 v1, v4;
	_ =	sdelay $0x4  }
0xd3: {  	[tilespmem:s15], [sflag:$0x1] =	stream.indirect_vreg.gather [hbm4b:s3+s2], $0x80, v4, vm0, $0xb8;
	[tilespmem:$0x8100] =	vst v63  }
0xd4: {  	_ = 	snop  }
0xd5: {  	[tilespmem:s16], [sflag:$0x1] =	stream.indirect_vreg.gather [hbm4b:s5+s2], $0x80, v4, vm0, $0xb8;
	[tilespmem:$0x8100] =	vst v63  }
0xd6: {  	_ = 	snop  }
0xd7: {  	[tilespmem:s17], [sflag:$0x1] =	stream.indirect_vreg.gather [hbm4b:s6+s2], $0x80, v4, vm0, $0xb8;
	[tilespmem:$0x8100] =	vst v63  }
0xd8: {  	_ = 	snop  }
0xd9: {  	[tilespmem:s18], [sflag:$0x1] =	stream.indirect_vreg.gather [hbm4b:s7+s2], $0x80, v4, vm0, $0xb8;
	[tilespmem:$0x8100] =	vst v63  }
0xda: {  	_ = 	snop  }
0xdb: {  	[tilespmem:s19], [sflag:$0x1] =	stream.indirect_vreg.gather [hbm4b:s8+s2], $0x80, v4, vm0, $0xb8;
	[tilespmem:$0x8100] =	vst v63  }
0xdc: {  	v3 =	vperm.xlane v3, v2  }
0xdd: {  	[tilespmem:s20], [sflag:$0x1] =	stream.indirect_vreg.gather [hbm4b:s9+s2], $0x80, v4, vm0, $0xb8;
	[tilespmem:$0x8100] =	vst v63  }
0xde: {  	v3 =	vadd.s32 v1, v3  }
0xdf: {  	[tilespmem:s21], [sflag:$0x1] =	stream.indirect_vreg.gather [hbm4b:s10+s2], $0x80, v4, vm0, $0xb8;
	[tilespmem:$0x8100] =	vst v63  }
0xe0: {  	_ = 	snop  }
0xe1: {  	[tilespmem:s22], [sflag:$0x1] =	stream.indirect_vreg.gather [hbm4b:s11+s2], $0x80, v4, vm0, $0xb8;
	[tilespmem:$0x8100] =	vst v63  }
0xe2: {  	_ = 	snop  }
0xe3: {  	[tilespmem:s23], [sflag:$0x1] =	stream.indirect_vreg.gather [hbm4b:s3+s2], $0x80, v3, vm0, $0xb8;
	[tilespmem:$0x8100] =	vst v63  }
0xe4: {  	_ = 	snop  }
0xe5: {  	[tilespmem:s24], [sflag:$0x1] =	stream.indirect_vreg.gather [hbm4b:s5+s2], $0x80, v3, vm0, $0xb8;
	[tilespmem:$0x8100] =	vst v63  }
0xe6: {  	_ = 	snop  }
0xe7: {  	[tilespmem:s25], [sflag:$0x1] =	stream.indirect_vreg.gather [hbm4b:s6+s2], $0x80, v3, vm0, $0xb8;
	[tilespmem:$0x8100] =	vst v63  }
0xe8: {  	_ = 	snop  }
0xe9: {  	[tilespmem:s26], [sflag:$0x1] =	stream.indirect_vreg.gather [hbm4b:s7+s2], $0x80, v3, vm0, $0xb8;
	[tilespmem:$0x8100] =	vst v63  }
0xea: {  	_ = 	snop  }
0xeb: {  	[tilespmem:s28], [sflag:$0x1] =	stream.indirect_vreg.gather [hbm4b:s8+s2], $0x80, v3, vm0, $0xb8;
	[tilespmem:$0x8100] =	vst v63  }
0xec: {  	_ = 	snop  }
0xed: {  	[tilespmem:s29], [sflag:$0x1] =	stream.indirect_vreg.gather [hbm4b:s9+s2], $0x80, v3, vm0, $0xb8;
	[tilespmem:$0x8100] =	vst v63  }
0xee: {  	_ = 	snop  }
0xef: {  	[tilespmem:s30], [sflag:$0x1] =	stream.indirect_vreg.gather [hbm4b:s10+s2], $0x80, v3, vm0, $0xb8;
	[tilespmem:$0x8100] =	vst v63  }
0xf0: {  	_ = 	snop  }
0xf1: {  	[tilespmem:s31], [sflag:$0x1] =	stream.indirect_vreg.gather [hbm4b:s11+s2], $0x80, v3, vm0, $0xb8;
	[tilespmem:$0x8100] =	vst v63  }
0xf2: {  	_ =	swait.ge [sflag:s1], $0x8000  }
0xf3: {  	[sflag:s1] =	ssyncset.done $0x0  }
0xf4: {  	s0 =	rddreg [dreg:$0x7];
	[sflag:s1] =	ssyncadd.s32 $0xFFFF8000  }
0xf5: {  	[hbm4b:s0+s2] =	stream.linear.scatter [tilespmem:s15], [sflag:$0x2], $0x8000, $0x38;
	[tilespmem:$0x8100] =	vst v63  }
0xf6: {  	_ =	swait.ge [sflag:s14], $0x8000  }
0xf7: {  	[sflag:s14] =	ssyncset.done $0x0  }
0xf8: {  	[sflag:s14] =	ssyncadd.s32 $0xFFFF8000  }
0xf9: {  	v3 =	vld [tilespmem:$0x50];
	_ =	sdelay $0x4  }
0xfa: {  	v59 =	vshll.u32 v3, $0x4  }
0xfb: {  	v3 =	vand.u32 $0x7, v3;
	v4 =	vand.u32 $0xFFFFFF80, v59  }
0xfc: {  	v3 =	vor.u32 v3, v4  }
0xfd: {  	v4 =	vperm.xlane v3, v0;
	_ =	sdelay $0x1  }
0xfe: {  	v4 =	vadd.s32 v1, v4;
	_ =	sdelay $0x4  }
0xff: {  	[tilespmem:s15], [sflag:$0x1] =	stream.indirect_vreg.gather [hbm4b:s3+s2], $0x80, v4, vm0, $0xb8;
	[tilespmem:$0x8100] =	vst v63  }
0x100: {  	_ = 	snop  }
0x101: {  	[tilespmem:s16], [sflag:$0x1] =	stream.indirect_vreg.gather [hbm4b:s5+s2], $0x80, v4, vm0, $0xb8;
	[tilespmem:$0x8100] =	vst v63  }
0x102: {  	_ = 	snop  }
0x103: {  	[tilespmem:s17], [sflag:$0x1] =	stream.indirect_vreg.gather [hbm4b:s6+s2], $0x80, v4, vm0, $0xb8;
	[tilespmem:$0x8100] =	vst v63  }
0x104: {  	_ = 	snop  }
0x105: {  	[tilespmem:s18], [sflag:$0x1] =	stream.indirect_vreg.gather [hbm4b:s7+s2], $0x80, v4, vm0, $0xb8;
	[tilespmem:$0x8100] =	vst v63  }
0x106: {  	_ = 	snop  }
0x107: {  	[tilespmem:s19], [sflag:$0x1] =	stream.indirect_vreg.gather [hbm4b:s8+s2], $0x80, v4, vm0, $0xb8;
	[tilespmem:$0x8100] =	vst v63  }
0x108: {  	v3 =	vperm.xlane v3, v2  }
0x109: {  	[tilespmem:s20], [sflag:$0x1] =	stream.indirect_vreg.gather [hbm4b:s9+s2], $0x80, v4, vm0, $0xb8;
	[tilespmem:$0x8100] =	vst v63  }
0x10a: {  	v3 =	vadd.s32 v1, v3  }
0x10b: {  	[tilespmem:s21], [sflag:$0x1] =	stream.indirect_vreg.gather [hbm4b:s10+s2], $0x80, v4, vm0, $0xb8;
	[tilespmem:$0x8100] =	vst v63  }
0x10c: {  	_ = 	snop  }
0x10d: {  	[tilespmem:s22], [sflag:$0x1] =	stream.indirect_vreg.gather [hbm4b:s11+s2], $0x80, v4, vm0, $0xb8;
	[tilespmem:$0x8100] =	vst v63  }
0x10e: {  	_ = 	snop  }
0x10f: {  	[tilespmem:s23], [sflag:$0x1] =	stream.indirect_vreg.gather [hbm4b:s3+s2], $0x80, v3, vm0, $0xb8;
	[tilespmem:$0x8100] =	vst v63  }
0x110: {  	_ = 	snop  }
0x111: {  	[tilespmem:s24], [sflag:$0x1] =	stream.indirect_vreg.gather [hbm4b:s5+s2], $0x80, v3, vm0, $0xb8;
	[tilespmem:$0x8100] =	vst v63  }
0x112: {  	_ = 	snop  }
0x113: {  	[tilespmem:s25], [sflag:$0x1] =	stream.indirect_vreg.gather [hbm4b:s6+s2], $0x80, v3, vm0, $0xb8;
	[tilespmem:$0x8100] =	vst v63  }
0x114: {  	_ = 	snop  }
0x115: {  	[tilespmem:s26], [sflag:$0x1] =	stream.indirect_vreg.gather [hbm4b:s7+s2], $0x80, v3, vm0, $0xb8;
	[tilespmem:$0x8100] =	vst v63  }
0x116: {  	_ = 	snop  }
0x117: {  	[tilespmem:s28], [sflag:$0x1] =	stream.indirect_vreg.gather [hbm4b:s8+s2], $0x80, v3, vm0, $0xb8;
	[tilespmem:$0x8100] =	vst v63  }
0x118: {  	_ = 	snop  }
0x119: {  	[tilespmem:s29], [sflag:$0x1] =	stream.indirect_vreg.gather [hbm4b:s9+s2], $0x80, v3, vm0, $0xb8;
	[tilespmem:$0x8100] =	vst v63  }
0x11a: {  	_ = 	snop  }
0x11b: {  	[tilespmem:s30], [sflag:$0x1] =	stream.indirect_vreg.gather [hbm4b:s10+s2], $0x80, v3, vm0, $0xb8;
	[tilespmem:$0x8100] =	vst v63  }
0x11c: {  	_ = 	snop  }
0x11d: {  	[tilespmem:s31], [sflag:$0x1] =	stream.indirect_vreg.gather [hbm4b:s11+s2], $0x80, v3, vm0, $0xb8;
	[tilespmem:$0x8100] =	vst v63  }
0x11e: {  	_ =	swait.ge [sflag:s1], $0x8000  }
0x11f: {  	[sflag:s1] =	ssyncset.done $0x0  }
0x120: {  	s0 =	rddreg [dreg:$0x8];
	[sflag:s1] =	ssyncadd.s32 $0xFFFF8000  }
0x121: {  	[hbm4b:s0+s2] =	stream.linear.scatter [tilespmem:s15], [sflag:$0x2], $0x8000, $0x38;
	[tilespmem:$0x8100] =	vst v63  }
0x122: {  	_ =	swait.ge [sflag:s14], $0x8000  }
0x123: {  	[sflag:s14] =	ssyncset.done $0x0  }
0x124: {  	[sflag:s14] =	ssyncadd.s32 $0xFFFF8000  }
0x125: {  	v3 =	vld [tilespmem:$0x60];
	_ =	sdelay $0x4  }
0x126: {  	v60 =	vshll.u32 v3, $0x4  }
0x127: {  	v3 =	vand.u32 $0x7, v3;
	v4 =	vand.u32 $0xFFFFFF80, v60  }
0x128: {  	v3 =	vor.u32 v3, v4  }
0x129: {  	v4 =	vperm.xlane v3, v0;
	_ =	sdelay $0x1  }
0x12a: {  	v4 =	vadd.s32 v1, v4;
	_ =	sdelay $0x4  }
0x12b: {  	[tilespmem:s15], [sflag:$0x1] =	stream.indirect_vreg.gather [hbm4b:s3+s2], $0x80, v4, vm0, $0xb8;
	[tilespmem:$0x8100] =	vst v63  }
0x12c: {  	_ = 	snop  }
0x12d: {  	[tilespmem:s16], [sflag:$0x1] =	stream.indirect_vreg.gather [hbm4b:s5+s2], $0x80, v4, vm0, $0xb8;
	[tilespmem:$0x8100] =	vst v63  }
0x12e: {  	_ = 	snop  }
0x12f: {  	[tilespmem:s17], [sflag:$0x1] =	stream.indirect_vreg.gather [hbm4b:s6+s2], $0x80, v4, vm0, $0xb8;
	[tilespmem:$0x8100] =	vst v63  }
0x130: {  	_ = 	snop  }
0x131: {  	[tilespmem:s18], [sflag:$0x1] =	stream.indirect_vreg.gather [hbm4b:s7+s2], $0x80, v4, vm0, $0xb8;
	[tilespmem:$0x8100] =	vst v63  }
0x132: {  	_ = 	snop  }
0x133: {  	[tilespmem:s19], [sflag:$0x1] =	stream.indirect_vreg.gather [hbm4b:s8+s2], $0x80, v4, vm0, $0xb8;
	[tilespmem:$0x8100] =	vst v63  }
0x134: {  	v3 =	vperm.xlane v3, v2  }
0x135: {  	[tilespmem:s20], [sflag:$0x1] =	stream.indirect_vreg.gather [hbm4b:s9+s2], $0x80, v4, vm0, $0xb8;
	[tilespmem:$0x8100] =	vst v63  }
0x136: {  	v3 =	vadd.s32 v1, v3  }
0x137: {  	[tilespmem:s21], [sflag:$0x1] =	stream.indirect_vreg.gather [hbm4b:s10+s2], $0x80, v4, vm0, $0xb8;
	[tilespmem:$0x8100] =	vst v63  }
0x138: {  	_ = 	snop  }
0x139: {  	[tilespmem:s22], [sflag:$0x1] =	stream.indirect_vreg.gather [hbm4b:s11+s2], $0x80, v4, vm0, $0xb8;
	[tilespmem:$0x8100] =	vst v63  }
0x13a: {  	_ = 	snop  }
0x13b: {  	[tilespmem:s23], [sflag:$0x1] =	stream.indirect_vreg.gather [hbm4b:s3+s2], $0x80, v3, vm0, $0xb8;
	[tilespmem:$0x8100] =	vst v63  }
0x13c: {  	_ = 	snop  }
0x13d: {  	[tilespmem:s24], [sflag:$0x1] =	stream.indirect_vreg.gather [hbm4b:s5+s2], $0x80, v3, vm0, $0xb8;
	[tilespmem:$0x8100] =	vst v63  }
0x13e: {  	_ = 	snop  }
0x13f: {  	[tilespmem:s25], [sflag:$0x1] =	stream.indirect_vreg.gather [hbm4b:s6+s2], $0x80, v3, vm0, $0xb8;
	[tilespmem:$0x8100] =	vst v63  }
0x140: {  	_ = 	snop  }
0x141: {  	[tilespmem:s26], [sflag:$0x1] =	stream.indirect_vreg.gather [hbm4b:s7+s2], $0x80, v3, vm0, $0xb8;
	[tilespmem:$0x8100] =	vst v63  }
0x142: {  	_ = 	snop  }
0x143: {  	[tilespmem:s28], [sflag:$0x1] =	stream.indirect_vreg.gather [hbm4b:s8+s2], $0x80, v3, vm0, $0xb8;
	[tilespmem:$0x8100] =	vst v63  }
0x144: {  	_ = 	snop  }
0x145: {  	[tilespmem:s29], [sflag:$0x1] =	stream.indirect_vreg.gather [hbm4b:s9+s2], $0x80, v3, vm0, $0xb8;
	[tilespmem:$0x8100] =	vst v63  }
0x146: {  	_ = 	snop  }
0x147: {  	[tilespmem:s30], [sflag:$0x1] =	stream.indirect_vreg.gather [hbm4b:s10+s2], $0x80, v3, vm0, $0xb8;
	[tilespmem:$0x8100] =	vst v63  }
0x148: {  	_ = 	snop  }
0x149: {  	[tilespmem:s31], [sflag:$0x1] =	stream.indirect_vreg.gather [hbm4b:s11+s2], $0x80, v3, vm0, $0xb8;
	[tilespmem:$0x8100] =	vst v63  }
0x14a: {  	_ =	swait.ge [sflag:s1], $0x8000  }
0x14b: {  	[sflag:s1] =	ssyncset.done $0x0  }
0x14c: {  	s0 =	rddreg [dreg:$0x9];
	[sflag:s1] =	ssyncadd.s32 $0xFFFF8000  }
0x14d: {  	[hbm4b:s0+s2] =	stream.linear.scatter [tilespmem:s15], [sflag:$0x2], $0x8000, $0x38;
	[tilespmem:$0x8100] =	vst v63  }
0x14e: {  	_ =	swait.ge [sflag:s14], $0x8000  }
0x14f: {  	[sflag:s14] =	ssyncset.done $0x0  }
0x150: {  	[sflag:s14] =	ssyncadd.s32 $0xFFFF8000  }
0x151: {  	v3 =	vld [tilespmem:$0x70];
	_ =	sdelay $0x4  }
0x152: {  	v61 =	vshll.u32 v3, $0x4  }
0x153: {  	v3 =	vand.u32 $0x7, v3;
	v4 =	vand.u32 $0xFFFFFF80, v61  }
0x154: {  	v3 =	vor.u32 v3, v4  }
0x155: {  	v4 =	vperm.xlane v3, v0;
	_ =	sdelay $0x1  }
0x156: {  	v4 =	vadd.s32 v1, v4;
	_ =	sdelay $0x4  }
0x157: {  	[tilespmem:s15], [sflag:$0x1] =	stream.indirect_vreg.gather [hbm4b:s3+s2], $0x80, v4, vm0, $0xb8;
	[tilespmem:$0x8100] =	vst v63  }
0x158: {  	_ = 	snop  }
0x159: {  	[tilespmem:s16], [sflag:$0x1] =	stream.indirect_vreg.gather [hbm4b:s5+s2], $0x80, v4, vm0, $0xb8;
	[tilespmem:$0x8100] =	vst v63  }
0x15a: {  	_ = 	snop  }
0x15b: {  	[tilespmem:s17], [sflag:$0x1] =	stream.indirect_vreg.gather [hbm4b:s6+s2], $0x80, v4, vm0, $0xb8;
	[tilespmem:$0x8100] =	vst v63  }
0x15c: {  	_ = 	snop  }
0x15d: {  	[tilespmem:s18], [sflag:$0x1] =	stream.indirect_vreg.gather [hbm4b:s7+s2], $0x80, v4, vm0, $0xb8;
	[tilespmem:$0x8100] =	vst v63  }
0x15e: {  	_ = 	snop  }
0x15f: {  	[tilespmem:s19], [sflag:$0x1] =	stream.indirect_vreg.gather [hbm4b:s8+s2], $0x80, v4, vm0, $0xb8;
	[tilespmem:$0x8100] =	vst v63  }
0x160: {  	v3 =	vperm.xlane v3, v2  }
0x161: {  	[tilespmem:s20], [sflag:$0x1] =	stream.indirect_vreg.gather [hbm4b:s9+s2], $0x80, v4, vm0, $0xb8;
	[tilespmem:$0x8100] =	vst v63  }
0x162: {  	v3 =	vadd.s32 v1, v3  }
0x163: {  	[tilespmem:s21], [sflag:$0x1] =	stream.indirect_vreg.gather [hbm4b:s10+s2], $0x80, v4, vm0, $0xb8;
	[tilespmem:$0x8100] =	vst v63  }
0x164: {  	_ = 	snop  }
0x165: {  	[tilespmem:s22], [sflag:$0x1] =	stream.indirect_vreg.gather [hbm4b:s11+s2], $0x80, v4, vm0, $0xb8;
	[tilespmem:$0x8100] =	vst v63  }
0x166: {  	_ = 	snop  }
0x167: {  	[tilespmem:s23], [sflag:$0x1] =	stream.indirect_vreg.gather [hbm4b:s3+s2], $0x80, v3, vm0, $0xb8;
	[tilespmem:$0x8100] =	vst v63  }
0x168: {  	_ = 	snop  }
0x169: {  	[tilespmem:s24], [sflag:$0x1] =	stream.indirect_vreg.gather [hbm4b:s5+s2], $0x80, v3, vm0, $0xb8;
	[tilespmem:$0x8100] =	vst v63  }
0x16a: {  	_ = 	snop  }
0x16b: {  	[tilespmem:s25], [sflag:$0x1] =	stream.indirect_vreg.gather [hbm4b:s6+s2], $0x80, v3, vm0, $0xb8;
	[tilespmem:$0x8100] =	vst v63  }
0x16c: {  	_ = 	snop  }
0x16d: {  	[tilespmem:s26], [sflag:$0x1] =	stream.indirect_vreg.gather [hbm4b:s7+s2], $0x80, v3, vm0, $0xb8;
	[tilespmem:$0x8100] =	vst v63  }
0x16e: {  	_ = 	snop  }
0x16f: {  	[tilespmem:s28], [sflag:$0x1] =	stream.indirect_vreg.gather [hbm4b:s8+s2], $0x80, v3, vm0, $0xb8;
	[tilespmem:$0x8100] =	vst v63  }
0x170: {  	_ = 	snop  }
0x171: {  	[tilespmem:s29], [sflag:$0x1] =	stream.indirect_vreg.gather [hbm4b:s9+s2], $0x80, v3, vm0, $0xb8;
	[tilespmem:$0x8100] =	vst v63  }
0x172: {  	_ = 	snop  }
0x173: {  	[tilespmem:s30], [sflag:$0x1] =	stream.indirect_vreg.gather [hbm4b:s10+s2], $0x80, v3, vm0, $0xb8;
	[tilespmem:$0x8100] =	vst v63  }
0x174: {  	_ = 	snop  }
0x175: {  	[tilespmem:s31], [sflag:$0x1] =	stream.indirect_vreg.gather [hbm4b:s11+s2], $0x80, v3, vm0, $0xb8;
	[tilespmem:$0x8100] =	vst v63  }
0x176: {  	_ =	swait.ge [sflag:s1], $0x8000  }
0x177: {  	[sflag:s1] =	ssyncset.done $0x0  }
0x178: {  	s0 =	rddreg [dreg:$0xa];
	[sflag:s1] =	ssyncadd.s32 $0xFFFF8000  }
0x179: {  	[hbm4b:s0+s2] =	stream.linear.scatter [tilespmem:s15], [sflag:$0x2], $0x8000, $0x38;
	[tilespmem:$0x8100] =	vst v63  }
0x17a: {  	_ =	swait.ge [sflag:s14], $0x8000  }
0x17b: {  	[sflag:s14] =	ssyncset.done $0x0  }
0x17c: {  	[sflag:s14] =	ssyncadd.s32 $0xFFFF8000  }
0x17d: {  	v3 =	vld [tilespmem:$0x80];
	_ =	sdelay $0x4  }
0x17e: {  	v62 =	vshll.u32 v3, $0x4  }
0x17f: {  	v3 =	vand.u32 $0x7, v3;
	v4 =	vand.u32 $0xFFFFFF80, v62  }
0x180: {  	v3 =	vor.u32 v3, v4  }
0x181: {  	v4 =	vperm.xlane v3, v0;
	_ =	sdelay $0x1  }
0x182: {  	v4 =	vadd.s32 v1, v4;
	_ =	sdelay $0x4  }
0x183: {  	[tilespmem:s15], [sflag:$0x1] =	stream.indirect_vreg.gather [hbm4b:s3+s2], $0x80, v4, vm0, $0xb8;
	[tilespmem:$0x8100] =	vst v63  }
0x184: {  	_ = 	snop  }
0x185: {  	[tilespmem:s16], [sflag:$0x1] =	stream.indirect_vreg.gather [hbm4b:s5+s2], $0x80, v4, vm0, $0xb8;
	[tilespmem:$0x8100] =	vst v63  }
0x186: {  	_ = 	snop  }
0x187: {  	[tilespmem:s17], [sflag:$0x1] =	stream.indirect_vreg.gather [hbm4b:s6+s2], $0x80, v4, vm0, $0xb8;
	[tilespmem:$0x8100] =	vst v63  }
0x188: {  	_ = 	snop  }
0x189: {  	[tilespmem:s18], [sflag:$0x1] =	stream.indirect_vreg.gather [hbm4b:s7+s2], $0x80, v4, vm0, $0xb8;
	[tilespmem:$0x8100] =	vst v63  }
0x18a: {  	_ = 	snop  }
0x18b: {  	[tilespmem:s19], [sflag:$0x1] =	stream.indirect_vreg.gather [hbm4b:s8+s2], $0x80, v4, vm0, $0xb8;
	[tilespmem:$0x8100] =	vst v63  }
0x18c: {  	v3 =	vperm.xlane v3, v2  }
0x18d: {  	[tilespmem:s20], [sflag:$0x1] =	stream.indirect_vreg.gather [hbm4b:s9+s2], $0x80, v4, vm0, $0xb8;
	[tilespmem:$0x8100] =	vst v63  }
0x18e: {  	v3 =	vadd.s32 v1, v3  }
0x18f: {  	[tilespmem:s21], [sflag:$0x1] =	stream.indirect_vreg.gather [hbm4b:s10+s2], $0x80, v4, vm0, $0xb8;
	[tilespmem:$0x8100] =	vst v63  }
0x190: {  	_ = 	snop  }
0x191: {  	[tilespmem:s22], [sflag:$0x1] =	stream.indirect_vreg.gather [hbm4b:s11+s2], $0x80, v4, vm0, $0xb8;
	[tilespmem:$0x8100] =	vst v63  }
0x192: {  	_ = 	snop  }
0x193: {  	[tilespmem:s23], [sflag:$0x1] =	stream.indirect_vreg.gather [hbm4b:s3+s2], $0x80, v3, vm0, $0xb8;
	[tilespmem:$0x8100] =	vst v63  }
0x194: {  	_ = 	snop  }
0x195: {  	[tilespmem:s24], [sflag:$0x1] =	stream.indirect_vreg.gather [hbm4b:s5+s2], $0x80, v3, vm0, $0xb8;
	[tilespmem:$0x8100] =	vst v63  }
0x196: {  	_ = 	snop  }
0x197: {  	[tilespmem:s25], [sflag:$0x1] =	stream.indirect_vreg.gather [hbm4b:s6+s2], $0x80, v3, vm0, $0xb8;
	[tilespmem:$0x8100] =	vst v63  }
0x198: {  	_ = 	snop  }
0x199: {  	[tilespmem:s26], [sflag:$0x1] =	stream.indirect_vreg.gather [hbm4b:s7+s2], $0x80, v3, vm0, $0xb8;
	[tilespmem:$0x8100] =	vst v63  }
0x19a: {  	_ = 	snop  }
0x19b: {  	[tilespmem:s28], [sflag:$0x1] =	stream.indirect_vreg.gather [hbm4b:s8+s2], $0x80, v3, vm0, $0xb8;
	[tilespmem:$0x8100] =	vst v63  }
0x19c: {  	_ = 	snop  }
0x19d: {  	[tilespmem:s29], [sflag:$0x1] =	stream.indirect_vreg.gather [hbm4b:s9+s2], $0x80, v3, vm0, $0xb8;
	[tilespmem:$0x8100] =	vst v63  }
0x19e: {  	_ = 	snop  }
0x19f: {  	[tilespmem:s30], [sflag:$0x1] =	stream.indirect_vreg.gather [hbm4b:s10+s2], $0x80, v3, vm0, $0xb8;
	[tilespmem:$0x8100] =	vst v63  }
0x1a0: {  	_ = 	snop  }
0x1a1: {  	[tilespmem:s31], [sflag:$0x1] =	stream.indirect_vreg.gather [hbm4b:s11+s2], $0x80, v3, vm0, $0xb8;
	[tilespmem:$0x8100] =	vst v63  }
0x1a2: {  	_ =	swait.ge [sflag:s1], $0x8000  }
0x1a3: {  	[sflag:s1] =	ssyncset.done $0x0  }
0x1a4: {  	s0 =	rddreg [dreg:$0xb];
	[sflag:s1] =	ssyncadd.s32 $0xFFFF8000  }
0x1a5: {  	[hbm4b:s0+s2] =	stream.linear.scatter [tilespmem:s15], [sflag:$0x2], $0x8000, $0x38;
	[tilespmem:$0x8100] =	vst v63  }
0x1a6: {  	_ =	swait.ge [sflag:s14], $0x8000  }
0x1a7: {  	[sflag:s14] =	ssyncset.done $0x0  }
0x1a8: {  	[sflag:s14] =	ssyncadd.s32 $0xFFFF8000  }
0x1a9: {  	v3 =	vld [tilespmem:$0x90];
	_ =	sdelay $0x4  }
0x1aa: {  	v63 =	vshll.u32 v3, $0x4  }
0x1ab: {  	v3 =	vand.u32 $0x7, v3;
	v4 =	vand.u32 $0xFFFFFF80, v63  }
0x1ac: {  	v3 =	vor.u32 v3, v4  }
0x1ad: {  	v4 =	vperm.xlane v3, v0;
	_ =	sdelay $0x1  }
0x1ae: {  	v4 =	vadd.s32 v1, v4;
	_ =	sdelay $0x4  }
0x1af: {  	[tilespmem:s15], [sflag:$0x1] =	stream.indirect_vreg.gather [hbm4b:s3+s2], $0x80, v4, vm0, $0xb8;
	[tilespmem:$0x8100] =	vst v63  }
0x1b0: {  	_ = 	snop  }
0x1b1: {  	[tilespmem:s16], [sflag:$0x1] =	stream.indirect_vreg.gather [hbm4b:s5+s2], $0x80, v4, vm0, $0xb8;
	[tilespmem:$0x8100] =	vst v63  }
0x1b2: {  	_ = 	snop  }
0x1b3: {  	[tilespmem:s17], [sflag:$0x1] =	stream.indirect_vreg.gather [hbm4b:s6+s2], $0x80, v4, vm0, $0xb8;
	[tilespmem:$0x8100] =	vst v63  }
0x1b4: {  	_ = 	snop  }
0x1b5: {  	[tilespmem:s18], [sflag:$0x1] =	stream.indirect_vreg.gather [hbm4b:s7+s2], $0x80, v4, vm0, $0xb8;
	[tilespmem:$0x8100] =	vst v63  }
0x1b6: {  	_ = 	snop  }
0x1b7: {  	[tilespmem:s19], [sflag:$0x1] =	stream.indirect_vreg.gather [hbm4b:s8+s2], $0x80, v4, vm0, $0xb8;
	[tilespmem:$0x8100] =	vst v63  }
0x1b8: {  	v3 =	vperm.xlane v3, v2  }
0x1b9: {  	[tilespmem:s20], [sflag:$0x1] =	stream.indirect_vreg.gather [hbm4b:s9+s2], $0x80, v4, vm0, $0xb8;
	[tilespmem:$0x8100] =	vst v63  }
0x1ba: {  	v3 =	vadd.s32 v1, v3  }
0x1bb: {  	[tilespmem:s21], [sflag:$0x1] =	stream.indirect_vreg.gather [hbm4b:s10+s2], $0x80, v4, vm0, $0xb8;
	[tilespmem:$0x8100] =	vst v63  }
0x1bc: {  	_ = 	snop  }
0x1bd: {  	[tilespmem:s22], [sflag:$0x1] =	stream.indirect_vreg.gather [hbm4b:s11+s2], $0x80, v4, vm0, $0xb8;
	[tilespmem:$0x8100] =	vst v63  }
0x1be: {  	_ = 	snop  }
0x1bf: {  	[tilespmem:s23], [sflag:$0x1] =	stream.indirect_vreg.gather [hbm4b:s3+s2], $0x80, v3, vm0, $0xb8;
	[tilespmem:$0x8100] =	vst v63  }
0x1c0: {  	_ = 	snop  }
0x1c1: {  	[tilespmem:s24], [sflag:$0x1] =	stream.indirect_vreg.gather [hbm4b:s5+s2], $0x80, v3, vm0, $0xb8;
	[tilespmem:$0x8100] =	vst v63  }
0x1c2: {  	_ = 	snop  }
0x1c3: {  	[tilespmem:s25], [sflag:$0x1] =	stream.indirect_vreg.gather [hbm4b:s6+s2], $0x80, v3, vm0, $0xb8;
	[tilespmem:$0x8100] =	vst v63  }
0x1c4: {  	_ = 	snop  }
0x1c5: {  	[tilespmem:s26], [sflag:$0x1] =	stream.indirect_vreg.gather [hbm4b:s7+s2], $0x80, v3, vm0, $0xb8;
	[tilespmem:$0x8100] =	vst v63  }
0x1c6: {  	_ = 	snop  }
0x1c7: {  	[tilespmem:s28], [sflag:$0x1] =	stream.indirect_vreg.gather [hbm4b:s8+s2], $0x80, v3, vm0, $0xb8;
	[tilespmem:$0x8100] =	vst v63  }
0x1c8: {  	_ = 	snop  }
0x1c9: {  	[tilespmem:s29], [sflag:$0x1] =	stream.indirect_vreg.gather [hbm4b:s9+s2], $0x80, v3, vm0, $0xb8;
	[tilespmem:$0x8100] =	vst v63  }
0x1ca: {  	_ = 	snop  }
0x1cb: {  	[tilespmem:s30], [sflag:$0x1] =	stream.indirect_vreg.gather [hbm4b:s10+s2], $0x80, v3, vm0, $0xb8;
	[tilespmem:$0x8100] =	vst v63  }
0x1cc: {  	_ = 	snop  }
0x1cd: {  	[tilespmem:s31], [sflag:$0x1] =	stream.indirect_vreg.gather [hbm4b:s11+s2], $0x80, v3, vm0, $0xb8;
	[tilespmem:$0x8100] =	vst v63  }
0x1ce: {  	_ =	swait.ge [sflag:s1], $0x8000  }
0x1cf: {  	p0 =	sne.s32 s13, $0x1;
	[sflag:s1] =	ssyncset.done $0x0  }
.Ltmp0:
0x1d0: {  	[sflag:s1] =	ssyncadd.s32 $0xFFFF8000;
	(pc) =	sbr.rel @p0 .LBB2_1-.Ltmp0, $4  }
0x1d1: {  	[hbm4b:s12+s2] =	stream.linear.scatter [tilespmem:s15], [sflag:$0x2], $0x8000, $0x38;
	[tilespmem:$0x8100] =	vst v63  }
0x1d2: {  	_ =	swait.ge [sflag:s14], $0x8000  }
0x1d3: {  	[sflag:s14] =	ssyncset.done $0x0  }
0x1d4: {  	s13 =	sadd.s32 $0xFFFFFFFF, s13;
	[sflag:s14] =	ssyncadd.s32 $0xFFFF8000  }
0x1d5: {  	_ =	sfence.sel $0x180000  }
0x1d6: {  	[bflag:$0x0] =	sbarrier.arrive $0xFFFF  }
0x1d7: {  	_ =	strace $0x90000047  }
0x1d8: {  	s0 =	stileid.u32;
	[bflag:$0x2] =	sbarrier.arrive $0xFFFF  }
0x1d9: {  	p0 =	sne.s32 s0, $0x0;
	s0 =	rddreg [dreg:$0x2]  }
0x1da: {  	s0 =	sadd.s32 @!p0 $0x100000, s0  }
0x1db: {  	[sflag:s0] =	ssyncadd.tile.s32 @!p0 $0x1;
	_ =	shalt  }
.Lfunc_end2:
_tile_overlayer_lowered:
.L_overlay_start_2:
0x1dc: {  	(tag) =	ssettag $0x2  }
0x1dd: {  	s0 =	rddreg [dreg:$0x0];
	s2 =	stileid.u32  }
0x1de: {  	s1 =	rddreg [dreg:$0x1];
	p0 =	sne.s32 s2, $0x0  }
0x1df: {  	s3 =	rddreg [dreg:$0x2];
	[bflag:$0x3] =	sbarrier.arrive $0xFFFF;
	s2 =	simm.s32 @!p0 $0x1C02  }
0x1e0: {  	[timem:s3], [sflag:s2] =	dma.local @!p0 [hbm:s0], s1  }
0x1e1: {  	s0 =	simm.s32 @!p0 $0x2  }
0x1e2: {  	_ =	swait.ge @!p0 [sflag:s0], s1  }
0x1e3: {  	s1 =	ssub.s32 @!p0 $0x0, s1;
	[sflag:s0] =	ssyncset.done @!p0 $0x0  }
0x1e4: {  	[sflag:s0] =	ssyncadd.s32 @!p0 s1  }
0x1e5: {  	[bflag:$0x3] =	sbarrier.arrive $0xFFFF  }
0x1e6: {  	_ =	shalt  }

</sc_bundles>
